<compile_context>
chip_gen: v7x
topology: tpu7x:2x2x1
jax: 0.10.2.dev20260603
libtpu: 0.0.44.dev20260713+nightly
codegen_flags: <defaults>
</compile_context>

<pallas_src>
import functools

import jax
import jax.numpy as jnp
from jax import lax
from jax.experimental import pallas as pl
from jax.experimental.pallas import tpu as pltpu
from jax.experimental.pallas import tpu_sc as plsc

MEM_ROWS = 100000
HID = 512
NLAB = 128
BATCH_N = 16384
MIX = 0.5

NCORE = 2
NSUB = 16
LANES = 16
NWORK = NCORE * NSUB
ROWS_PER_W = BATCH_N // NWORK
WIN = 128
CHUNK = 8192

_mesh = plsc.VectorSubcoreMesh(core_axis_name="c", subcore_axis_name="s")


JPT = BATCH_N // NSUB
VPT = JPT // LANES
MEM_PAD = 100096
ZSTRIPE = MEM_PAD // NSUB


@functools.partial(
    pl.kernel,
    mesh=_mesh,
    out_type=jax.ShapeDtypeStruct((BATCH_N,), jnp.int32),
    scratch_types=[
        pltpu.VMEM((MEM_ROWS,), jnp.int32),
        pltpu.VMEM((JPT,), jnp.int32),
        pltpu.VMEM((JPT,), jnp.int32),
        pltpu.VMEM((JPT,), jnp.int32),
        pltpu.VMEM((8, 128), jnp.int32),
        pltpu.VMEM((ZSTRIPE,), jnp.int32),
        pltpu.VMEM_SHARED((MEM_PAD,), jnp.int32),
        pltpu.VMEM_SHARED((MEM_PAD,), jnp.int32),
    ],
    compiler_params=pltpu.CompilerParams(needs_layout_passes=False),
)
def _winner_call(idx_hbm, zero_hbm, w_hbm, aux, ibuf, vbuf, bbuf, iw2, zbuf, bits, wj):
    c = lax.axis_index("c")
    s = lax.axis_index("s")
    lane = lax.iota(jnp.int32, LANES)

    @pl.when(c == 0)
    def _():
        pltpu.sync_copy(zero_hbm.at[pl.ds(s * ZSTRIPE, ZSTRIPE)], zbuf)
        pltpu.sync_copy(zbuf, bits.at[pl.ds(s * ZSTRIPE, ZSTRIPE)])
        pltpu.sync_copy(zbuf, wj.at[pl.ds(s * ZSTRIPE, ZSTRIPE)])

        base = s * JPT
        pltpu.sync_copy(idx_hbm.at[pl.ds(base, JPT)], ibuf)

        def vec_a(v, carry):
            x = ibuf[pl.ds(v * LANES, LANES)]
            j = lane + (base + v * LANES)
            plsc.store_scatter(aux, [x], j)
            g = plsc.load_gather(aux, [x])
            ndup = jnp.sum((g != j).astype(jnp.int32))

            @pl.when(ndup > 0)
            def _fix():
                for l in range(LANES):
                    plsc.store_scatter(aux, [x], j, mask=lane == l)

            return carry

        lax.fori_loop(0, VPT, vec_a, 0)

        mybit = jnp.left_shift(jnp.int32(1), s)

        def vec_b(v, carry):
            x = ibuf[pl.ds(v * LANES, LANES)]
            j = lane + (base + v * LANES)
            g = plsc.load_gather(aux, [x])
            vbuf[pl.ds(v * LANES, LANES)] = jnp.where(g == j, mybit, 0)
            return carry

        lax.fori_loop(0, VPT, vec_b, 0)
        for k in range(8):
            for m in range(8):
                iw2[k, pl.ds(m * LANES, LANES)] = ibuf[
                    pl.ds(k * 128 + m * LANES, LANES)
                ]
        plsc.subcore_barrier()
        for k in range(8):
            pltpu.sync_copy(
                vbuf.at[pl.ds(k * 128, 128)], bits.at[iw2.at[k]], add=True
            )
        plsc.subcore_barrier()
        pltpu.sync_copy(bits.at[ibuf], bbuf)
        shift = s + 1

        def vec_c(v, carry):
            j = lane + (base + v * LANES)
            winloc = vbuf[pl.ds(v * LANES, LANES)] != 0
            bv = bbuf[pl.ds(v * LANES, LANES)]
            wing = jnp.logical_and(winloc, jnp.right_shift(bv, shift) == 0)
            vbuf[pl.ds(v * LANES, LANES)] = jnp.where(wing, j, 0)
            return carry

        lax.fori_loop(0, VPT, vec_c, 0)
        for k in range(8):
            pltpu.sync_copy(
                vbuf.at[pl.ds(k * 128, 128)], wj.at[iw2.at[k]], add=True
            )
        plsc.subcore_barrier()
        pltpu.sync_copy(wj.at[ibuf], bbuf)
        pltpu.sync_copy(bbuf, w_hbm.at[pl.ds(base, JPT)])


WINA = 64
WINB = 128


def _gather_windows(base, tab_hbm, ind_hbm, out_hbm, win, nwin, ibuf, bufs, sems):
    gsems, osems = sems
    gdesc = [None, None]
    odesc = [None, None]
    for p in range(2):
        pltpu.sync_copy(ind_hbm.at[pl.ds(base + p * win, win)], ibuf.at[p])
        gdesc[p] = pltpu.async_copy(tab_hbm.at[ibuf.at[p]], bufs[p], gsems[p])
    for t in range(nwin):
        p = t % 2
        gdesc[p].wait()
        odesc[p] = pltpu.async_copy(
            bufs[p], out_hbm.at[pl.ds(base + t * win, win)], osems[p]
        )
        if t + 2 < nwin:
            pltpu.sync_copy(
                ind_hbm.at[pl.ds(base + (t + 2) * win, win)], ibuf.at[p]
            )
            odesc[p].wait()
            odesc[p] = None
            gdesc[p] = pltpu.async_copy(tab_hbm.at[ibuf.at[p]], bufs[p], gsems[p])
    for p in range(2):
        if odesc[p] is not None:
            odesc[p].wait()


@functools.partial(
    pl.kernel,
    mesh=_mesh,
    out_type=(
        jax.ShapeDtypeStruct((BATCH_N, HID), jnp.float32),
        jax.ShapeDtypeStruct((BATCH_N, NLAB), jnp.float32),
    ),
    scratch_types=[
        pltpu.VMEM((2, WINA), jnp.int32),
        pltpu.VMEM((2, WINB), jnp.int32),
        pltpu.VMEM((WINA, HID), jnp.float32),
        pltpu.VMEM((WINA, HID), jnp.float32),
        pltpu.VMEM((WINB, NLAB), jnp.float32),
        pltpu.VMEM((WINB, NLAB), jnp.float32),
        pltpu.SemaphoreType.DMA,
        pltpu.SemaphoreType.DMA,
        pltpu.SemaphoreType.DMA,
        pltpu.SemaphoreType.DMA,
    ],
)
def _gather_call(mem_hbm, idx_hbm, vp_hbm, w_hbm, old_hbm, gvp_hbm,
                 iwa, iwb, rows0, rows1, rb0, rb1, sem0, sem1, osem0, osem1):
    c = lax.axis_index("c")
    s = lax.axis_index("s")
    base = (s * NCORE + c) * ROWS_PER_W
    _gather_windows(base, mem_hbm, idx_hbm, old_hbm, WINA, ROWS_PER_W // WINA,
                    iwa, (rows0, rows1), ((sem0, sem1), (osem0, osem1)))
    _gather_windows(base, vp_hbm, w_hbm, gvp_hbm, WINB, ROWS_PER_W // WINB,
                    iwb, (rb0, rb1), ((sem0, sem1), (osem0, osem1)))


_BM1 = 2048


def _mm1_body(x_ref, wv_ref, wt_ref, o_ref, p_scr):
    @pl.when(pl.program_id(0) == 0)
    def _():
        p_scr[...] = jnp.dot(
            wv_ref[...], MIX * wt_ref[...], preferred_element_type=jnp.float32
        )

    o_ref[...] = jnp.dot(x_ref[...], p_scr[...], preferred_element_type=jnp.float32)


def _mm2_body(a_ref, g_ref, w_ref, b_ref, o_ref):
    o_ref[...] = (
        jnp.dot(a_ref[...], MIX * w_ref[...], preferred_element_type=jnp.float32)
        + g_ref[...]
        + b_ref[...]
    )


def kernel(mem, idx, val, W_v, W_tag, b_tag):
    idx32 = idx.astype(jnp.int32)

    valp = pl.pallas_call(
        _mm1_body,
        grid=(BATCH_N // _BM1,),
        in_specs=[
            pl.BlockSpec((_BM1, HID), lambda i: (i, 0)),
            pl.BlockSpec((HID, HID), lambda i: (0, 0)),
            pl.BlockSpec((HID, NLAB), lambda i: (0, 0)),
        ],
        out_specs=pl.BlockSpec((_BM1, NLAB), lambda i: (i, 0)),
        out_shape=jax.ShapeDtypeStruct((BATCH_N, NLAB), jnp.float32),
        scratch_shapes=[pltpu.VMEM((HID, NLAB), jnp.float32)],
    )(val, W_v, W_tag)

    w = _winner_call(idx32, jnp.zeros((MEM_PAD,), jnp.int32))
    old, gvp = _gather_call(mem, idx32, valp, w)

    bias = jnp.reshape(b_tag, (1, NLAB))
    out = pl.pallas_call(
        _mm2_body,
        grid=(BATCH_N // _BM1,),
        in_specs=[
            pl.BlockSpec((_BM1, HID), lambda i: (i, 0)),
            pl.BlockSpec((_BM1, NLAB), lambda i: (i, 0)),
            pl.BlockSpec((HID, NLAB), lambda i: (0, 0)),
            pl.BlockSpec((1, NLAB), lambda i: (0, 0)),
        ],
        out_specs=pl.BlockSpec((_BM1, NLAB), lambda i: (i, 0)),
        out_shape=jax.ShapeDtypeStruct((BATCH_N, NLAB), jnp.float32),
    )(old, gvp, W_tag, bias)
    return out

# --- scband reference (transcript-rebuilt; emitter-appended) ---
"""Pipeline reference for scband-word-sequence-2628519985197 (READ-ONLY COPY).

The authoritative reference and input builder live on the scoring server;
editing this copy changes nothing except your own understanding.
"""

import jax, jax.numpy as jnp
import numpy as np

MEM_SIZE = 100000
HIDDEN = 512
LABELS = 128
BATCH = 16384
ALPHA = 0.5


def setup_inputs(seed: int = 0) -> dict:
    key = jax.random.key(seed)
    k1, k2, k3, k4, k5 = jax.random.split(key, 5)
    mem = jax.random.normal(k1, (MEM_SIZE, HIDDEN), dtype=jnp.float32)
    idx = jax.random.randint(k2, (BATCH,), 0, MEM_SIZE, dtype=jnp.int64)
    val = jax.random.normal(k3, (BATCH, HIDDEN), dtype=jnp.float32)
    # learned parameters (write projection + mem2tag head, per WordSequence.mem2tag)
    W_v = jax.random.normal(k4, (HIDDEN, HIDDEN), dtype=jnp.float32) * 0.02
    W_tag = jax.random.normal(k5, (HIDDEN, LABELS), dtype=jnp.float32) * 0.02
    b_tag = jnp.zeros((LABELS,), dtype=jnp.float32)
    return {"mem": mem, "idx": idx, "val": val, "W_v": W_v, "W_tag": W_tag, "b_tag": b_tag}


def reference(mem, idx, val, W_v, W_tag, b_tag):
    # MemoryBank core: project incoming hidden states, interpolate into the bank
    # (mem_bank.update with mem_alpha), then read back document-level context and
    # project to label space (mem2tag).
    write = val @ W_v                                   # (B, H) write projection
    old = jnp.take(mem, idx, axis=0)                    # gather current memory rows
    new_rows = ALPHA * old + (1.0 - ALPHA) * write      # interpolated update
    new_mem = mem.at[idx].set(new_rows)                 # scatter-overwrite memory bank
    read = jnp.take(new_mem, idx, axis=0)               # gather document context
    out = read @ W_tag + b_tag                          # mem2tag emission scores
    return out

if __name__ == "__main__":
    import jax
    _d = setup_inputs()
    print(jax.jit(kernel)(*tuple(_d.values())))

</pallas_src>

<mosaic_0001>
#map = affine_map<(d0, d1) -> (0, 0)>
#map1 = affine_map<(d0, d1) -> (0)>
module attributes {stable_mosaic.version = 14 : i64} {
  func.func @_gather_call(%arg0: i32, %arg1: i32, %arg2: memref<100000x512xf32, #tpu.memory_space<hbm>>, %arg3: memref<16384xi32, #tpu.memory_space<hbm>>, %arg4: memref<16384x128xf32, #tpu.memory_space<hbm>>, %arg5: memref<16384xi32, #tpu.memory_space<hbm>>, %arg6: memref<16384x512xf32, #tpu.memory_space<hbm>>, %arg7: memref<16384x128xf32, #tpu.memory_space<hbm>>, %arg8: memref<2x64xi32, #tpu.memory_space<vmem>>, %arg9: memref<2x128xi32, #tpu.memory_space<vmem>>, %arg10: memref<64x512xf32, #tpu.memory_space<vmem>>, %arg11: memref<64x512xf32, #tpu.memory_space<vmem>>, %arg12: memref<128x128xf32, #tpu.memory_space<vmem>>, %arg13: memref<128x128xf32, #tpu.memory_space<vmem>>, %arg14: memref<!tpu.dma_semaphore, #tpu.memory_space<semaphore_mem>>, %arg15: memref<!tpu.dma_semaphore, #tpu.memory_space<semaphore_mem>>, %arg16: memref<!tpu.dma_semaphore, #tpu.memory_space<semaphore_mem>>, %arg17: memref<!tpu.dma_semaphore, #tpu.memory_space<semaphore_mem>>) attributes {dimension_semantics = [#tpu.dimension_semantics<core_parallel>, #tpu.dimension_semantics<subcore_parallel>], iteration_bounds = array<i64: 2, 16>, scalar_prefetch = 0 : i64, scratch_operands = 10 : i64, tpu.core_type = #tpu.core_type<sc_vector_subcore>, window_params = [{transform_indices = #map}, {transform_indices = #map1}, {transform_indices = #map}, {transform_indices = #map1}, {transform_indices = #map}, {transform_indices = #map}]} {
    %mul3A = arith.constant 2 : i32
    %mul3A_0 = arith.muli %arg1, %mul3A : i32
    %add3A = arith.addi %mul3A_0, %arg0 : i32
    %mul3A_1 = arith.constant 512 : i32
    %mul3A_2 = arith.muli %add3A, %mul3A_1 : i32
    %add3A_3 = arith.constant 0 : i32
    %add3A_4 = arith.addi %mul3A_2, %add3A_3 : i32
    %run_scoped3A = arith.constant 0 : i32
    "tpu.region"() ({
      %run_scoped3A_324 = tpu.sem_alloc : memref<!tpu.dma_semaphore, #tpu.memory_space<semaphore_mem>>
      %dma_start3A_325 = arith.constant 0 : i32
      %dma_start3A_326 = tpu.memref_slice %arg8[%run_scoped3A, %dma_start3A_325] : memref<2x64xi32, #tpu.memory_space<vmem>> -> memref<1x64xi32, #tpu.memory_space<vmem>>
      %dma_start3A_327 = tpu.memref_squeeze %dma_start3A_326 : memref<1x64xi32, #tpu.memory_space<vmem>> -> memref<64xi32, #tpu.memory_space<vmem>>
      %dma_start3A_328 = tpu.memref_slice %arg3[%add3A_4] : memref<16384xi32, #tpu.memory_space<hbm>> -> memref<64xi32, #tpu.memory_space<hbm>>
      %dma_start3A_329 = arith.constant 0 : i32
      %dma_start3A_330 = tpu.memref_slice %arg8[%run_scoped3A, %dma_start3A_329] : memref<2x64xi32, #tpu.memory_space<vmem>> -> memref<1x64xi32, #tpu.memory_space<vmem>>
      %dma_start3A_331 = tpu.memref_squeeze %dma_start3A_330 : memref<1x64xi32, #tpu.memory_space<vmem>> -> memref<64xi32, #tpu.memory_space<vmem>>
      %dma_start3A_332 = tpu.memref_slice %arg3[%add3A_4] : memref<16384xi32, #tpu.memory_space<hbm>> -> memref<64xi32, #tpu.memory_space<hbm>>
      tpu.enqueue_dma source(%dma_start3A_332 : memref<64xi32, #tpu.memory_space<hbm>>) target(%dma_start3A_331 : memref<64xi32, #tpu.memory_space<vmem>>) target_semaphore(%run_scoped3A_324 : memref<!tpu.dma_semaphore, #tpu.memory_space<semaphore_mem>>)
      %dma_wait3A_333 = arith.constant 0 : i32
      %dma_wait3A_334 = tpu.memref_slice %arg8[%run_scoped3A, %dma_wait3A_333] : memref<2x64xi32, #tpu.memory_space<vmem>> -> memref<1x64xi32, #tpu.memory_space<vmem>>
      %dma_wait3A_335 = tpu.memref_squeeze %dma_wait3A_334 : memref<1x64xi32, #tpu.memory_space<vmem>> -> memref<64xi32, #tpu.memory_space<vmem>>
      %dma_wait3A_336 = tpu.memref_slice %arg3[%add3A_4] : memref<16384xi32, #tpu.memory_space<hbm>> -> memref<64xi32, #tpu.memory_space<hbm>>
      %dma_wait3A_337 = arith.constant 0 : i32
      %dma_wait3A_338 = tpu.memref_slice %arg8[%run_scoped3A, %dma_wait3A_337] : memref<2x64xi32, #tpu.memory_space<vmem>> -> memref<1x64xi32, #tpu.memory_space<vmem>>
      %dma_wait3A_339 = tpu.memref_squeeze %dma_wait3A_338 : memref<1x64xi32, #tpu.memory_space<vmem>> -> memref<64xi32, #tpu.memory_space<vmem>>
      %dma_wait3A_340 = tpu.memref_slice %arg3[%add3A_4] : memref<16384xi32, #tpu.memory_space<hbm>> -> memref<64xi32, #tpu.memory_space<hbm>>
      tpu.wait_dma2 semaphore(%run_scoped3A_324 : memref<!tpu.dma_semaphore, #tpu.memory_space<semaphore_mem>>) src(%dma_wait3A_340 : memref<64xi32, #tpu.memory_space<hbm>>) dst(%dma_wait3A_339 : memref<64xi32, #tpu.memory_space<vmem>>)
      tpu.yield
    }) : () -> ()
    %dma_start3A = arith.constant 0 : i32
    %dma_start3A_5 = arith.constant 0 : i32
    %dma_start3A_6 = tpu.memref_slice %arg8[%dma_start3A, %dma_start3A_5] : memref<2x64xi32, #tpu.memory_space<vmem>> -> memref<1x64xi32, #tpu.memory_space<vmem>>
    %dma_start3A_7 = tpu.memref_squeeze %dma_start3A_6 : memref<1x64xi32, #tpu.memory_space<vmem>> -> memref<64xi32, #tpu.memory_space<vmem>>
    %dma_start3A_8 = arith.constant 0 : i32
    %dma_start3A_9 = arith.constant 0 : i32
    %dma_start3A_10 = tpu.memref_slice %arg2[%dma_start3A_8, %dma_start3A_9] : memref<100000x512xf32, #tpu.memory_space<hbm>> -> memref<100000x512xf32, #tpu.memory_space<hbm>>
    tpu.enqueue_indirect_dma source(%dma_start3A_10 : memref<100000x512xf32, #tpu.memory_space<hbm>>) target(%arg10 : memref<64x512xf32, #tpu.memory_space<vmem>>) offsets(%dma_start3A_7 : memref<64xi32, #tpu.memory_space<vmem>>) semaphore(%arg14 : memref<!tpu.dma_semaphore, #tpu.memory_space<semaphore_mem>>)
    %add3A_11 = arith.constant 64 : i32
    %add3A_12 = arith.addi %mul3A_2, %add3A_11 : i32
    %run_scoped3A_13 = arith.constant 1 : i32
    "tpu.region"() ({
      %run_scoped3A_324 = tpu.sem_alloc : memref<!tpu.dma_semaphore, #tpu.memory_space<semaphore_mem>>
      %dma_start3A_325 = arith.constant 0 : i32
      %dma_start3A_326 = tpu.memref_slice %arg8[%run_scoped3A_13, %dma_start3A_325] : memref<2x64xi32, #tpu.memory_space<vmem>> -> memref<1x64xi32, #tpu.memory_space<vmem>>
      %dma_start3A_327 = tpu.memref_squeeze %dma_start3A_326 : memref<1x64xi32, #tpu.memory_space<vmem>> -> memref<64xi32, #tpu.memory_space<vmem>>
      %dma_start3A_328 = tpu.memref_slice %arg3[%add3A_12] : memref<16384xi32, #tpu.memory_space<hbm>> -> memref<64xi32, #tpu.memory_space<hbm>>
      %dma_start3A_329 = arith.constant 0 : i32
      %dma_start3A_330 = tpu.memref_slice %arg8[%run_scoped3A_13, %dma_start3A_329] : memref<2x64xi32, #tpu.memory_space<vmem>> -> memref<1x64xi32, #tpu.memory_space<vmem>>
      %dma_start3A_331 = tpu.memref_squeeze %dma_start3A_330 : memref<1x64xi32, #tpu.memory_space<vmem>> -> memref<64xi32, #tpu.memory_space<vmem>>
      %dma_start3A_332 = tpu.memref_slice %arg3[%add3A_12] : memref<16384xi32, #tpu.memory_space<hbm>> -> memref<64xi32, #tpu.memory_space<hbm>>
      tpu.enqueue_dma source(%dma_start3A_332 : memref<64xi32, #tpu.memory_space<hbm>>) target(%dma_start3A_331 : memref<64xi32, #tpu.memory_space<vmem>>) target_semaphore(%run_scoped3A_324 : memref<!tpu.dma_semaphore, #tpu.memory_space<semaphore_mem>>)
      %dma_wait3A_333 = arith.constant 0 : i32
      %dma_wait3A_334 = tpu.memref_slice %arg8[%run_scoped3A_13, %dma_wait3A_333] : memref<2x64xi32, #tpu.memory_space<vmem>> -> memref<1x64xi32, #tpu.memory_space<vmem>>
      %dma_wait3A_335 = tpu.memref_squeeze %dma_wait3A_334 : memref<1x64xi32, #tpu.memory_space<vmem>> -> memref<64xi32, #tpu.memory_space<vmem>>
      %dma_wait3A_336 = tpu.memref_slice %arg3[%add3A_12] : memref<16384xi32, #tpu.memory_space<hbm>> -> memref<64xi32, #tpu.memory_space<hbm>>
      %dma_wait3A_337 = arith.constant 0 : i32
      %dma_wait3A_338 = tpu.memref_slice %arg8[%run_scoped3A_13, %dma_wait3A_337] : memref<2x64xi32, #tpu.memory_space<vmem>> -> memref<1x64xi32, #tpu.memory_space<vmem>>
      %dma_wait3A_339 = tpu.memref_squeeze %dma_wait3A_338 : memref<1x64xi32, #tpu.memory_space<vmem>> -> memref<64xi32, #tpu.memory_space<vmem>>
      %dma_wait3A_340 = tpu.memref_slice %arg3[%add3A_12] : memref<16384xi32, #tpu.memory_space<hbm>> -> memref<64xi32, #tpu.memory_space<hbm>>
      tpu.wait_dma2 semaphore(%run_scoped3A_324 : memref<!tpu.dma_semaphore, #tpu.memory_space<semaphore_mem>>) src(%dma_wait3A_340 : memref<64xi32, #tpu.memory_space<hbm>>) dst(%dma_wait3A_339 : memref<64xi32, #tpu.memory_space<vmem>>)
      tpu.yield
    }) : () -> ()
    %dma_start3A_14 = arith.constant 1 : i32
    %dma_start3A_15 = arith.constant 0 : i32
    %dma_start3A_16 = tpu.memref_slice %arg8[%dma_start3A_14, %dma_start3A_15] : memref<2x64xi32, #tpu.memory_space<vmem>> -> memref<1x64xi32, #tpu.memory_space<vmem>>
    %dma_start3A_17 = tpu.memref_squeeze %dma_start3A_16 : memref<1x64xi32, #tpu.memory_space<vmem>> -> memref<64xi32, #tpu.memory_space<vmem>>
    %dma_start3A_18 = arith.constant 0 : i32
    %dma_start3A_19 = arith.constant 0 : i32
    %dma_start3A_20 = tpu.memref_slice %arg2[%dma_start3A_18, %dma_start3A_19] : memref<100000x512xf32, #tpu.memory_space<hbm>> -> memref<100000x512xf32, #tpu.memory_space<hbm>>
    tpu.enqueue_indirect_dma source(%dma_start3A_20 : memref<100000x512xf32, #tpu.memory_space<hbm>>) target(%arg11 : memref<64x512xf32, #tpu.memory_space<vmem>>) offsets(%dma_start3A_17 : memref<64xi32, #tpu.memory_space<vmem>>) semaphore(%arg15 : memref<!tpu.dma_semaphore, #tpu.memory_space<semaphore_mem>>)
    %dma_wait3A = arith.constant 0 : i32
    %dma_wait3A_21 = arith.constant 0 : i32
    %dma_wait3A_22 = tpu.memref_slice %arg8[%dma_wait3A, %dma_wait3A_21] : memref<2x64xi32, #tpu.memory_space<vmem>> -> memref<1x64xi32, #tpu.memory_space<vmem>>
    %dma_wait3A_23 = tpu.memref_squeeze %dma_wait3A_22 : memref<1x64xi32, #tpu.memory_space<vmem>> -> memref<64xi32, #tpu.memory_space<vmem>>
    %dma_wait3A_24 = arith.constant 0 : i32
    %dma_wait3A_25 = arith.constant 0 : i32
    %dma_wait3A_26 = tpu.memref_slice %arg2[%dma_wait3A_24, %dma_wait3A_25] : memref<100000x512xf32, #tpu.memory_space<hbm>> -> memref<100000x512xf32, #tpu.memory_space<hbm>>
    tpu.wait_indirect_dma semaphore(%arg14 : memref<!tpu.dma_semaphore, #tpu.memory_space<semaphore_mem>>) src(%dma_wait3A_26 : memref<100000x512xf32, #tpu.memory_space<hbm>>) dst(%arg10 : memref<64x512xf32, #tpu.memory_space<vmem>>)
    %add3A_27 = arith.constant 0 : i32
    %add3A_28 = arith.addi %mul3A_2, %add3A_27 : i32
    %dma_start3A_29 = arith.constant 0 : i32
    %dma_start3A_30 = tpu.memref_slice %arg6[%add3A_28, %dma_start3A_29] : memref<16384x512xf32, #tpu.memory_space<hbm>> -> memref<64x512xf32, #tpu.memory_space<hbm>>
    %dma_start3A_31 = arith.constant 0 : i32
    %dma_start3A_32 = tpu.memref_slice %arg6[%add3A_28, %dma_start3A_31] : memref<16384x512xf32, #tpu.memory_space<hbm>> -> memref<64x512xf32, #tpu.memory_space<hbm>>
    tpu.enqueue_dma source(%arg10 : memref<64x512xf32, #tpu.memory_space<vmem>>) target(%dma_start3A_32 : memref<64x512xf32, #tpu.memory_space<hbm>>) target_semaphore(%arg16 : memref<!tpu.dma_semaphore, #tpu.memory_space<semaphore_mem>>)
    %add3A_33 = arith.constant 128 : i32
    %add3A_34 = arith.addi %mul3A_2, %add3A_33 : i32
    %run_scoped3A_35 = arith.constant 0 : i32
    "tpu.region"() ({
      %run_scoped3A_324 = tpu.sem_alloc : memref<!tpu.dma_semaphore, #tpu.memory_space<semaphore_mem>>
      %dma_start3A_325 = arith.constant 0 : i32
      %dma_start3A_326 = tpu.memref_slice %arg8[%run_scoped3A_35, %dma_start3A_325] : memref<2x64xi32, #tpu.memory_space<vmem>> -> memref<1x64xi32, #tpu.memory_space<vmem>>
      %dma_start3A_327 = tpu.memref_squeeze %dma_start3A_326 : memref<1x64xi32, #tpu.memory_space<vmem>> -> memref<64xi32, #tpu.memory_space<vmem>>
      %dma_start3A_328 = tpu.memref_slice %arg3[%add3A_34] : memref<16384xi32, #tpu.memory_space<hbm>> -> memref<64xi32, #tpu.memory_space<hbm>>
      %dma_start3A_329 = arith.constant 0 : i32
      %dma_start3A_330 = tpu.memref_slice %arg8[%run_scoped3A_35, %dma_start3A_329] : memref<2x64xi32, #tpu.memory_space<vmem>> -> memref<1x64xi32, #tpu.memory_space<vmem>>
      %dma_start3A_331 = tpu.memref_squeeze %dma_start3A_330 : memref<1x64xi32, #tpu.memory_space<vmem>> -> memref<64xi32, #tpu.memory_space<vmem>>
      %dma_start3A_332 = tpu.memref_slice %arg3[%add3A_34] : memref<16384xi32, #tpu.memory_space<hbm>> -> memref<64xi32, #tpu.memory_space<hbm>>
      tpu.enqueue_dma source(%dma_start3A_332 : memref<64xi32, #tpu.memory_space<hbm>>) target(%dma_start3A_331 : memref<64xi32, #tpu.memory_space<vmem>>) target_semaphore(%run_scoped3A_324 : memref<!tpu.dma_semaphore, #tpu.memory_space<semaphore_mem>>)
      %dma_wait3A_333 = arith.constant 0 : i32
      %dma_wait3A_334 = tpu.memref_slice %arg8[%run_scoped3A_35, %dma_wait3A_333] : memref<2x64xi32, #tpu.memory_space<vmem>> -> memref<1x64xi32, #tpu.memory_space<vmem>>
      %dma_wait3A_335 = tpu.memref_squeeze %dma_wait3A_334 : memref<1x64xi32, #tpu.memory_space<vmem>> -> memref<64xi32, #tpu.memory_space<vmem>>
      %dma_wait3A_336 = tpu.memref_slice %arg3[%add3A_34] : memref<16384xi32, #tpu.memory_space<hbm>> -> memref<64xi32, #tpu.memory_space<hbm>>
      %dma_wait3A_337 = arith.constant 0 : i32
      %dma_wait3A_338 = tpu.memref_slice %arg8[%run_scoped3A_35, %dma_wait3A_337] : memref<2x64xi32, #tpu.memory_space<vmem>> -> memref<1x64xi32, #tpu.memory_space<vmem>>
      %dma_wait3A_339 = tpu.memref_squeeze %dma_wait3A_338 : memref<1x64xi32, #tpu.memory_space<vmem>> -> memref<64xi32, #tpu.memory_space<vmem>>
      %dma_wait3A_340 = tpu.memref_slice %arg3[%add3A_34] : memref<16384xi32, #tpu.memory_space<hbm>> -> memref<64xi32, #tpu.memory_space<hbm>>
      tpu.wait_dma2 semaphore(%run_scoped3A_324 : memref<!tpu.dma_semaphore, #tpu.memory_space<semaphore_mem>>) src(%dma_wait3A_340 : memref<64xi32, #tpu.memory_space<hbm>>) dst(%dma_wait3A_339 : memref<64xi32, #tpu.memory_space<vmem>>)
      tpu.yield
    }) : () -> ()
    %dma_wait3A_36 = arith.constant 0 : i32
    %dma_wait3A_37 = tpu.memref_slice %arg6[%add3A_28, %dma_wait3A_36] : memref<16384x512xf32, #tpu.memory_space<hbm>> -> memref<64x512xf32, #tpu.memory_space<hbm>>
    %dma_wait3A_38 = arith.constant 0 : i32
    %dma_wait3A_39 = tpu.memref_slice %arg6[%add3A_28, %dma_wait3A_38] : memref<16384x512xf32, #tpu.memory_space<hbm>> -> memref<64x512xf32, #tpu.memory_space<hbm>>
    tpu.wait_dma2 semaphore(%arg16 : memref<!tpu.dma_semaphore, #tpu.memory_space<semaphore_mem>>) src(%arg10 : memref<64x512xf32, #tpu.memory_space<vmem>>) dst(%dma_wait3A_39 : memref<64x512xf32, #tpu.memory_space<hbm>>)
    %dma_start3A_40 = arith.constant 0 : i32
    %dma_start3A_41 = arith.constant 0 : i32
    %dma_start3A_42 = tpu.memref_slice %arg8[%dma_start3A_40, %dma_start3A_41] : memref<2x64xi32, #tpu.memory_space<vmem>> -> memref<1x64xi32, #tpu.memory_space<vmem>>
    %dma_start3A_43 = tpu.memref_squeeze %dma_start3A_42 : memref<1x64xi32, #tpu.memory_space<vmem>> -> memref<64xi32, #tpu.memory_space<vmem>>
    %dma_start3A_44 = arith.constant 0 : i32
    %dma_start3A_45 = arith.constant 0 : i32
    %dma_start3A_46 = tpu.memref_slice %arg2[%dma_start3A_44, %dma_start3A_45] : memref<100000x512xf32, #tpu.memory_space<hbm>> -> memref<100000x512xf32, #tpu.memory_space<hbm>>
    tpu.enqueue_indirect_dma source(%dma_start3A_46 : memref<100000x512xf32, #tpu.memory_space<hbm>>) target(%arg10 : memref<64x512xf32, #tpu.memory_space<vmem>>) offsets(%dma_start3A_43 : memref<64xi32, #tpu.memory_space<vmem>>) semaphore(%arg14 : memref<!tpu.dma_semaphore, #tpu.memory_space<semaphore_mem>>)
    %dma_wait3A_47 = arith.constant 1 : i32
    %dma_wait3A_48 = arith.constant 0 : i32
    %dma_wait3A_49 = tpu.memref_slice %arg8[%dma_wait3A_47, %dma_wait3A_48] : memref<2x64xi32, #tpu.memory_space<vmem>> -> memref<1x64xi32, #tpu.memory_space<vmem>>
    %dma_wait3A_50 = tpu.memref_squeeze %dma_wait3A_49 : memref<1x64xi32, #tpu.memory_space<vmem>> -> memref<64xi32, #tpu.memory_space<vmem>>
    %dma_wait3A_51 = arith.constant 0 : i32
    %dma_wait3A_52 = arith.constant 0 : i32
    %dma_wait3A_53 = tpu.memref_slice %arg2[%dma_wait3A_51, %dma_wait3A_52] : memref<100000x512xf32, #tpu.memory_space<hbm>> -> memref<100000x512xf32, #tpu.memory_space<hbm>>
    tpu.wait_indirect_dma semaphore(%arg15 : memref<!tpu.dma_semaphore, #tpu.memory_space<semaphore_mem>>) src(%dma_wait3A_53 : memref<100000x512xf32, #tpu.memory_space<hbm>>) dst(%arg11 : memref<64x512xf32, #tpu.memory_space<vmem>>)
    %add3A_54 = arith.constant 64 : i32
    %add3A_55 = arith.addi %mul3A_2, %add3A_54 : i32
    %dma_start3A_56 = arith.constant 0 : i32
    %dma_start3A_57 = tpu.memref_slice %arg6[%add3A_55, %dma_start3A_56] : memref<16384x512xf32, #tpu.memory_space<hbm>> -> memref<64x512xf32, #tpu.memory_space<hbm>>
    %dma_start3A_58 = arith.constant 0 : i32
    %dma_start3A_59 = tpu.memref_slice %arg6[%add3A_55, %dma_start3A_58] : memref<16384x512xf32, #tpu.memory_space<hbm>> -> memref<64x512xf32, #tpu.memory_space<hbm>>
    tpu.enqueue_dma source(%arg11 : memref<64x512xf32, #tpu.memory_space<vmem>>) target(%dma_start3A_59 : memref<64x512xf32, #tpu.memory_space<hbm>>) target_semaphore(%arg17 : memref<!tpu.dma_semaphore, #tpu.memory_space<semaphore_mem>>)
    %add3A_60 = arith.constant 192 : i32
    %add3A_61 = arith.addi %mul3A_2, %add3A_60 : i32
    %run_scoped3A_62 = arith.constant 1 : i32
    "tpu.region"() ({
      %run_scoped3A_324 = tpu.sem_alloc : memref<!tpu.dma_semaphore, #tpu.memory_space<semaphore_mem>>
      %dma_start3A_325 = arith.constant 0 : i32
      %dma_start3A_326 = tpu.memref_slice %arg8[%run_scoped3A_62, %dma_start3A_325] : memref<2x64xi32, #tpu.memory_space<vmem>> -> memref<1x64xi32, #tpu.memory_space<vmem>>
      %dma_start3A_327 = tpu.memref_squeeze %dma_start3A_326 : memref<1x64xi32, #tpu.memory_space<vmem>> -> memref<64xi32, #tpu.memory_space<vmem>>
      %dma_start3A_328 = tpu.memref_slice %arg3[%add3A_61] : memref<16384xi32, #tpu.memory_space<hbm>> -> memref<64xi32, #tpu.memory_space<hbm>>
      %dma_start3A_329 = arith.constant 0 : i32
      %dma_start3A_330 = tpu.memref_slice %arg8[%run_scoped3A_62, %dma_start3A_329] : memref<2x64xi32, #tpu.memory_space<vmem>> -> memref<1x64xi32, #tpu.memory_space<vmem>>
      %dma_start3A_331 = tpu.memref_squeeze %dma_start3A_330 : memref<1x64xi32, #tpu.memory_space<vmem>> -> memref<64xi32, #tpu.memory_space<vmem>>
      %dma_start3A_332 = tpu.memref_slice %arg3[%add3A_61] : memref<16384xi32, #tpu.memory_space<hbm>> -> memref<64xi32, #tpu.memory_space<hbm>>
      tpu.enqueue_dma source(%dma_start3A_332 : memref<64xi32, #tpu.memory_space<hbm>>) target(%dma_start3A_331 : memref<64xi32, #tpu.memory_space<vmem>>) target_semaphore(%run_scoped3A_324 : memref<!tpu.dma_semaphore, #tpu.memory_space<semaphore_mem>>)
      %dma_wait3A_333 = arith.constant 0 : i32
      %dma_wait3A_334 = tpu.memref_slice %arg8[%run_scoped3A_62, %dma_wait3A_333] : memref<2x64xi32, #tpu.memory_space<vmem>> -> memref<1x64xi32, #tpu.memory_space<vmem>>
      %dma_wait3A_335 = tpu.memref_squeeze %dma_wait3A_334 : memref<1x64xi32, #tpu.memory_space<vmem>> -> memref<64xi32, #tpu.memory_space<vmem>>
      %dma_wait3A_336 = tpu.memref_slice %arg3[%add3A_61] : memref<16384xi32, #tpu.memory_space<hbm>> -> memref<64xi32, #tpu.memory_space<hbm>>
      %dma_wait3A_337 = arith.constant 0 : i32
      %dma_wait3A_338 = tpu.memref_slice %arg8[%run_scoped3A_62, %dma_wait3A_337] : memref<2x64xi32, #tpu.memory_space<vmem>> -> memref<1x64xi32, #tpu.memory_space<vmem>>
      %dma_wait3A_339 = tpu.memref_squeeze %dma_wait3A_338 : memref<1x64xi32, #tpu.memory_space<vmem>> -> memref<64xi32, #tpu.memory_space<vmem>>
      %dma_wait3A_340 = tpu.memref_slice %arg3[%add3A_61] : memref<16384xi32, #tpu.memory_space<hbm>> -> memref<64xi32, #tpu.memory_space<hbm>>
      tpu.wait_dma2 semaphore(%run_scoped3A_324 : memref<!tpu.dma_semaphore, #tpu.memory_space<semaphore_mem>>) src(%dma_wait3A_340 : memref<64xi32, #tpu.memory_space<hbm>>) dst(%dma_wait3A_339 : memref<64xi32, #tpu.memory_space<vmem>>)
      tpu.yield
    }) : () -> ()
    %dma_wait3A_63 = arith.constant 0 : i32
    %dma_wait3A_64 = tpu.memref_slice %arg6[%add3A_55, %dma_wait3A_63] : memref<16384x512xf32, #tpu.memory_space<hbm>> -> memref<64x512xf32, #tpu.memory_space<hbm>>
    %dma_wait3A_65 = arith.constant 0 : i32
    %dma_wait3A_66 = tpu.memref_slice %arg6[%add3A_55, %dma_wait3A_65] : memref<16384x512xf32, #tpu.memory_space<hbm>> -> memref<64x512xf32, #tpu.memory_space<hbm>>
    tpu.wait_dma2 semaphore(%arg17 : memref<!tpu.dma_semaphore, #tpu.memory_space<semaphore_mem>>) src(%arg11 : memref<64x512xf32, #tpu.memory_space<vmem>>) dst(%dma_wait3A_66 : memref<64x512xf32, #tpu.memory_space<hbm>>)
    %dma_start3A_67 = arith.constant 1 : i32
    %dma_start3A_68 = arith.constant 0 : i32
    %dma_start3A_69 = tpu.memref_slice %arg8[%dma_start3A_67, %dma_start3A_68] : memref<2x64xi32, #tpu.memory_space<vmem>> -> memref<1x64xi32, #tpu.memory_space<vmem>>
    %dma_start3A_70 = tpu.memref_squeeze %dma_start3A_69 : memref<1x64xi32, #tpu.memory_space<vmem>> -> memref<64xi32, #tpu.memory_space<vmem>>
    %dma_start3A_71 = arith.constant 0 : i32
    %dma_start3A_72 = arith.constant 0 : i32
    %dma_start3A_73 = tpu.memref_slice %arg2[%dma_start3A_71, %dma_start3A_72] : memref<100000x512xf32, #tpu.memory_space<hbm>> -> memref<100000x512xf32, #tpu.memory_space<hbm>>
    tpu.enqueue_indirect_dma source(%dma_start3A_73 : memref<100000x512xf32, #tpu.memory_space<hbm>>) target(%arg11 : memref<64x512xf32, #tpu.memory_space<vmem>>) offsets(%dma_start3A_70 : memref<64xi32, #tpu.memory_space<vmem>>) semaphore(%arg15 : memref<!tpu.dma_semaphore, #tpu.memory_space<semaphore_mem>>)
    %dma_wait3A_74 = arith.constant 0 : i32
    %dma_wait3A_75 = arith.constant 0 : i32
    %dma_wait3A_76 = tpu.memref_slice %arg8[%dma_wait3A_74, %dma_wait3A_75] : memref<2x64xi32, #tpu.memory_space<vmem>> -> memref<1x64xi32, #tpu.memory_space<vmem>>
    %dma_wait3A_77 = tpu.memref_squeeze %dma_wait3A_76 : memref<1x64xi32, #tpu.memory_space<vmem>> -> memref<64xi32, #tpu.memory_space<vmem>>
    %dma_wait3A_78 = arith.constant 0 : i32
    %dma_wait3A_79 = arith.constant 0 : i32
    %dma_wait3A_80 = tpu.memref_slice %arg2[%dma_wait3A_78, %dma_wait3A_79] : memref<100000x512xf32, #tpu.memory_space<hbm>> -> memref<100000x512xf32, #tpu.memory_space<hbm>>
    tpu.wait_indirect_dma semaphore(%arg14 : memref<!tpu.dma_semaphore, #tpu.memory_space<semaphore_mem>>) src(%dma_wait3A_80 : memref<100000x512xf32, #tpu.memory_space<hbm>>) dst(%arg10 : memref<64x512xf32, #tpu.memory_space<vmem>>)
    %add3A_81 = arith.constant 128 : i32
    %add3A_82 = arith.addi %mul3A_2, %add3A_81 : i32
    %dma_start3A_83 = arith.constant 0 : i32
    %dma_start3A_84 = tpu.memref_slice %arg6[%add3A_82, %dma_start3A_83] : memref<16384x512xf32, #tpu.memory_space<hbm>> -> memref<64x512xf32, #tpu.memory_space<hbm>>
    %dma_start3A_85 = arith.constant 0 : i32
    %dma_start3A_86 = tpu.memref_slice %arg6[%add3A_82, %dma_start3A_85] : memref<16384x512xf32, #tpu.memory_space<hbm>> -> memref<64x512xf32, #tpu.memory_space<hbm>>
    tpu.enqueue_dma source(%arg10 : memref<64x512xf32, #tpu.memory_space<vmem>>) target(%dma_start3A_86 : memref<64x512xf32, #tpu.memory_space<hbm>>) target_semaphore(%arg16 : memref<!tpu.dma_semaphore, #tpu.memory_space<semaphore_mem>>)
    %add3A_87 = arith.constant 256 : i32
    %add3A_88 = arith.addi %mul3A_2, %add3A_87 : i32
    %run_scoped3A_89 = arith.constant 0 : i32
    "tpu.region"() ({
      %run_scoped3A_324 = tpu.sem_alloc : memref<!tpu.dma_semaphore, #tpu.memory_space<semaphore_mem>>
      %dma_start3A_325 = arith.constant 0 : i32
      %dma_start3A_326 = tpu.memref_slice %arg8[%run_scoped3A_89, %dma_start3A_325] : memref<2x64xi32, #tpu.memory_space<vmem>> -> memref<1x64xi32, #tpu.memory_space<vmem>>
      %dma_start3A_327 = tpu.memref_squeeze %dma_start3A_326 : memref<1x64xi32, #tpu.memory_space<vmem>> -> memref<64xi32, #tpu.memory_space<vmem>>
      %dma_start3A_328 = tpu.memref_slice %arg3[%add3A_88] : memref<16384xi32, #tpu.memory_space<hbm>> -> memref<64xi32, #tpu.memory_space<hbm>>
      %dma_start3A_329 = arith.constant 0 : i32
      %dma_start3A_330 = tpu.memref_slice %arg8[%run_scoped3A_89, %dma_start3A_329] : memref<2x64xi32, #tpu.memory_space<vmem>> -> memref<1x64xi32, #tpu.memory_space<vmem>>
      %dma_start3A_331 = tpu.memref_squeeze %dma_start3A_330 : memref<1x64xi32, #tpu.memory_space<vmem>> -> memref<64xi32, #tpu.memory_space<vmem>>
      %dma_start3A_332 = tpu.memref_slice %arg3[%add3A_88] : memref<16384xi32, #tpu.memory_space<hbm>> -> memref<64xi32, #tpu.memory_space<hbm>>
      tpu.enqueue_dma source(%dma_start3A_332 : memref<64xi32, #tpu.memory_space<hbm>>) target(%dma_start3A_331 : memref<64xi32, #tpu.memory_space<vmem>>) target_semaphore(%run_scoped3A_324 : memref<!tpu.dma_semaphore, #tpu.memory_space<semaphore_mem>>)
      %dma_wait3A_333 = arith.constant 0 : i32
      %dma_wait3A_334 = tpu.memref_slice %arg8[%run_scoped3A_89, %dma_wait3A_333] : memref<2x64xi32, #tpu.memory_space<vmem>> -> memref<1x64xi32, #tpu.memory_space<vmem>>
      %dma_wait3A_335 = tpu.memref_squeeze %dma_wait3A_334 : memref<1x64xi32, #tpu.memory_space<vmem>> -> memref<64xi32, #tpu.memory_space<vmem>>
      %dma_wait3A_336 = tpu.memref_slice %arg3[%add3A_88] : memref<16384xi32, #tpu.memory_space<hbm>> -> memref<64xi32, #tpu.memory_space<hbm>>
      %dma_wait3A_337 = arith.constant 0 : i32
      %dma_wait3A_338 = tpu.memref_slice %arg8[%run_scoped3A_89, %dma_wait3A_337] : memref<2x64xi32, #tpu.memory_space<vmem>> -> memref<1x64xi32, #tpu.memory_space<vmem>>
      %dma_wait3A_339 = tpu.memref_squeeze %dma_wait3A_338 : memref<1x64xi32, #tpu.memory_space<vmem>> -> memref<64xi32, #tpu.memory_space<vmem>>
      %dma_wait3A_340 = tpu.memref_slice %arg3[%add3A_88] : memref<16384xi32, #tpu.memory_space<hbm>> -> memref<64xi32, #tpu.memory_space<hbm>>
      tpu.wait_dma2 semaphore(%run_scoped3A_324 : memref<!tpu.dma_semaphore, #tpu.memory_space<semaphore_mem>>) src(%dma_wait3A_340 : memref<64xi32, #tpu.memory_space<hbm>>) dst(%dma_wait3A_339 : memref<64xi32, #tpu.memory_space<vmem>>)
      tpu.yield
    }) : () -> ()
    %dma_wait3A_90 = arith.constant 0 : i32
    %dma_wait3A_91 = tpu.memref_slice %arg6[%add3A_82, %dma_wait3A_90] : memref<16384x512xf32, #tpu.memory_space<hbm>> -> memref<64x512xf32, #tpu.memory_space<hbm>>
    %dma_wait3A_92 = arith.constant 0 : i32
    %dma_wait3A_93 = tpu.memref_slice %arg6[%add3A_82, %dma_wait3A_92] : memref<16384x512xf32, #tpu.memory_space<hbm>> -> memref<64x512xf32, #tpu.memory_space<hbm>>
    tpu.wait_dma2 semaphore(%arg16 : memref<!tpu.dma_semaphore, #tpu.memory_space<semaphore_mem>>) src(%arg10 : memref<64x512xf32, #tpu.memory_space<vmem>>) dst(%dma_wait3A_93 : memref<64x512xf32, #tpu.memory_space<hbm>>)
    %dma_start3A_94 = arith.constant 0 : i32
    %dma_start3A_95 = arith.constant 0 : i32
    %dma_start3A_96 = tpu.memref_slice %arg8[%dma_start3A_94, %dma_start3A_95] : memref<2x64xi32, #tpu.memory_space<vmem>> -> memref<1x64xi32, #tpu.memory_space<vmem>>
    %dma_start3A_97 = tpu.memref_squeeze %dma_start3A_96 : memref<1x64xi32, #tpu.memory_space<vmem>> -> memref<64xi32, #tpu.memory_space<vmem>>
    %dma_start3A_98 = arith.constant 0 : i32
    %dma_start3A_99 = arith.constant 0 : i32
    %dma_start3A_100 = tpu.memref_slice %arg2[%dma_start3A_98, %dma_start3A_99] : memref<100000x512xf32, #tpu.memory_space<hbm>> -> memref<100000x512xf32, #tpu.memory_space<hbm>>
    tpu.enqueue_indirect_dma source(%dma_start3A_100 : memref<100000x512xf32, #tpu.memory_space<hbm>>) target(%arg10 : memref<64x512xf32, #tpu.memory_space<vmem>>) offsets(%dma_start3A_97 : memref<64xi32, #tpu.memory_space<vmem>>) semaphore(%arg14 : memref<!tpu.dma_semaphore, #tpu.memory_space<semaphore_mem>>)
    %dma_wait3A_101 = arith.constant 1 : i32
    %dma_wait3A_102 = arith.constant 0 : i32
    %dma_wait3A_103 = tpu.memref_slice %arg8[%dma_wait3A_101, %dma_wait3A_102] : memref<2x64xi32, #tpu.memory_space<vmem>> -> memref<1x64xi32, #tpu.memory_space<vmem>>
    %dma_wait3A_104 = tpu.memref_squeeze %dma_wait3A_103 : memref<1x64xi32, #tpu.memory_space<vmem>> -> memref<64xi32, #tpu.memory_space<vmem>>
    %dma_wait3A_105 = arith.constant 0 : i32
    %dma_wait3A_106 = arith.constant 0 : i32
    %dma_wait3A_107 = tpu.memref_slice %arg2[%dma_wait3A_105, %dma_wait3A_106] : memref<100000x512xf32, #tpu.memory_space<hbm>> -> memref<100000x512xf32, #tpu.memory_space<hbm>>
    tpu.wait_indirect_dma semaphore(%arg15 : memref<!tpu.dma_semaphore, #tpu.memory_space<semaphore_mem>>) src(%dma_wait3A_107 : memref<100000x512xf32, #tpu.memory_space<hbm>>) dst(%arg11 : memref<64x512xf32, #tpu.memory_space<vmem>>)
    %add3A_108 = arith.constant 192 : i32
    %add3A_109 = arith.addi %mul3A_2, %add3A_108 : i32
    %dma_start3A_110 = arith.constant 0 : i32
    %dma_start3A_111 = tpu.memref_slice %arg6[%add3A_109, %dma_start3A_110] : memref<16384x512xf32, #tpu.memory_space<hbm>> -> memref<64x512xf32, #tpu.memory_space<hbm>>
    %dma_start3A_112 = arith.constant 0 : i32
    %dma_start3A_113 = tpu.memref_slice %arg6[%add3A_109, %dma_start3A_112] : memref<16384x512xf32, #tpu.memory_space<hbm>> -> memref<64x512xf32, #tpu.memory_space<hbm>>
    tpu.enqueue_dma source(%arg11 : memref<64x512xf32, #tpu.memory_space<vmem>>) target(%dma_start3A_113 : memref<64x512xf32, #tpu.memory_space<hbm>>) target_semaphore(%arg17 : memref<!tpu.dma_semaphore, #tpu.memory_space<semaphore_mem>>)
    %add3A_114 = arith.constant 320 : i32
    %add3A_115 = arith.addi %mul3A_2, %add3A_114 : i32
    %run_scoped3A_116 = arith.constant 1 : i32
    "tpu.region"() ({
      %run_scoped3A_324 = tpu.sem_alloc : memref<!tpu.dma_semaphore, #tpu.memory_space<semaphore_mem>>
      %dma_start3A_325 = arith.constant 0 : i32
      %dma_start3A_326 = tpu.memref_slice %arg8[%run_scoped3A_116, %dma_start3A_325] : memref<2x64xi32, #tpu.memory_space<vmem>> -> memref<1x64xi32, #tpu.memory_space<vmem>>
      %dma_start3A_327 = tpu.memref_squeeze %dma_start3A_326 : memref<1x64xi32, #tpu.memory_space<vmem>> -> memref<64xi32, #tpu.memory_space<vmem>>
      %dma_start3A_328 = tpu.memref_slice %arg3[%add3A_115] : memref<16384xi32, #tpu.memory_space<hbm>> -> memref<64xi32, #tpu.memory_space<hbm>>
      %dma_start3A_329 = arith.constant 0 : i32
      %dma_start3A_330 = tpu.memref_slice %arg8[%run_scoped3A_116, %dma_start3A_329] : memref<2x64xi32, #tpu.memory_space<vmem>> -> memref<1x64xi32, #tpu.memory_space<vmem>>
      %dma_start3A_331 = tpu.memref_squeeze %dma_start3A_330 : memref<1x64xi32, #tpu.memory_space<vmem>> -> memref<64xi32, #tpu.memory_space<vmem>>
      %dma_start3A_332 = tpu.memref_slice %arg3[%add3A_115] : memref<16384xi32, #tpu.memory_space<hbm>> -> memref<64xi32, #tpu.memory_space<hbm>>
      tpu.enqueue_dma source(%dma_start3A_332 : memref<64xi32, #tpu.memory_space<hbm>>) target(%dma_start3A_331 : memref<64xi32, #tpu.memory_space<vmem>>) target_semaphore(%run_scoped3A_324 : memref<!tpu.dma_semaphore, #tpu.memory_space<semaphore_mem>>)
      %dma_wait3A_333 = arith.constant 0 : i32
      %dma_wait3A_334 = tpu.memref_slice %arg8[%run_scoped3A_116, %dma_wait3A_333] : memref<2x64xi32, #tpu.memory_space<vmem>> -> memref<1x64xi32, #tpu.memory_space<vmem>>
      %dma_wait3A_335 = tpu.memref_squeeze %dma_wait3A_334 : memref<1x64xi32, #tpu.memory_space<vmem>> -> memref<64xi32, #tpu.memory_space<vmem>>
      %dma_wait3A_336 = tpu.memref_slice %arg3[%add3A_115] : memref<16384xi32, #tpu.memory_space<hbm>> -> memref<64xi32, #tpu.memory_space<hbm>>
      %dma_wait3A_337 = arith.constant 0 : i32
      %dma_wait3A_338 = tpu.memref_slice %arg8[%run_scoped3A_116, %dma_wait3A_337] : memref<2x64xi32, #tpu.memory_space<vmem>> -> memref<1x64xi32, #tpu.memory_space<vmem>>
      %dma_wait3A_339 = tpu.memref_squeeze %dma_wait3A_338 : memref<1x64xi32, #tpu.memory_space<vmem>> -> memref<64xi32, #tpu.memory_space<vmem>>
      %dma_wait3A_340 = tpu.memref_slice %arg3[%add3A_115] : memref<16384xi32, #tpu.memory_space<hbm>> -> memref<64xi32, #tpu.memory_space<hbm>>
      tpu.wait_dma2 semaphore(%run_scoped3A_324 : memref<!tpu.dma_semaphore, #tpu.memory_space<semaphore_mem>>) src(%dma_wait3A_340 : memref<64xi32, #tpu.memory_space<hbm>>) dst(%dma_wait3A_339 : memref<64xi32, #tpu.memory_space<vmem>>)
      tpu.yield
    }) : () -> ()
    %dma_wait3A_117 = arith.constant 0 : i32
    %dma_wait3A_118 = tpu.memref_slice %arg6[%add3A_109, %dma_wait3A_117] : memref<16384x512xf32, #tpu.memory_space<hbm>> -> memref<64x512xf32, #tpu.memory_space<hbm>>
    %dma_wait3A_119 = arith.constant 0 : i32
    %dma_wait3A_120 = tpu.memref_slice %arg6[%add3A_109, %dma_wait3A_119] : memref<16384x512xf32, #tpu.memory_space<hbm>> -> memref<64x512xf32, #tpu.memory_space<hbm>>
    tpu.wait_dma2 semaphore(%arg17 : memref<!tpu.dma_semaphore, #tpu.memory_space<semaphore_mem>>) src(%arg11 : memref<64x512xf32, #tpu.memory_space<vmem>>) dst(%dma_wait3A_120 : memref<64x512xf32, #tpu.memory_space<hbm>>)
    %dma_start3A_121 = arith.constant 1 : i32
    %dma_start3A_122 = arith.constant 0 : i32
    %dma_start3A_123 = tpu.memref_slice %arg8[%dma_start3A_121, %dma_start3A_122] : memref<2x64xi32, #tpu.memory_space<vmem>> -> memref<1x64xi32, #tpu.memory_space<vmem>>
    %dma_start3A_124 = tpu.memref_squeeze %dma_start3A_123 : memref<1x64xi32, #tpu.memory_space<vmem>> -> memref<64xi32, #tpu.memory_space<vmem>>
    %dma_start3A_125 = arith.constant 0 : i32
    %dma_start3A_126 = arith.constant 0 : i32
    %dma_start3A_127 = tpu.memref_slice %arg2[%dma_start3A_125, %dma_start3A_126] : memref<100000x512xf32, #tpu.memory_space<hbm>> -> memref<100000x512xf32, #tpu.memory_space<hbm>>
    tpu.enqueue_indirect_dma source(%dma_start3A_127 : memref<100000x512xf32, #tpu.memory_space<hbm>>) target(%arg11 : memref<64x512xf32, #tpu.memory_space<vmem>>) offsets(%dma_start3A_124 : memref<64xi32, #tpu.memory_space<vmem>>) semaphore(%arg15 : memref<!tpu.dma_semaphore, #tpu.memory_space<semaphore_mem>>)
    %dma_wait3A_128 = arith.constant 0 : i32
    %dma_wait3A_129 = arith.constant 0 : i32
    %dma_wait3A_130 = tpu.memref_slice %arg8[%dma_wait3A_128, %dma_wait3A_129] : memref<2x64xi32, #tpu.memory_space<vmem>> -> memref<1x64xi32, #tpu.memory_space<vmem>>
    %dma_wait3A_131 = tpu.memref_squeeze %dma_wait3A_130 : memref<1x64xi32, #tpu.memory_space<vmem>> -> memref<64xi32, #tpu.memory_space<vmem>>
    %dma_wait3A_132 = arith.constant 0 : i32
    %dma_wait3A_133 = arith.constant 0 : i32
    %dma_wait3A_134 = tpu.memref_slice %arg2[%dma_wait3A_132, %dma_wait3A_133] : memref<100000x512xf32, #tpu.memory_space<hbm>> -> memref<100000x512xf32, #tpu.memory_space<hbm>>
    tpu.wait_indirect_dma semaphore(%arg14 : memref<!tpu.dma_semaphore, #tpu.memory_space<semaphore_mem>>) src(%dma_wait3A_134 : memref<100000x512xf32, #tpu.memory_space<hbm>>) dst(%arg10 : memref<64x512xf32, #tpu.memory_space<vmem>>)
    %add3A_135 = arith.constant 256 : i32
    %add3A_136 = arith.addi %mul3A_2, %add3A_135 : i32
    %dma_start3A_137 = arith.constant 0 : i32
    %dma_start3A_138 = tpu.memref_slice %arg6[%add3A_136, %dma_start3A_137] : memref<16384x512xf32, #tpu.memory_space<hbm>> -> memref<64x512xf32, #tpu.memory_space<hbm>>
    %dma_start3A_139 = arith.constant 0 : i32
    %dma_start3A_140 = tpu.memref_slice %arg6[%add3A_136, %dma_start3A_139] : memref<16384x512xf32, #tpu.memory_space<hbm>> -> memref<64x512xf32, #tpu.memory_space<hbm>>
    tpu.enqueue_dma source(%arg10 : memref<64x512xf32, #tpu.memory_space<vmem>>) target(%dma_start3A_140 : memref<64x512xf32, #tpu.memory_space<hbm>>) target_semaphore(%arg16 : memref<!tpu.dma_semaphore, #tpu.memory_space<semaphore_mem>>)
    %add3A_141 = arith.constant 384 : i32
    %add3A_142 = arith.addi %mul3A_2, %add3A_141 : i32
    %run_scoped3A_143 = arith.constant 0 : i32
    "tpu.region"() ({
      %run_scoped3A_324 = tpu.sem_alloc : memref<!tpu.dma_semaphore, #tpu.memory_space<semaphore_mem>>
      %dma_start3A_325 = arith.constant 0 : i32
      %dma_start3A_326 = tpu.memref_slice %arg8[%run_scoped3A_143, %dma_start3A_325] : memref<2x64xi32, #tpu.memory_space<vmem>> -> memref<1x64xi32, #tpu.memory_space<vmem>>
      %dma_start3A_327 = tpu.memref_squeeze %dma_start3A_326 : memref<1x64xi32, #tpu.memory_space<vmem>> -> memref<64xi32, #tpu.memory_space<vmem>>
      %dma_start3A_328 = tpu.memref_slice %arg3[%add3A_142] : memref<16384xi32, #tpu.memory_space<hbm>> -> memref<64xi32, #tpu.memory_space<hbm>>
      %dma_start3A_329 = arith.constant 0 : i32
      %dma_start3A_330 = tpu.memref_slice %arg8[%run_scoped3A_143, %dma_start3A_329] : memref<2x64xi32, #tpu.memory_space<vmem>> -> memref<1x64xi32, #tpu.memory_space<vmem>>
      %dma_start3A_331 = tpu.memref_squeeze %dma_start3A_330 : memref<1x64xi32, #tpu.memory_space<vmem>> -> memref<64xi32, #tpu.memory_space<vmem>>
      %dma_start3A_332 = tpu.memref_slice %arg3[%add3A_142] : memref<16384xi32, #tpu.memory_space<hbm>> -> memref<64xi32, #tpu.memory_space<hbm>>
      tpu.enqueue_dma source(%dma_start3A_332 : memref<64xi32, #tpu.memory_space<hbm>>) target(%dma_start3A_331 : memref<64xi32, #tpu.memory_space<vmem>>) target_semaphore(%run_scoped3A_324 : memref<!tpu.dma_semaphore, #tpu.memory_space<semaphore_mem>>)
      %dma_wait3A_333 = arith.constant 0 : i32
      %dma_wait3A_334 = tpu.memref_slice %arg8[%run_scoped3A_143, %dma_wait3A_333] : memref<2x64xi32, #tpu.memory_space<vmem>> -> memref<1x64xi32, #tpu.memory_space<vmem>>
      %dma_wait3A_335 = tpu.memref_squeeze %dma_wait3A_334 : memref<1x64xi32, #tpu.memory_space<vmem>> -> memref<64xi32, #tpu.memory_space<vmem>>
      %dma_wait3A_336 = tpu.memref_slice %arg3[%add3A_142] : memref<16384xi32, #tpu.memory_space<hbm>> -> memref<64xi32, #tpu.memory_space<hbm>>
      %dma_wait3A_337 = arith.constant 0 : i32
      %dma_wait3A_338 = tpu.memref_slice %arg8[%run_scoped3A_143, %dma_wait3A_337] : memref<2x64xi32, #tpu.memory_space<vmem>> -> memref<1x64xi32, #tpu.memory_space<vmem>>
      %dma_wait3A_339 = tpu.memref_squeeze %dma_wait3A_338 : memref<1x64xi32, #tpu.memory_space<vmem>> -> memref<64xi32, #tpu.memory_space<vmem>>
      %dma_wait3A_340 = tpu.memref_slice %arg3[%add3A_142] : memref<16384xi32, #tpu.memory_space<hbm>> -> memref<64xi32, #tpu.memory_space<hbm>>
      tpu.wait_dma2 semaphore(%run_scoped3A_324 : memref<!tpu.dma_semaphore, #tpu.memory_space<semaphore_mem>>) src(%dma_wait3A_340 : memref<64xi32, #tpu.memory_space<hbm>>) dst(%dma_wait3A_339 : memref<64xi32, #tpu.memory_space<vmem>>)
      tpu.yield
    }) : () -> ()
    %dma_wait3A_144 = arith.constant 0 : i32
    %dma_wait3A_145 = tpu.memref_slice %arg6[%add3A_136, %dma_wait3A_144] : memref<16384x512xf32, #tpu.memory_space<hbm>> -> memref<64x512xf32, #tpu.memory_space<hbm>>
    %dma_wait3A_146 = arith.constant 0 : i32
    %dma_wait3A_147 = tpu.memref_slice %arg6[%add3A_136, %dma_wait3A_146] : memref<16384x512xf32, #tpu.memory_space<hbm>> -> memref<64x512xf32, #tpu.memory_space<hbm>>
    tpu.wait_dma2 semaphore(%arg16 : memref<!tpu.dma_semaphore, #tpu.memory_space<semaphore_mem>>) src(%arg10 : memref<64x512xf32, #tpu.memory_space<vmem>>) dst(%dma_wait3A_147 : memref<64x512xf32, #tpu.memory_space<hbm>>)
    %dma_start3A_148 = arith.constant 0 : i32
    %dma_start3A_149 = arith.constant 0 : i32
    %dma_start3A_150 = tpu.memref_slice %arg8[%dma_start3A_148, %dma_start3A_149] : memref<2x64xi32, #tpu.memory_space<vmem>> -> memref<1x64xi32, #tpu.memory_space<vmem>>
    %dma_start3A_151 = tpu.memref_squeeze %dma_start3A_150 : memref<1x64xi32, #tpu.memory_space<vmem>> -> memref<64xi32, #tpu.memory_space<vmem>>
    %dma_start3A_152 = arith.constant 0 : i32
    %dma_start3A_153 = arith.constant 0 : i32
    %dma_start3A_154 = tpu.memref_slice %arg2[%dma_start3A_152, %dma_start3A_153] : memref<100000x512xf32, #tpu.memory_space<hbm>> -> memref<100000x512xf32, #tpu.memory_space<hbm>>
    tpu.enqueue_indirect_dma source(%dma_start3A_154 : memref<100000x512xf32, #tpu.memory_space<hbm>>) target(%arg10 : memref<64x512xf32, #tpu.memory_space<vmem>>) offsets(%dma_start3A_151 : memref<64xi32, #tpu.memory_space<vmem>>) semaphore(%arg14 : memref<!tpu.dma_semaphore, #tpu.memory_space<semaphore_mem>>)
    %dma_wait3A_155 = arith.constant 1 : i32
    %dma_wait3A_156 = arith.constant 0 : i32
    %dma_wait3A_157 = tpu.memref_slice %arg8[%dma_wait3A_155, %dma_wait3A_156] : memref<2x64xi32, #tpu.memory_space<vmem>> -> memref<1x64xi32, #tpu.memory_space<vmem>>
    %dma_wait3A_158 = tpu.memref_squeeze %dma_wait3A_157 : memref<1x64xi32, #tpu.memory_space<vmem>> -> memref<64xi32, #tpu.memory_space<vmem>>
    %dma_wait3A_159 = arith.constant 0 : i32
    %dma_wait3A_160 = arith.constant 0 : i32
    %dma_wait3A_161 = tpu.memref_slice %arg2[%dma_wait3A_159, %dma_wait3A_160] : memref<100000x512xf32, #tpu.memory_space<hbm>> -> memref<100000x512xf32, #tpu.memory_space<hbm>>
    tpu.wait_indirect_dma semaphore(%arg15 : memref<!tpu.dma_semaphore, #tpu.memory_space<semaphore_mem>>) src(%dma_wait3A_161 : memref<100000x512xf32, #tpu.memory_space<hbm>>) dst(%arg11 : memref<64x512xf32, #tpu.memory_space<vmem>>)
    %add3A_162 = arith.constant 320 : i32
    %add3A_163 = arith.addi %mul3A_2, %add3A_162 : i32
    %dma_start3A_164 = arith.constant 0 : i32
    %dma_start3A_165 = tpu.memref_slice %arg6[%add3A_163, %dma_start3A_164] : memref<16384x512xf32, #tpu.memory_space<hbm>> -> memref<64x512xf32, #tpu.memory_space<hbm>>
    %dma_start3A_166 = arith.constant 0 : i32
    %dma_start3A_167 = tpu.memref_slice %arg6[%add3A_163, %dma_start3A_166] : memref<16384x512xf32, #tpu.memory_space<hbm>> -> memref<64x512xf32, #tpu.memory_space<hbm>>
    tpu.enqueue_dma source(%arg11 : memref<64x512xf32, #tpu.memory_space<vmem>>) target(%dma_start3A_167 : memref<64x512xf32, #tpu.memory_space<hbm>>) target_semaphore(%arg17 : memref<!tpu.dma_semaphore, #tpu.memory_space<semaphore_mem>>)
    %add3A_168 = arith.constant 448 : i32
    %add3A_169 = arith.addi %mul3A_2, %add3A_168 : i32
    %run_scoped3A_170 = arith.constant 1 : i32
    "tpu.region"() ({
      %run_scoped3A_324 = tpu.sem_alloc : memref<!tpu.dma_semaphore, #tpu.memory_space<semaphore_mem>>
      %dma_start3A_325 = arith.constant 0 : i32
      %dma_start3A_326 = tpu.memref_slice %arg8[%run_scoped3A_170, %dma_start3A_325] : memref<2x64xi32, #tpu.memory_space<vmem>> -> memref<1x64xi32, #tpu.memory_space<vmem>>
      %dma_start3A_327 = tpu.memref_squeeze %dma_start3A_326 : memref<1x64xi32, #tpu.memory_space<vmem>> -> memref<64xi32, #tpu.memory_space<vmem>>
      %dma_start3A_328 = tpu.memref_slice %arg3[%add3A_169] : memref<16384xi32, #tpu.memory_space<hbm>> -> memref<64xi32, #tpu.memory_space<hbm>>
      %dma_start3A_329 = arith.constant 0 : i32
      %dma_start3A_330 = tpu.memref_slice %arg8[%run_scoped3A_170, %dma_start3A_329] : memref<2x64xi32, #tpu.memory_space<vmem>> -> memref<1x64xi32, #tpu.memory_space<vmem>>
      %dma_start3A_331 = tpu.memref_squeeze %dma_start3A_330 : memref<1x64xi32, #tpu.memory_space<vmem>> -> memref<64xi32, #tpu.memory_space<vmem>>
      %dma_start3A_332 = tpu.memref_slice %arg3[%add3A_169] : memref<16384xi32, #tpu.memory_space<hbm>> -> memref<64xi32, #tpu.memory_space<hbm>>
      tpu.enqueue_dma source(%dma_start3A_332 : memref<64xi32, #tpu.memory_space<hbm>>) target(%dma_start3A_331 : memref<64xi32, #tpu.memory_space<vmem>>) target_semaphore(%run_scoped3A_324 : memref<!tpu.dma_semaphore, #tpu.memory_space<semaphore_mem>>)
      %dma_wait3A_333 = arith.constant 0 : i32
      %dma_wait3A_334 = tpu.memref_slice %arg8[%run_scoped3A_170, %dma_wait3A_333] : memref<2x64xi32, #tpu.memory_space<vmem>> -> memref<1x64xi32, #tpu.memory_space<vmem>>
      %dma_wait3A_335 = tpu.memref_squeeze %dma_wait3A_334 : memref<1x64xi32, #tpu.memory_space<vmem>> -> memref<64xi32, #tpu.memory_space<vmem>>
      %dma_wait3A_336 = tpu.memref_slice %arg3[%add3A_169] : memref<16384xi32, #tpu.memory_space<hbm>> -> memref<64xi32, #tpu.memory_space<hbm>>
      %dma_wait3A_337 = arith.constant 0 : i32
      %dma_wait3A_338 = tpu.memref_slice %arg8[%run_scoped3A_170, %dma_wait3A_337] : memref<2x64xi32, #tpu.memory_space<vmem>> -> memref<1x64xi32, #tpu.memory_space<vmem>>
      %dma_wait3A_339 = tpu.memref_squeeze %dma_wait3A_338 : memref<1x64xi32, #tpu.memory_space<vmem>> -> memref<64xi32, #tpu.memory_space<vmem>>
      %dma_wait3A_340 = tpu.memref_slice %arg3[%add3A_169] : memref<16384xi32, #tpu.memory_space<hbm>> -> memref<64xi32, #tpu.memory_space<hbm>>
      tpu.wait_dma2 semaphore(%run_scoped3A_324 : memref<!tpu.dma_semaphore, #tpu.memory_space<semaphore_mem>>) src(%dma_wait3A_340 : memref<64xi32, #tpu.memory_space<hbm>>) dst(%dma_wait3A_339 : memref<64xi32, #tpu.memory_space<vmem>>)
      tpu.yield
    }) : () -> ()
    %dma_wait3A_171 = arith.constant 0 : i32
    %dma_wait3A_172 = tpu.memref_slice %arg6[%add3A_163, %dma_wait3A_171] : memref<16384x512xf32, #tpu.memory_space<hbm>> -> memref<64x512xf32, #tpu.memory_space<hbm>>
    %dma_wait3A_173 = arith.constant 0 : i32
    %dma_wait3A_174 = tpu.memref_slice %arg6[%add3A_163, %dma_wait3A_173] : memref<16384x512xf32, #tpu.memory_space<hbm>> -> memref<64x512xf32, #tpu.memory_space<hbm>>
    tpu.wait_dma2 semaphore(%arg17 : memref<!tpu.dma_semaphore, #tpu.memory_space<semaphore_mem>>) src(%arg11 : memref<64x512xf32, #tpu.memory_space<vmem>>) dst(%dma_wait3A_174 : memref<64x512xf32, #tpu.memory_space<hbm>>)
    %dma_start3A_175 = arith.constant 1 : i32
    %dma_start3A_176 = arith.constant 0 : i32
    %dma_start3A_177 = tpu.memref_slice %arg8[%dma_start3A_175, %dma_start3A_176] : memref<2x64xi32, #tpu.memory_space<vmem>> -> memref<1x64xi32, #tpu.memory_space<vmem>>
    %dma_start3A_178 = tpu.memref_squeeze %dma_start3A_177 : memref<1x64xi32, #tpu.memory_space<vmem>> -> memref<64xi32, #tpu.memory_space<vmem>>
    %dma_start3A_179 = arith.constant 0 : i32
    %dma_start3A_180 = arith.constant 0 : i32
    %dma_start3A_181 = tpu.memref_slice %arg2[%dma_start3A_179, %dma_start3A_180] : memref<100000x512xf32, #tpu.memory_space<hbm>> -> memref<100000x512xf32, #tpu.memory_space<hbm>>
    tpu.enqueue_indirect_dma source(%dma_start3A_181 : memref<100000x512xf32, #tpu.memory_space<hbm>>) target(%arg11 : memref<64x512xf32, #tpu.memory_space<vmem>>) offsets(%dma_start3A_178 : memref<64xi32, #tpu.memory_space<vmem>>) semaphore(%arg15 : memref<!tpu.dma_semaphore, #tpu.memory_space<semaphore_mem>>)
    %dma_wait3A_182 = arith.constant 0 : i32
    %dma_wait3A_183 = arith.constant 0 : i32
    %dma_wait3A_184 = tpu.memref_slice %arg8[%dma_wait3A_182, %dma_wait3A_183] : memref<2x64xi32, #tpu.memory_space<vmem>> -> memref<1x64xi32, #tpu.memory_space<vmem>>
    %dma_wait3A_185 = tpu.memref_squeeze %dma_wait3A_184 : memref<1x64xi32, #tpu.memory_space<vmem>> -> memref<64xi32, #tpu.memory_space<vmem>>
    %dma_wait3A_186 = arith.constant 0 : i32
    %dma_wait3A_187 = arith.constant 0 : i32
    %dma_wait3A_188 = tpu.memref_slice %arg2[%dma_wait3A_186, %dma_wait3A_187] : memref<100000x512xf32, #tpu.memory_space<hbm>> -> memref<100000x512xf32, #tpu.memory_space<hbm>>
    tpu.wait_indirect_dma semaphore(%arg14 : memref<!tpu.dma_semaphore, #tpu.memory_space<semaphore_mem>>) src(%dma_wait3A_188 : memref<100000x512xf32, #tpu.memory_space<hbm>>) dst(%arg10 : memref<64x512xf32, #tpu.memory_space<vmem>>)
    %add3A_189 = arith.constant 384 : i32
    %add3A_190 = arith.addi %mul3A_2, %add3A_189 : i32
    %dma_start3A_191 = arith.constant 0 : i32
    %dma_start3A_192 = tpu.memref_slice %arg6[%add3A_190, %dma_start3A_191] : memref<16384x512xf32, #tpu.memory_space<hbm>> -> memref<64x512xf32, #tpu.memory_space<hbm>>
    %dma_start3A_193 = arith.constant 0 : i32
    %dma_start3A_194 = tpu.memref_slice %arg6[%add3A_190, %dma_start3A_193] : memref<16384x512xf32, #tpu.memory_space<hbm>> -> memref<64x512xf32, #tpu.memory_space<hbm>>
    tpu.enqueue_dma source(%arg10 : memref<64x512xf32, #tpu.memory_space<vmem>>) target(%dma_start3A_194 : memref<64x512xf32, #tpu.memory_space<hbm>>) target_semaphore(%arg16 : memref<!tpu.dma_semaphore, #tpu.memory_space<semaphore_mem>>)
    %dma_wait3A_195 = arith.constant 1 : i32
    %dma_wait3A_196 = arith.constant 0 : i32
    %dma_wait3A_197 = tpu.memref_slice %arg8[%dma_wait3A_195, %dma_wait3A_196] : memref<2x64xi32, #tpu.memory_space<vmem>> -> memref<1x64xi32, #tpu.memory_space<vmem>>
    %dma_wait3A_198 = tpu.memref_squeeze %dma_wait3A_197 : memref<1x64xi32, #tpu.memory_space<vmem>> -> memref<64xi32, #tpu.memory_space<vmem>>
    %dma_wait3A_199 = arith.constant 0 : i32
    %dma_wait3A_200 = arith.constant 0 : i32
    %dma_wait3A_201 = tpu.memref_slice %arg2[%dma_wait3A_199, %dma_wait3A_200] : memref<100000x512xf32, #tpu.memory_space<hbm>> -> memref<100000x512xf32, #tpu.memory_space<hbm>>
    tpu.wait_indirect_dma semaphore(%arg15 : memref<!tpu.dma_semaphore, #tpu.memory_space<semaphore_mem>>) src(%dma_wait3A_201 : memref<100000x512xf32, #tpu.memory_space<hbm>>) dst(%arg11 : memref<64x512xf32, #tpu.memory_space<vmem>>)
    %add3A_202 = arith.constant 448 : i32
    %add3A_203 = arith.addi %mul3A_2, %add3A_202 : i32
    %dma_start3A_204 = arith.constant 0 : i32
    %dma_start3A_205 = tpu.memref_slice %arg6[%add3A_203, %dma_start3A_204] : memref<16384x512xf32, #tpu.memory_space<hbm>> -> memref<64x512xf32, #tpu.memory_space<hbm>>
    %dma_start3A_206 = arith.constant 0 : i32
    %dma_start3A_207 = tpu.memref_slice %arg6[%add3A_203, %dma_start3A_206] : memref<16384x512xf32, #tpu.memory_space<hbm>> -> memref<64x512xf32, #tpu.memory_space<hbm>>
    tpu.enqueue_dma source(%arg11 : memref<64x512xf32, #tpu.memory_space<vmem>>) target(%dma_start3A_207 : memref<64x512xf32, #tpu.memory_space<hbm>>) target_semaphore(%arg17 : memref<!tpu.dma_semaphore, #tpu.memory_space<semaphore_mem>>)
    %dma_wait3A_208 = arith.constant 0 : i32
    %dma_wait3A_209 = tpu.memref_slice %arg6[%add3A_190, %dma_wait3A_208] : memref<16384x512xf32, #tpu.memory_space<hbm>> -> memref<64x512xf32, #tpu.memory_space<hbm>>
    %dma_wait3A_210 = arith.constant 0 : i32
    %dma_wait3A_211 = tpu.memref_slice %arg6[%add3A_190, %dma_wait3A_210] : memref<16384x512xf32, #tpu.memory_space<hbm>> -> memref<64x512xf32, #tpu.memory_space<hbm>>
    tpu.wait_dma2 semaphore(%arg16 : memref<!tpu.dma_semaphore, #tpu.memory_space<semaphore_mem>>) src(%arg10 : memref<64x512xf32, #tpu.memory_space<vmem>>) dst(%dma_wait3A_211 : memref<64x512xf32, #tpu.memory_space<hbm>>)
    %dma_wait3A_212 = arith.constant 0 : i32
    %dma_wait3A_213 = tpu.memref_slice %arg6[%add3A_203, %dma_wait3A_212] : memref<16384x512xf32, #tpu.memory_space<hbm>> -> memref<64x512xf32, #tpu.memory_space<hbm>>
    %dma_wait3A_214 = arith.constant 0 : i32
    %dma_wait3A_215 = tpu.memref_slice %arg6[%add3A_203, %dma_wait3A_214] : memref<16384x512xf32, #tpu.memory_space<hbm>> -> memref<64x512xf32, #tpu.memory_space<hbm>>
    tpu.wait_dma2 semaphore(%arg17 : memref<!tpu.dma_semaphore, #tpu.memory_space<semaphore_mem>>) src(%arg11 : memref<64x512xf32, #tpu.memory_space<vmem>>) dst(%dma_wait3A_215 : memref<64x512xf32, #tpu.memory_space<hbm>>)
    %add3A_216 = arith.constant 0 : i32
    %add3A_217 = arith.addi %mul3A_2, %add3A_216 : i32
    %run_scoped3A_218 = arith.constant 0 : i32
    "tpu.region"() ({
      %run_scoped3A_324 = tpu.sem_alloc : memref<!tpu.dma_semaphore, #tpu.memory_space<semaphore_mem>>
      %dma_start3A_325 = arith.constant 0 : i32
      %dma_start3A_326 = tpu.memref_slice %arg9[%run_scoped3A_218, %dma_start3A_325] : memref<2x128xi32, #tpu.memory_space<vmem>> -> memref<1x128xi32, #tpu.memory_space<vmem>>
      %dma_start3A_327 = tpu.memref_squeeze %dma_start3A_326 : memref<1x128xi32, #tpu.memory_space<vmem>> -> memref<128xi32, #tpu.memory_space<vmem>>
      %dma_start3A_328 = tpu.memref_slice %arg5[%add3A_217] : memref<16384xi32, #tpu.memory_space<hbm>> -> memref<128xi32, #tpu.memory_space<hbm>>
      %dma_start3A_329 = arith.constant 0 : i32
      %dma_start3A_330 = tpu.memref_slice %arg9[%run_scoped3A_218, %dma_start3A_329] : memref<2x128xi32, #tpu.memory_space<vmem>> -> memref<1x128xi32, #tpu.memory_space<vmem>>
      %dma_start3A_331 = tpu.memref_squeeze %dma_start3A_330 : memref<1x128xi32, #tpu.memory_space<vmem>> -> memref<128xi32, #tpu.memory_space<vmem>>
      %dma_start3A_332 = tpu.memref_slice %arg5[%add3A_217] : memref<16384xi32, #tpu.memory_space<hbm>> -> memref<128xi32, #tpu.memory_space<hbm>>
      tpu.enqueue_dma source(%dma_start3A_332 : memref<128xi32, #tpu.memory_space<hbm>>) target(%dma_start3A_331 : memref<128xi32, #tpu.memory_space<vmem>>) target_semaphore(%run_scoped3A_324 : memref<!tpu.dma_semaphore, #tpu.memory_space<semaphore_mem>>)
      %dma_wait3A_333 = arith.constant 0 : i32
      %dma_wait3A_334 = tpu.memref_slice %arg9[%run_scoped3A_218, %dma_wait3A_333] : memref<2x128xi32, #tpu.memory_space<vmem>> -> memref<1x128xi32, #tpu.memory_space<vmem>>
      %dma_wait3A_335 = tpu.memref_squeeze %dma_wait3A_334 : memref<1x128xi32, #tpu.memory_space<vmem>> -> memref<128xi32, #tpu.memory_space<vmem>>
      %dma_wait3A_336 = tpu.memref_slice %arg5[%add3A_217] : memref<16384xi32, #tpu.memory_space<hbm>> -> memref<128xi32, #tpu.memory_space<hbm>>
      %dma_wait3A_337 = arith.constant 0 : i32
      %dma_wait3A_338 = tpu.memref_slice %arg9[%run_scoped3A_218, %dma_wait3A_337] : memref<2x128xi32, #tpu.memory_space<vmem>> -> memref<1x128xi32, #tpu.memory_space<vmem>>
      %dma_wait3A_339 = tpu.memref_squeeze %dma_wait3A_338 : memref<1x128xi32, #tpu.memory_space<vmem>> -> memref<128xi32, #tpu.memory_space<vmem>>
      %dma_wait3A_340 = tpu.memref_slice %arg5[%add3A_217] : memref<16384xi32, #tpu.memory_space<hbm>> -> memref<128xi32, #tpu.memory_space<hbm>>
      tpu.wait_dma2 semaphore(%run_scoped3A_324 : memref<!tpu.dma_semaphore, #tpu.memory_space<semaphore_mem>>) src(%dma_wait3A_340 : memref<128xi32, #tpu.memory_space<hbm>>) dst(%dma_wait3A_339 : memref<128xi32, #tpu.memory_space<vmem>>)
      tpu.yield
    }) : () -> ()
    %dma_start3A_219 = arith.constant 0 : i32
    %dma_start3A_220 = arith.constant 0 : i32
    %dma_start3A_221 = tpu.memref_slice %arg9[%dma_start3A_219, %dma_start3A_220] : memref<2x128xi32, #tpu.memory_space<vmem>> -> memref<1x128xi32, #tpu.memory_space<vmem>>
    %dma_start3A_222 = tpu.memref_squeeze %dma_start3A_221 : memref<1x128xi32, #tpu.memory_space<vmem>> -> memref<128xi32, #tpu.memory_space<vmem>>
    %dma_start3A_223 = arith.constant 0 : i32
    %dma_start3A_224 = arith.constant 0 : i32
    %dma_start3A_225 = tpu.memref_slice %arg4[%dma_start3A_223, %dma_start3A_224] : memref<16384x128xf32, #tpu.memory_space<hbm>> -> memref<16384x128xf32, #tpu.memory_space<hbm>>
    tpu.enqueue_indirect_dma source(%dma_start3A_225 : memref<16384x128xf32, #tpu.memory_space<hbm>>) target(%arg12 : memref<128x128xf32, #tpu.memory_space<vmem>>) offsets(%dma_start3A_222 : memref<128xi32, #tpu.memory_space<vmem>>) semaphore(%arg14 : memref<!tpu.dma_semaphore, #tpu.memory_space<semaphore_mem>>)
    %add3A_226 = arith.constant 128 : i32
    %add3A_227 = arith.addi %mul3A_2, %add3A_226 : i32
    %run_scoped3A_228 = arith.constant 1 : i32
    "tpu.region"() ({
      %run_scoped3A_324 = tpu.sem_alloc : memref<!tpu.dma_semaphore, #tpu.memory_space<semaphore_mem>>
      %dma_start3A_325 = arith.constant 0 : i32
      %dma_start3A_326 = tpu.memref_slice %arg9[%run_scoped3A_228, %dma_start3A_325] : memref<2x128xi32, #tpu.memory_space<vmem>> -> memref<1x128xi32, #tpu.memory_space<vmem>>
      %dma_start3A_327 = tpu.memref_squeeze %dma_start3A_326 : memref<1x128xi32, #tpu.memory_space<vmem>> -> memref<128xi32, #tpu.memory_space<vmem>>
      %dma_start3A_328 = tpu.memref_slice %arg5[%add3A_227] : memref<16384xi32, #tpu.memory_space<hbm>> -> memref<128xi32, #tpu.memory_space<hbm>>
      %dma_start3A_329 = arith.constant 0 : i32
      %dma_start3A_330 = tpu.memref_slice %arg9[%run_scoped3A_228, %dma_start3A_329] : memref<2x128xi32, #tpu.memory_space<vmem>> -> memref<1x128xi32, #tpu.memory_space<vmem>>
      %dma_start3A_331 = tpu.memref_squeeze %dma_start3A_330 : memref<1x128xi32, #tpu.memory_space<vmem>> -> memref<128xi32, #tpu.memory_space<vmem>>
      %dma_start3A_332 = tpu.memref_slice %arg5[%add3A_227] : memref<16384xi32, #tpu.memory_space<hbm>> -> memref<128xi32, #tpu.memory_space<hbm>>
      tpu.enqueue_dma source(%dma_start3A_332 : memref<128xi32, #tpu.memory_space<hbm>>) target(%dma_start3A_331 : memref<128xi32, #tpu.memory_space<vmem>>) target_semaphore(%run_scoped3A_324 : memref<!tpu.dma_semaphore, #tpu.memory_space<semaphore_mem>>)
      %dma_wait3A_333 = arith.constant 0 : i32
      %dma_wait3A_334 = tpu.memref_slice %arg9[%run_scoped3A_228, %dma_wait3A_333] : memref<2x128xi32, #tpu.memory_space<vmem>> -> memref<1x128xi32, #tpu.memory_space<vmem>>
      %dma_wait3A_335 = tpu.memref_squeeze %dma_wait3A_334 : memref<1x128xi32, #tpu.memory_space<vmem>> -> memref<128xi32, #tpu.memory_space<vmem>>
      %dma_wait3A_336 = tpu.memref_slice %arg5[%add3A_227] : memref<16384xi32, #tpu.memory_space<hbm>> -> memref<128xi32, #tpu.memory_space<hbm>>
      %dma_wait3A_337 = arith.constant 0 : i32
      %dma_wait3A_338 = tpu.memref_slice %arg9[%run_scoped3A_228, %dma_wait3A_337] : memref<2x128xi32, #tpu.memory_space<vmem>> -> memref<1x128xi32, #tpu.memory_space<vmem>>
      %dma_wait3A_339 = tpu.memref_squeeze %dma_wait3A_338 : memref<1x128xi32, #tpu.memory_space<vmem>> -> memref<128xi32, #tpu.memory_space<vmem>>
      %dma_wait3A_340 = tpu.memref_slice %arg5[%add3A_227] : memref<16384xi32, #tpu.memory_space<hbm>> -> memref<128xi32, #tpu.memory_space<hbm>>
      tpu.wait_dma2 semaphore(%run_scoped3A_324 : memref<!tpu.dma_semaphore, #tpu.memory_space<semaphore_mem>>) src(%dma_wait3A_340 : memref<128xi32, #tpu.memory_space<hbm>>) dst(%dma_wait3A_339 : memref<128xi32, #tpu.memory_space<vmem>>)
      tpu.yield
    }) : () -> ()
    %dma_start3A_229 = arith.constant 1 : i32
    %dma_start3A_230 = arith.constant 0 : i32
    %dma_start3A_231 = tpu.memref_slice %arg9[%dma_start3A_229, %dma_start3A_230] : memref<2x128xi32, #tpu.memory_space<vmem>> -> memref<1x128xi32, #tpu.memory_space<vmem>>
    %dma_start3A_232 = tpu.memref_squeeze %dma_start3A_231 : memref<1x128xi32, #tpu.memory_space<vmem>> -> memref<128xi32, #tpu.memory_space<vmem>>
    %dma_start3A_233 = arith.constant 0 : i32
    %dma_start3A_234 = arith.constant 0 : i32
    %dma_start3A_235 = tpu.memref_slice %arg4[%dma_start3A_233, %dma_start3A_234] : memref<16384x128xf32, #tpu.memory_space<hbm>> -> memref<16384x128xf32, #tpu.memory_space<hbm>>
    tpu.enqueue_indirect_dma source(%dma_start3A_235 : memref<16384x128xf32, #tpu.memory_space<hbm>>) target(%arg13 : memref<128x128xf32, #tpu.memory_space<vmem>>) offsets(%dma_start3A_232 : memref<128xi32, #tpu.memory_space<vmem>>) semaphore(%arg15 : memref<!tpu.dma_semaphore, #tpu.memory_space<semaphore_mem>>)
    %dma_wait3A_236 = arith.constant 0 : i32
    %dma_wait3A_237 = arith.constant 0 : i32
    %dma_wait3A_238 = tpu.memref_slice %arg9[%dma_wait3A_236, %dma_wait3A_237] : memref<2x128xi32, #tpu.memory_space<vmem>> -> memref<1x128xi32, #tpu.memory_space<vmem>>
    %dma_wait3A_239 = tpu.memref_squeeze %dma_wait3A_238 : memref<1x128xi32, #tpu.memory_space<vmem>> -> memref<128xi32, #tpu.memory_space<vmem>>
    %dma_wait3A_240 = arith.constant 0 : i32
    %dma_wait3A_241 = arith.constant 0 : i32
    %dma_wait3A_242 = tpu.memref_slice %arg4[%dma_wait3A_240, %dma_wait3A_241] : memref<16384x128xf32, #tpu.memory_space<hbm>> -> memref<16384x128xf32, #tpu.memory_space<hbm>>
    tpu.wait_indirect_dma semaphore(%arg14 : memref<!tpu.dma_semaphore, #tpu.memory_space<semaphore_mem>>) src(%dma_wait3A_242 : memref<16384x128xf32, #tpu.memory_space<hbm>>) dst(%arg12 : memref<128x128xf32, #tpu.memory_space<vmem>>)
    %add3A_243 = arith.constant 0 : i32
    %add3A_244 = arith.addi %mul3A_2, %add3A_243 : i32
    %dma_start3A_245 = arith.constant 0 : i32
    %dma_start3A_246 = tpu.memref_slice %arg7[%add3A_244, %dma_start3A_245] : memref<16384x128xf32, #tpu.memory_space<hbm>> -> memref<128x128xf32, #tpu.memory_space<hbm>>
    %dma_start3A_247 = arith.constant 0 : i32
    %dma_start3A_248 = tpu.memref_slice %arg7[%add3A_244, %dma_start3A_247] : memref<16384x128xf32, #tpu.memory_space<hbm>> -> memref<128x128xf32, #tpu.memory_space<hbm>>
    tpu.enqueue_dma source(%arg12 : memref<128x128xf32, #tpu.memory_space<vmem>>) target(%dma_start3A_248 : memref<128x128xf32, #tpu.memory_space<hbm>>) target_semaphore(%arg16 : memref<!tpu.dma_semaphore, #tpu.memory_space<semaphore_mem>>)
    %add3A_249 = arith.constant 256 : i32
    %add3A_250 = arith.addi %mul3A_2, %add3A_249 : i32
    %run_scoped3A_251 = arith.constant 0 : i32
    "tpu.region"() ({
      %run_scoped3A_324 = tpu.sem_alloc : memref<!tpu.dma_semaphore, #tpu.memory_space<semaphore_mem>>
      %dma_start3A_325 = arith.constant 0 : i32
      %dma_start3A_326 = tpu.memref_slice %arg9[%run_scoped3A_251, %dma_start3A_325] : memref<2x128xi32, #tpu.memory_space<vmem>> -> memref<1x128xi32, #tpu.memory_space<vmem>>
      %dma_start3A_327 = tpu.memref_squeeze %dma_start3A_326 : memref<1x128xi32, #tpu.memory_space<vmem>> -> memref<128xi32, #tpu.memory_space<vmem>>
      %dma_start3A_328 = tpu.memref_slice %arg5[%add3A_250] : memref<16384xi32, #tpu.memory_space<hbm>> -> memref<128xi32, #tpu.memory_space<hbm>>
      %dma_start3A_329 = arith.constant 0 : i32
      %dma_start3A_330 = tpu.memref_slice %arg9[%run_scoped3A_251, %dma_start3A_329] : memref<2x128xi32, #tpu.memory_space<vmem>> -> memref<1x128xi32, #tpu.memory_space<vmem>>
      %dma_start3A_331 = tpu.memref_squeeze %dma_start3A_330 : memref<1x128xi32, #tpu.memory_space<vmem>> -> memref<128xi32, #tpu.memory_space<vmem>>
      %dma_start3A_332 = tpu.memref_slice %arg5[%add3A_250] : memref<16384xi32, #tpu.memory_space<hbm>> -> memref<128xi32, #tpu.memory_space<hbm>>
      tpu.enqueue_dma source(%dma_start3A_332 : memref<128xi32, #tpu.memory_space<hbm>>) target(%dma_start3A_331 : memref<128xi32, #tpu.memory_space<vmem>>) target_semaphore(%run_scoped3A_324 : memref<!tpu.dma_semaphore, #tpu.memory_space<semaphore_mem>>)
      %dma_wait3A_333 = arith.constant 0 : i32
      %dma_wait3A_334 = tpu.memref_slice %arg9[%run_scoped3A_251, %dma_wait3A_333] : memref<2x128xi32, #tpu.memory_space<vmem>> -> memref<1x128xi32, #tpu.memory_space<vmem>>
      %dma_wait3A_335 = tpu.memref_squeeze %dma_wait3A_334 : memref<1x128xi32, #tpu.memory_space<vmem>> -> memref<128xi32, #tpu.memory_space<vmem>>
      %dma_wait3A_336 = tpu.memref_slice %arg5[%add3A_250] : memref<16384xi32, #tpu.memory_space<hbm>> -> memref<128xi32, #tpu.memory_space<hbm>>
      %dma_wait3A_337 = arith.constant 0 : i32
      %dma_wait3A_338 = tpu.memref_slice %arg9[%run_scoped3A_251, %dma_wait3A_337] : memref<2x128xi32, #tpu.memory_space<vmem>> -> memref<1x128xi32, #tpu.memory_space<vmem>>
      %dma_wait3A_339 = tpu.memref_squeeze %dma_wait3A_338 : memref<1x128xi32, #tpu.memory_space<vmem>> -> memref<128xi32, #tpu.memory_space<vmem>>
      %dma_wait3A_340 = tpu.memref_slice %arg5[%add3A_250] : memref<16384xi32, #tpu.memory_space<hbm>> -> memref<128xi32, #tpu.memory_space<hbm>>
      tpu.wait_dma2 semaphore(%run_scoped3A_324 : memref<!tpu.dma_semaphore, #tpu.memory_space<semaphore_mem>>) src(%dma_wait3A_340 : memref<128xi32, #tpu.memory_space<hbm>>) dst(%dma_wait3A_339 : memref<128xi32, #tpu.memory_space<vmem>>)
      tpu.yield
    }) : () -> ()
    %dma_wait3A_252 = arith.constant 0 : i32
    %dma_wait3A_253 = tpu.memref_slice %arg7[%add3A_244, %dma_wait3A_252] : memref<16384x128xf32, #tpu.memory_space<hbm>> -> memref<128x128xf32, #tpu.memory_space<hbm>>
    %dma_wait3A_254 = arith.constant 0 : i32
    %dma_wait3A_255 = tpu.memref_slice %arg7[%add3A_244, %dma_wait3A_254] : memref<16384x128xf32, #tpu.memory_space<hbm>> -> memref<128x128xf32, #tpu.memory_space<hbm>>
    tpu.wait_dma2 semaphore(%arg16 : memref<!tpu.dma_semaphore, #tpu.memory_space<semaphore_mem>>) src(%arg12 : memref<128x128xf32, #tpu.memory_space<vmem>>) dst(%dma_wait3A_255 : memref<128x128xf32, #tpu.memory_space<hbm>>)
    %dma_start3A_256 = arith.constant 0 : i32
    %dma_start3A_257 = arith.constant 0 : i32
    %dma_start3A_258 = tpu.memref_slice %arg9[%dma_start3A_256, %dma_start3A_257] : memref<2x128xi32, #tpu.memory_space<vmem>> -> memref<1x128xi32, #tpu.memory_space<vmem>>
    %dma_start3A_259 = tpu.memref_squeeze %dma_start3A_258 : memref<1x128xi32, #tpu.memory_space<vmem>> -> memref<128xi32, #tpu.memory_space<vmem>>
    %dma_start3A_260 = arith.constant 0 : i32
    %dma_start3A_261 = arith.constant 0 : i32
    %dma_start3A_262 = tpu.memref_slice %arg4[%dma_start3A_260, %dma_start3A_261] : memref<16384x128xf32, #tpu.memory_space<hbm>> -> memref<16384x128xf32, #tpu.memory_space<hbm>>
    tpu.enqueue_indirect_dma source(%dma_start3A_262 : memref<16384x128xf32, #tpu.memory_space<hbm>>) target(%arg12 : memref<128x128xf32, #tpu.memory_space<vmem>>) offsets(%dma_start3A_259 : memref<128xi32, #tpu.memory_space<vmem>>) semaphore(%arg14 : memref<!tpu.dma_semaphore, #tpu.memory_space<semaphore_mem>>)
    %dma_wait3A_263 = arith.constant 1 : i32
    %dma_wait3A_264 = arith.constant 0 : i32
    %dma_wait3A_265 = tpu.memref_slice %arg9[%dma_wait3A_263, %dma_wait3A_264] : memref<2x128xi32, #tpu.memory_space<vmem>> -> memref<1x128xi32, #tpu.memory_space<vmem>>
    %dma_wait3A_266 = tpu.memref_squeeze %dma_wait3A_265 : memref<1x128xi32, #tpu.memory_space<vmem>> -> memref<128xi32, #tpu.memory_space<vmem>>
    %dma_wait3A_267 = arith.constant 0 : i32
    %dma_wait3A_268 = arith.constant 0 : i32
    %dma_wait3A_269 = tpu.memref_slice %arg4[%dma_wait3A_267, %dma_wait3A_268] : memref<16384x128xf32, #tpu.memory_space<hbm>> -> memref<16384x128xf32, #tpu.memory_space<hbm>>
    tpu.wait_indirect_dma semaphore(%arg15 : memref<!tpu.dma_semaphore, #tpu.memory_space<semaphore_mem>>) src(%dma_wait3A_269 : memref<16384x128xf32, #tpu.memory_space<hbm>>) dst(%arg13 : memref<128x128xf32, #tpu.memory_space<vmem>>)
    %add3A_270 = arith.constant 128 : i32
    %add3A_271 = arith.addi %mul3A_2, %add3A_270 : i32
    %dma_start3A_272 = arith.constant 0 : i32
    %dma_start3A_273 = tpu.memref_slice %arg7[%add3A_271, %dma_start3A_272] : memref<16384x128xf32, #tpu.memory_space<hbm>> -> memref<128x128xf32, #tpu.memory_space<hbm>>
    %dma_start3A_274 = arith.constant 0 : i32
    %dma_start3A_275 = tpu.memref_slice %arg7[%add3A_271, %dma_start3A_274] : memref<16384x128xf32, #tpu.memory_space<hbm>> -> memref<128x128xf32, #tpu.memory_space<hbm>>
    tpu.enqueue_dma source(%arg13 : memref<128x128xf32, #tpu.memory_space<vmem>>) target(%dma_start3A_275 : memref<128x128xf32, #tpu.memory_space<hbm>>) target_semaphore(%arg17 : memref<!tpu.dma_semaphore, #tpu.memory_space<semaphore_mem>>)
    %add3A_276 = arith.constant 384 : i32
    %add3A_277 = arith.addi %mul3A_2, %add3A_276 : i32
    %run_scoped3A_278 = arith.constant 1 : i32
    "tpu.region"() ({
      %run_scoped3A_324 = tpu.sem_alloc : memref<!tpu.dma_semaphore, #tpu.memory_space<semaphore_mem>>
      %dma_start3A_325 = arith.constant 0 : i32
      %dma_start3A_326 = tpu.memref_slice %arg9[%run_scoped3A_278, %dma_start3A_325] : memref<2x128xi32, #tpu.memory_space<vmem>> -> memref<1x128xi32, #tpu.memory_space<vmem>>
      %dma_start3A_327 = tpu.memref_squeeze %dma_start3A_326 : memref<1x128xi32, #tpu.memory_space<vmem>> -> memref<128xi32, #tpu.memory_space<vmem>>
      %dma_start3A_328 = tpu.memref_slice %arg5[%add3A_277] : memref<16384xi32, #tpu.memory_space<hbm>> -> memref<128xi32, #tpu.memory_space<hbm>>
      %dma_start3A_329 = arith.constant 0 : i32
      %dma_start3A_330 = tpu.memref_slice %arg9[%run_scoped3A_278, %dma_start3A_329] : memref<2x128xi32, #tpu.memory_space<vmem>> -> memref<1x128xi32, #tpu.memory_space<vmem>>
      %dma_start3A_331 = tpu.memref_squeeze %dma_start3A_330 : memref<1x128xi32, #tpu.memory_space<vmem>> -> memref<128xi32, #tpu.memory_space<vmem>>
      %dma_start3A_332 = tpu.memref_slice %arg5[%add3A_277] : memref<16384xi32, #tpu.memory_space<hbm>> -> memref<128xi32, #tpu.memory_space<hbm>>
      tpu.enqueue_dma source(%dma_start3A_332 : memref<128xi32, #tpu.memory_space<hbm>>) target(%dma_start3A_331 : memref<128xi32, #tpu.memory_space<vmem>>) target_semaphore(%run_scoped3A_324 : memref<!tpu.dma_semaphore, #tpu.memory_space<semaphore_mem>>)
      %dma_wait3A_333 = arith.constant 0 : i32
      %dma_wait3A_334 = tpu.memref_slice %arg9[%run_scoped3A_278, %dma_wait3A_333] : memref<2x128xi32, #tpu.memory_space<vmem>> -> memref<1x128xi32, #tpu.memory_space<vmem>>
      %dma_wait3A_335 = tpu.memref_squeeze %dma_wait3A_334 : memref<1x128xi32, #tpu.memory_space<vmem>> -> memref<128xi32, #tpu.memory_space<vmem>>
      %dma_wait3A_336 = tpu.memref_slice %arg5[%add3A_277] : memref<16384xi32, #tpu.memory_space<hbm>> -> memref<128xi32, #tpu.memory_space<hbm>>
      %dma_wait3A_337 = arith.constant 0 : i32
      %dma_wait3A_338 = tpu.memref_slice %arg9[%run_scoped3A_278, %dma_wait3A_337] : memref<2x128xi32, #tpu.memory_space<vmem>> -> memref<1x128xi32, #tpu.memory_space<vmem>>
      %dma_wait3A_339 = tpu.memref_squeeze %dma_wait3A_338 : memref<1x128xi32, #tpu.memory_space<vmem>> -> memref<128xi32, #tpu.memory_space<vmem>>
      %dma_wait3A_340 = tpu.memref_slice %arg5[%add3A_277] : memref<16384xi32, #tpu.memory_space<hbm>> -> memref<128xi32, #tpu.memory_space<hbm>>
      tpu.wait_dma2 semaphore(%run_scoped3A_324 : memref<!tpu.dma_semaphore, #tpu.memory_space<semaphore_mem>>) src(%dma_wait3A_340 : memref<128xi32, #tpu.memory_space<hbm>>) dst(%dma_wait3A_339 : memref<128xi32, #tpu.memory_space<vmem>>)
      tpu.yield
    }) : () -> ()
    %dma_wait3A_279 = arith.constant 0 : i32
    %dma_wait3A_280 = tpu.memref_slice %arg7[%add3A_271, %dma_wait3A_279] : memref<16384x128xf32, #tpu.memory_space<hbm>> -> memref<128x128xf32, #tpu.memory_space<hbm>>
    %dma_wait3A_281 = arith.constant 0 : i32
    %dma_wait3A_282 = tpu.memref_slice %arg7[%add3A_271, %dma_wait3A_281] : memref<16384x128xf32, #tpu.memory_space<hbm>> -> memref<128x128xf32, #tpu.memory_space<hbm>>
    tpu.wait_dma2 semaphore(%arg17 : memref<!tpu.dma_semaphore, #tpu.memory_space<semaphore_mem>>) src(%arg13 : memref<128x128xf32, #tpu.memory_space<vmem>>) dst(%dma_wait3A_282 : memref<128x128xf32, #tpu.memory_space<hbm>>)
    %dma_start3A_283 = arith.constant 1 : i32
    %dma_start3A_284 = arith.constant 0 : i32
    %dma_start3A_285 = tpu.memref_slice %arg9[%dma_start3A_283, %dma_start3A_284] : memref<2x128xi32, #tpu.memory_space<vmem>> -> memref<1x128xi32, #tpu.memory_space<vmem>>
    %dma_start3A_286 = tpu.memref_squeeze %dma_start3A_285 : memref<1x128xi32, #tpu.memory_space<vmem>> -> memref<128xi32, #tpu.memory_space<vmem>>
    %dma_start3A_287 = arith.constant 0 : i32
    %dma_start3A_288 = arith.constant 0 : i32
    %dma_start3A_289 = tpu.memref_slice %arg4[%dma_start3A_287, %dma_start3A_288] : memref<16384x128xf32, #tpu.memory_space<hbm>> -> memref<16384x128xf32, #tpu.memory_space<hbm>>
    tpu.enqueue_indirect_dma source(%dma_start3A_289 : memref<16384x128xf32, #tpu.memory_space<hbm>>) target(%arg13 : memref<128x128xf32, #tpu.memory_space<vmem>>) offsets(%dma_start3A_286 : memref<128xi32, #tpu.memory_space<vmem>>) semaphore(%arg15 : memref<!tpu.dma_semaphore, #tpu.memory_space<semaphore_mem>>)
    %dma_wait3A_290 = arith.constant 0 : i32
    %dma_wait3A_291 = arith.constant 0 : i32
    %dma_wait3A_292 = tpu.memref_slice %arg9[%dma_wait3A_290, %dma_wait3A_291] : memref<2x128xi32, #tpu.memory_space<vmem>> -> memref<1x128xi32, #tpu.memory_space<vmem>>
    %dma_wait3A_293 = tpu.memref_squeeze %dma_wait3A_292 : memref<1x128xi32, #tpu.memory_space<vmem>> -> memref<128xi32, #tpu.memory_space<vmem>>
    %dma_wait3A_294 = arith.constant 0 : i32
    %dma_wait3A_295 = arith.constant 0 : i32
    %dma_wait3A_296 = tpu.memref_slice %arg4[%dma_wait3A_294, %dma_wait3A_295] : memref<16384x128xf32, #tpu.memory_space<hbm>> -> memref<16384x128xf32, #tpu.memory_space<hbm>>
    tpu.wait_indirect_dma semaphore(%arg14 : memref<!tpu.dma_semaphore, #tpu.memory_space<semaphore_mem>>) src(%dma_wait3A_296 : memref<16384x128xf32, #tpu.memory_space<hbm>>) dst(%arg12 : memref<128x128xf32, #tpu.memory_space<vmem>>)
    %add3A_297 = arith.constant 256 : i32
    %add3A_298 = arith.addi %mul3A_2, %add3A_297 : i32
    %dma_start3A_299 = arith.constant 0 : i32
    %dma_start3A_300 = tpu.memref_slice %arg7[%add3A_298, %dma_start3A_299] : memref<16384x128xf32, #tpu.memory_space<hbm>> -> memref<128x128xf32, #tpu.memory_space<hbm>>
    %dma_start3A_301 = arith.constant 0 : i32
    %dma_start3A_302 = tpu.memref_slice %arg7[%add3A_298, %dma_start3A_301] : memref<16384x128xf32, #tpu.memory_space<hbm>> -> memref<128x128xf32, #tpu.memory_space<hbm>>
    tpu.enqueue_dma source(%arg12 : memref<128x128xf32, #tpu.memory_space<vmem>>) target(%dma_start3A_302 : memref<128x128xf32, #tpu.memory_space<hbm>>) target_semaphore(%arg16 : memref<!tpu.dma_semaphore, #tpu.memory_space<semaphore_mem>>)
    %dma_wait3A_303 = arith.constant 1 : i32
    %dma_wait3A_304 = arith.constant 0 : i32
    %dma_wait3A_305 = tpu.memref_slice %arg9[%dma_wait3A_303, %dma_wait3A_304] : memref<2x128xi32, #tpu.memory_space<vmem>> -> memref<1x128xi32, #tpu.memory_space<vmem>>
    %dma_wait3A_306 = tpu.memref_squeeze %dma_wait3A_305 : memref<1x128xi32, #tpu.memory_space<vmem>> -> memref<128xi32, #tpu.memory_space<vmem>>
    %dma_wait3A_307 = arith.constant 0 : i32
    %dma_wait3A_308 = arith.constant 0 : i32
    %dma_wait3A_309 = tpu.memref_slice %arg4[%dma_wait3A_307, %dma_wait3A_308] : memref<16384x128xf32, #tpu.memory_space<hbm>> -> memref<16384x128xf32, #tpu.memory_space<hbm>>
    tpu.wait_indirect_dma semaphore(%arg15 : memref<!tpu.dma_semaphore, #tpu.memory_space<semaphore_mem>>) src(%dma_wait3A_309 : memref<16384x128xf32, #tpu.memory_space<hbm>>) dst(%arg13 : memref<128x128xf32, #tpu.memory_space<vmem>>)
    %add3A_310 = arith.constant 384 : i32
    %add3A_311 = arith.addi %mul3A_2, %add3A_310 : i32
    %dma_start3A_312 = arith.constant 0 : i32
    %dma_start3A_313 = tpu.memref_slice %arg7[%add3A_311, %dma_start3A_312] : memref<16384x128xf32, #tpu.memory_space<hbm>> -> memref<128x128xf32, #tpu.memory_space<hbm>>
    %dma_start3A_314 = arith.constant 0 : i32
    %dma_start3A_315 = tpu.memref_slice %arg7[%add3A_311, %dma_start3A_314] : memref<16384x128xf32, #tpu.memory_space<hbm>> -> memref<128x128xf32, #tpu.memory_space<hbm>>
    tpu.enqueue_dma source(%arg13 : memref<128x128xf32, #tpu.memory_space<vmem>>) target(%dma_start3A_315 : memref<128x128xf32, #tpu.memory_space<hbm>>) target_semaphore(%arg17 : memref<!tpu.dma_semaphore, #tpu.memory_space<semaphore_mem>>)
    %dma_wait3A_316 = arith.constant 0 : i32
    %dma_wait3A_317 = tpu.memref_slice %arg7[%add3A_298, %dma_wait3A_316] : memref<16384x128xf32, #tpu.memory_space<hbm>> -> memref<128x128xf32, #tpu.memory_space<hbm>>
    %dma_wait3A_318 = arith.constant 0 : i32
    %dma_wait3A_319 = tpu.memref_slice %arg7[%add3A_298, %dma_wait3A_318] : memref<16384x128xf32, #tpu.memory_space<hbm>> -> memref<128x128xf32, #tpu.memory_space<hbm>>
    tpu.wait_dma2 semaphore(%arg16 : memref<!tpu.dma_semaphore, #tpu.memory_space<semaphore_mem>>) src(%arg12 : memref<128x128xf32, #tpu.memory_space<vmem>>) dst(%dma_wait3A_319 : memref<128x128xf32, #tpu.memory_space<hbm>>)
    %dma_wait3A_320 = arith.constant 0 : i32
    %dma_wait3A_321 = tpu.memref_slice %arg7[%add3A_311, %dma_wait3A_320] : memref<16384x128xf32, #tpu.memory_space<hbm>> -> memref<128x128xf32, #tpu.memory_space<hbm>>
    %dma_wait3A_322 = arith.constant 0 : i32
    %dma_wait3A_323 = tpu.memref_slice %arg7[%add3A_311, %dma_wait3A_322] : memref<16384x128xf32, #tpu.memory_space<hbm>> -> memref<128x128xf32, #tpu.memory_space<hbm>>
    tpu.wait_dma2 semaphore(%arg17 : memref<!tpu.dma_semaphore, #tpu.memory_space<semaphore_mem>>) src(%arg13 : memref<128x128xf32, #tpu.memory_space<vmem>>) dst(%dma_wait3A_323 : memref<128x128xf32, #tpu.memory_space<hbm>>)
    return
  }
}

#map = affine_map<(d0, d1) -> (0)>
module attributes {stable_mosaic.version = 14 : i64} {
  func.func @_winner_call(%arg0: i32, %arg1: i32, %arg2: memref<16384xi32, #tpu.memory_space<hbm>>, %arg3: memref<100096xi32, #tpu.memory_space<hbm>>, %arg4: memref<16384xi32, #tpu.memory_space<hbm>>, %arg5: memref<100000xi32, #tpu.memory_space<vmem>>, %arg6: memref<1024xi32, #tpu.memory_space<vmem>>, %arg7: memref<1024xi32, #tpu.memory_space<vmem>>, %arg8: memref<1024xi32, #tpu.memory_space<vmem>>, %arg9: memref<8x128xi32, #tpu.memory_space<vmem>>, %arg10: memref<6256xi32, #tpu.memory_space<vmem>>, %arg11: memref<100096xi32, #tpu.memory_space<vmem_shared>>, %arg12: memref<100096xi32, #tpu.memory_space<vmem_shared>>) attributes {dimension_semantics = [#tpu.dimension_semantics<core_parallel>, #tpu.dimension_semantics<subcore_parallel>], iteration_bounds = array<i64: 2, 16>, scalar_prefetch = 0 : i64, scratch_operands = 8 : i64, tpu.core_type = #tpu.core_type<sc_vector_subcore>, window_params = [{transform_indices = #map}, {transform_indices = #map}, {transform_indices = #map}]} {
    %iota3A = tpu.iota {dimensions = array<i32: 0>} : vector<16xi32>
    %eq3A = arith.constant 0 : i32
    %eq3A_0 = arith.cmpi eq, %arg0, %eq3A : i32
    %convert_element_type3A = arith.extui %eq3A_0 : i1 to i32
    %cond3A = arith.constant 0 : i32
    %cond3A_1 = arith.cmpi ne, %convert_element_type3A, %cond3A : i32
    scf.if %cond3A_1 {
      %mul3A = arith.constant 6256 : i32
      %mul3A_2 = arith.muli %arg1, %mul3A : i32
      "tpu.region"() ({
        %run_scoped3A_427 = tpu.sem_alloc : memref<!tpu.dma_semaphore, #tpu.memory_space<semaphore_mem>>
        %dma_start3A = tpu.memref_slice %arg3[%mul3A_2] : memref<100096xi32, #tpu.memory_space<hbm>> -> memref<6256xi32, #tpu.memory_space<hbm>>
        %dma_start3A_428 = tpu.memref_slice %arg3[%mul3A_2] : memref<100096xi32, #tpu.memory_space<hbm>> -> memref<6256xi32, #tpu.memory_space<hbm>>
        tpu.enqueue_dma source(%dma_start3A_428 : memref<6256xi32, #tpu.memory_space<hbm>>) target(%arg10 : memref<6256xi32, #tpu.memory_space<vmem>>) target_semaphore(%run_scoped3A_427 : memref<!tpu.dma_semaphore, #tpu.memory_space<semaphore_mem>>)
        %dma_wait3A = tpu.memref_slice %arg3[%mul3A_2] : memref<100096xi32, #tpu.memory_space<hbm>> -> memref<6256xi32, #tpu.memory_space<hbm>>
        %dma_wait3A_429 = tpu.memref_slice %arg3[%mul3A_2] : memref<100096xi32, #tpu.memory_space<hbm>> -> memref<6256xi32, #tpu.memory_space<hbm>>
        tpu.wait_dma2 semaphore(%run_scoped3A_427 : memref<!tpu.dma_semaphore, #tpu.memory_space<semaphore_mem>>) src(%dma_wait3A_429 : memref<6256xi32, #tpu.memory_space<hbm>>) dst(%arg10 : memref<6256xi32, #tpu.memory_space<vmem>>)
        tpu.yield
      }) : () -> ()
      %mul3A_3 = arith.constant 6256 : i32
      %mul3A_4 = arith.muli %arg1, %mul3A_3 : i32
      "tpu.region"() ({
        %run_scoped3A_427 = tpu.sem_alloc : memref<!tpu.dma_semaphore, #tpu.memory_space<semaphore_mem>>
        %dma_start3A = tpu.memref_slice %arg11[%mul3A_4] : memref<100096xi32, #tpu.memory_space<vmem_shared>> -> memref<6256xi32, #tpu.memory_space<vmem_shared>>
        %dma_start3A_428 = tpu.memref_slice %arg11[%mul3A_4] : memref<100096xi32, #tpu.memory_space<vmem_shared>> -> memref<6256xi32, #tpu.memory_space<vmem_shared>>
        tpu.enqueue_dma source(%arg10 : memref<6256xi32, #tpu.memory_space<vmem>>) target(%dma_start3A_428 : memref<6256xi32, #tpu.memory_space<vmem_shared>>) target_semaphore(%run_scoped3A_427 : memref<!tpu.dma_semaphore, #tpu.memory_space<semaphore_mem>>)
        %dma_wait3A = tpu.memref_slice %arg11[%mul3A_4] : memref<100096xi32, #tpu.memory_space<vmem_shared>> -> memref<6256xi32, #tpu.memory_space<vmem_shared>>
        %dma_wait3A_429 = tpu.memref_slice %arg11[%mul3A_4] : memref<100096xi32, #tpu.memory_space<vmem_shared>> -> memref<6256xi32, #tpu.memory_space<vmem_shared>>
        tpu.wait_dma2 semaphore(%run_scoped3A_427 : memref<!tpu.dma_semaphore, #tpu.memory_space<semaphore_mem>>) src(%arg10 : memref<6256xi32, #tpu.memory_space<vmem>>) dst(%dma_wait3A_429 : memref<6256xi32, #tpu.memory_space<vmem_shared>>)
        tpu.yield
      }) : () -> ()
      %mul3A_5 = arith.constant 6256 : i32
      %mul3A_6 = arith.muli %arg1, %mul3A_5 : i32
      "tpu.region"() ({
        %run_scoped3A_427 = tpu.sem_alloc : memref<!tpu.dma_semaphore, #tpu.memory_space<semaphore_mem>>
        %dma_start3A = tpu.memref_slice %arg12[%mul3A_6] : memref<100096xi32, #tpu.memory_space<vmem_shared>> -> memref<6256xi32, #tpu.memory_space<vmem_shared>>
        %dma_start3A_428 = tpu.memref_slice %arg12[%mul3A_6] : memref<100096xi32, #tpu.memory_space<vmem_shared>> -> memref<6256xi32, #tpu.memory_space<vmem_shared>>
        tpu.enqueue_dma source(%arg10 : memref<6256xi32, #tpu.memory_space<vmem>>) target(%dma_start3A_428 : memref<6256xi32, #tpu.memory_space<vmem_shared>>) target_semaphore(%run_scoped3A_427 : memref<!tpu.dma_semaphore, #tpu.memory_space<semaphore_mem>>)
        %dma_wait3A = tpu.memref_slice %arg12[%mul3A_6] : memref<100096xi32, #tpu.memory_space<vmem_shared>> -> memref<6256xi32, #tpu.memory_space<vmem_shared>>
        %dma_wait3A_429 = tpu.memref_slice %arg12[%mul3A_6] : memref<100096xi32, #tpu.memory_space<vmem_shared>> -> memref<6256xi32, #tpu.memory_space<vmem_shared>>
        tpu.wait_dma2 semaphore(%run_scoped3A_427 : memref<!tpu.dma_semaphore, #tpu.memory_space<semaphore_mem>>) src(%arg10 : memref<6256xi32, #tpu.memory_space<vmem>>) dst(%dma_wait3A_429 : memref<6256xi32, #tpu.memory_space<vmem_shared>>)
        tpu.yield
      }) : () -> ()
      %mul3A_7 = arith.constant 1024 : i32
      %mul3A_8 = arith.muli %arg1, %mul3A_7 : i32
      "tpu.region"() ({
        %run_scoped3A_427 = tpu.sem_alloc : memref<!tpu.dma_semaphore, #tpu.memory_space<semaphore_mem>>
        %dma_start3A = tpu.memref_slice %arg2[%mul3A_8] : memref<16384xi32, #tpu.memory_space<hbm>> -> memref<1024xi32, #tpu.memory_space<hbm>>
        %dma_start3A_428 = tpu.memref_slice %arg2[%mul3A_8] : memref<16384xi32, #tpu.memory_space<hbm>> -> memref<1024xi32, #tpu.memory_space<hbm>>
        tpu.enqueue_dma source(%dma_start3A_428 : memref<1024xi32, #tpu.memory_space<hbm>>) target(%arg6 : memref<1024xi32, #tpu.memory_space<vmem>>) target_semaphore(%run_scoped3A_427 : memref<!tpu.dma_semaphore, #tpu.memory_space<semaphore_mem>>)
        %dma_wait3A = tpu.memref_slice %arg2[%mul3A_8] : memref<16384xi32, #tpu.memory_space<hbm>> -> memref<1024xi32, #tpu.memory_space<hbm>>
        %dma_wait3A_429 = tpu.memref_slice %arg2[%mul3A_8] : memref<16384xi32, #tpu.memory_space<hbm>> -> memref<1024xi32, #tpu.memory_space<hbm>>
        tpu.wait_dma2 semaphore(%run_scoped3A_427 : memref<!tpu.dma_semaphore, #tpu.memory_space<semaphore_mem>>) src(%dma_wait3A_429 : memref<1024xi32, #tpu.memory_space<hbm>>) dst(%arg6 : memref<1024xi32, #tpu.memory_space<vmem>>)
        tpu.yield
      }) : () -> ()
      %scan3A = arith.constant 0 : i32
      %scan3A_9 = arith.constant 0 : i32
      %scan3A_10 = arith.constant 64 : i32
      %scan3A_11 = arith.addi %scan3A_9, %scan3A_10 : i32
      %scan3A_12 = arith.constant 1 : i32
      scf.for %scan3A_427 = %scan3A_9 to %scan3A_11 step %scan3A_12  : i32 {
        %mul3A_428 = arith.constant 16 : i32
        %mul3A_429 = arith.muli %scan3A_427, %mul3A_428 : i32
        %get3A_430 = arith.index_cast %mul3A_429 : i32 to index
        %get3A_431 = tpu.vector_load %arg6[%get3A_430] {strides = array<i32>} : memref<1024xi32, #tpu.memory_space<vmem>>, vector<16xi32>,
        %mul3A_432 = arith.constant 16 : i32
        %mul3A_433 = arith.muli %scan3A_427, %mul3A_432 : i32
        %add3A_434 = arith.addi %mul3A_8, %mul3A_433 : i32
        %add3A_435 = vector.broadcast %add3A_434 : i32 to vector<16xi32>
        %add3A_436 = arith.addi %iota3A, %add3A_435 : vector<16xi32>
        tpu.vector_store_idx %arg5[%get3A_431], %add3A_436 : memref<100000xi32, #tpu.memory_space<vmem>>[vector<16xi32>], vector<16xi32>,
        %gather3A = tpu.vector_load_idx %arg5[%get3A_431] : memref<100000xi32, #tpu.memory_space<vmem>>[vector<16xi32>], vector<16xi32>,
        %ne3A = arith.cmpi ne, %gather3A, %add3A_436 : vector<16xi32>
        %convert_element_type3A_437 = arith.extui %ne3A : vector<16xi1> to vector<16xi32>
        %reduce_sum3A = arith.constant true
        %reduce_sum3A_438 = vector.broadcast %reduce_sum3A : i1 to vector<16xi1>
        %reduce_sum3A_439 = tpu.scan <sum>, %convert_element_type3A_437 masked %reduce_sum3A_438 : vector<16xi32>, vector<16xi1> -> vector<16xi32>
        %reduce_sum3A_440 = vector.extract %reduce_sum3A_439[15] : i32 from vector<16xi32>
        %gt3A = arith.constant 0 : i32
        %gt3A_441 = arith.cmpi sgt, %reduce_sum3A_440, %gt3A : i32
        %convert_element_type3A_442 = arith.extui %gt3A_441 : i1 to i32
        %cond3A_443 = arith.constant 0 : i32
        %cond3A_444 = arith.cmpi ne, %convert_element_type3A_442, %cond3A_443 : i32
        scf.if %cond3A_444 {
          %eq3A_445 = arith.constant 0 : i32
          %eq3A_446 = vector.broadcast %eq3A_445 : i32 to vector<16xi32>
          %eq3A_447 = arith.cmpi eq, %iota3A, %eq3A_446 : vector<16xi32>
          tpu.vector_store_idx %arg5[%get3A_431], %add3A_436 masked %eq3A_447 : memref<100000xi32, #tpu.memory_space<vmem>>[vector<16xi32>], vector<16xi32>, vector<16xi1>
          %eq3A_448 = arith.constant 1 : i32
          %eq3A_449 = vector.broadcast %eq3A_448 : i32 to vector<16xi32>
          %eq3A_450 = arith.cmpi eq, %iota3A, %eq3A_449 : vector<16xi32>
          tpu.vector_store_idx %arg5[%get3A_431], %add3A_436 masked %eq3A_450 : memref<100000xi32, #tpu.memory_space<vmem>>[vector<16xi32>], vector<16xi32>, vector<16xi1>
          %eq3A_451 = arith.constant 2 : i32
          %eq3A_452 = vector.broadcast %eq3A_451 : i32 to vector<16xi32>
          %eq3A_453 = arith.cmpi eq, %iota3A, %eq3A_452 : vector<16xi32>
          tpu.vector_store_idx %arg5[%get3A_431], %add3A_436 masked %eq3A_453 : memref<100000xi32, #tpu.memory_space<vmem>>[vector<16xi32>], vector<16xi32>, vector<16xi1>
          %eq3A_454 = arith.constant 3 : i32
          %eq3A_455 = vector.broadcast %eq3A_454 : i32 to vector<16xi32>
          %eq3A_456 = arith.cmpi eq, %iota3A, %eq3A_455 : vector<16xi32>
          tpu.vector_store_idx %arg5[%get3A_431], %add3A_436 masked %eq3A_456 : memref<100000xi32, #tpu.memory_space<vmem>>[vector<16xi32>], vector<16xi32>, vector<16xi1>
          %eq3A_457 = arith.constant 4 : i32
          %eq3A_458 = vector.broadcast %eq3A_457 : i32 to vector<16xi32>
          %eq3A_459 = arith.cmpi eq, %iota3A, %eq3A_458 : vector<16xi32>
          tpu.vector_store_idx %arg5[%get3A_431], %add3A_436 masked %eq3A_459 : memref<100000xi32, #tpu.memory_space<vmem>>[vector<16xi32>], vector<16xi32>, vector<16xi1>
          %eq3A_460 = arith.constant 5 : i32
          %eq3A_461 = vector.broadcast %eq3A_460 : i32 to vector<16xi32>
          %eq3A_462 = arith.cmpi eq, %iota3A, %eq3A_461 : vector<16xi32>
          tpu.vector_store_idx %arg5[%get3A_431], %add3A_436 masked %eq3A_462 : memref<100000xi32, #tpu.memory_space<vmem>>[vector<16xi32>], vector<16xi32>, vector<16xi1>
          %eq3A_463 = arith.constant 6 : i32
          %eq3A_464 = vector.broadcast %eq3A_463 : i32 to vector<16xi32>
          %eq3A_465 = arith.cmpi eq, %iota3A, %eq3A_464 : vector<16xi32>
          tpu.vector_store_idx %arg5[%get3A_431], %add3A_436 masked %eq3A_465 : memref<100000xi32, #tpu.memory_space<vmem>>[vector<16xi32>], vector<16xi32>, vector<16xi1>
          %eq3A_466 = arith.constant 7 : i32
          %eq3A_467 = vector.broadcast %eq3A_466 : i32 to vector<16xi32>
          %eq3A_468 = arith.cmpi eq, %iota3A, %eq3A_467 : vector<16xi32>
          tpu.vector_store_idx %arg5[%get3A_431], %add3A_436 masked %eq3A_468 : memref<100000xi32, #tpu.memory_space<vmem>>[vector<16xi32>], vector<16xi32>, vector<16xi1>
          %eq3A_469 = arith.constant 8 : i32
          %eq3A_470 = vector.broadcast %eq3A_469 : i32 to vector<16xi32>
          %eq3A_471 = arith.cmpi eq, %iota3A, %eq3A_470 : vector<16xi32>
          tpu.vector_store_idx %arg5[%get3A_431], %add3A_436 masked %eq3A_471 : memref<100000xi32, #tpu.memory_space<vmem>>[vector<16xi32>], vector<16xi32>, vector<16xi1>
          %eq3A_472 = arith.constant 9 : i32
          %eq3A_473 = vector.broadcast %eq3A_472 : i32 to vector<16xi32>
          %eq3A_474 = arith.cmpi eq, %iota3A, %eq3A_473 : vector<16xi32>
          tpu.vector_store_idx %arg5[%get3A_431], %add3A_436 masked %eq3A_474 : memref<100000xi32, #tpu.memory_space<vmem>>[vector<16xi32>], vector<16xi32>, vector<16xi1>
          %eq3A_475 = arith.constant 10 : i32
          %eq3A_476 = vector.broadcast %eq3A_475 : i32 to vector<16xi32>
          %eq3A_477 = arith.cmpi eq, %iota3A, %eq3A_476 : vector<16xi32>
          tpu.vector_store_idx %arg5[%get3A_431], %add3A_436 masked %eq3A_477 : memref<100000xi32, #tpu.memory_space<vmem>>[vector<16xi32>], vector<16xi32>, vector<16xi1>
          %eq3A_478 = arith.constant 11 : i32
          %eq3A_479 = vector.broadcast %eq3A_478 : i32 to vector<16xi32>
          %eq3A_480 = arith.cmpi eq, %iota3A, %eq3A_479 : vector<16xi32>
          tpu.vector_store_idx %arg5[%get3A_431], %add3A_436 masked %eq3A_480 : memref<100000xi32, #tpu.memory_space<vmem>>[vector<16xi32>], vector<16xi32>, vector<16xi1>
          %eq3A_481 = arith.constant 12 : i32
          %eq3A_482 = vector.broadcast %eq3A_481 : i32 to vector<16xi32>
          %eq3A_483 = arith.cmpi eq, %iota3A, %eq3A_482 : vector<16xi32>
          tpu.vector_store_idx %arg5[%get3A_431], %add3A_436 masked %eq3A_483 : memref<100000xi32, #tpu.memory_space<vmem>>[vector<16xi32>], vector<16xi32>, vector<16xi1>
          %eq3A_484 = arith.constant 13 : i32
          %eq3A_485 = vector.broadcast %eq3A_484 : i32 to vector<16xi32>
          %eq3A_486 = arith.cmpi eq, %iota3A, %eq3A_485 : vector<16xi32>
          tpu.vector_store_idx %arg5[%get3A_431], %add3A_436 masked %eq3A_486 : memref<100000xi32, #tpu.memory_space<vmem>>[vector<16xi32>], vector<16xi32>, vector<16xi1>
          %eq3A_487 = arith.constant 14 : i32
          %eq3A_488 = vector.broadcast %eq3A_487 : i32 to vector<16xi32>
          %eq3A_489 = arith.cmpi eq, %iota3A, %eq3A_488 : vector<16xi32>
          tpu.vector_store_idx %arg5[%get3A_431], %add3A_436 masked %eq3A_489 : memref<100000xi32, #tpu.memory_space<vmem>>[vector<16xi32>], vector<16xi32>, vector<16xi1>
          %eq3A_490 = arith.constant 15 : i32
          %eq3A_491 = vector.broadcast %eq3A_490 : i32 to vector<16xi32>
          %eq3A_492 = arith.cmpi eq, %iota3A, %eq3A_491 : vector<16xi32>
          tpu.vector_store_idx %arg5[%get3A_431], %add3A_436 masked %eq3A_492 : memref<100000xi32, #tpu.memory_space<vmem>>[vector<16xi32>], vector<16xi32>, vector<16xi1>
        } else {
        }
      }
      %scan3A_13 = arith.constant 64 : i32
      %shift_left3A = arith.constant 1 : i32
      %shift_left3A_14 = arith.shli %shift_left3A, %arg1 : i32
      %scan3A_15 = arith.constant 0 : i32
      %scan3A_16 = arith.constant 0 : i32
      %scan3A_17 = arith.constant 64 : i32
      %scan3A_18 = arith.addi %scan3A_16, %scan3A_17 : i32
      %scan3A_19 = arith.constant 1 : i32
      scf.for %scan3A_427 = %scan3A_16 to %scan3A_18 step %scan3A_19  : i32 {
        %mul3A_428 = arith.constant 16 : i32
        %mul3A_429 = arith.muli %scan3A_427, %mul3A_428 : i32
        %get3A_430 = arith.index_cast %mul3A_429 : i32 to index
        %get3A_431 = tpu.vector_load %arg6[%get3A_430] {strides = array<i32>} : memref<1024xi32, #tpu.memory_space<vmem>>, vector<16xi32>,
        %mul3A_432 = arith.constant 16 : i32
        %mul3A_433 = arith.muli %scan3A_427, %mul3A_432 : i32
        %add3A_434 = arith.addi %mul3A_8, %mul3A_433 : i32
        %add3A_435 = vector.broadcast %add3A_434 : i32 to vector<16xi32>
        %add3A_436 = arith.addi %iota3A, %add3A_435 : vector<16xi32>
        %gather3A = tpu.vector_load_idx %arg5[%get3A_431] : memref<100000xi32, #tpu.memory_space<vmem>>[vector<16xi32>], vector<16xi32>,
        %eq3A_437 = arith.cmpi eq, %gather3A, %add3A_436 : vector<16xi32>
        %jit3A = arith.constant 0 : i32
        %broadcast_in_dim3A = vector.broadcast %shift_left3A_14 : i32 to vector<16xi32>
        %broadcast_in_dim3A_438 = vector.broadcast %jit3A : i32 to vector<16xi32>
        %select_n3A = arith.select %eq3A_437, %broadcast_in_dim3A, %broadcast_in_dim3A_438 : vector<16xi1>, vector<16xi32>
        %mul3A_439 = arith.constant 16 : i32
        %mul3A_440 = arith.muli %scan3A_427, %mul3A_439 : i32
        %swap3A_441 = arith.index_cast %mul3A_440 : i32 to index
        %swap3A_442 = tpu.vector_load %arg7[%swap3A_441] {strides = array<i32>} : memref<1024xi32, #tpu.memory_space<vmem>>, vector<16xi32>,
        tpu.vector_store %arg7[%swap3A_441], %select_n3A {strides = array<i32>} : memref<1024xi32, #tpu.memory_space<vmem>>, vector<16xi32>,
      }
      %scan3A_20 = arith.constant 64 : i32
      %get3A = arith.constant 0 : index
      %get3A_21 = tpu.vector_load %arg6[%get3A] {strides = array<i32>} : memref<1024xi32, #tpu.memory_space<vmem>>, vector<16xi32>,
      %swap3A = arith.constant 0 : i32
      %swap3A_22 = arith.index_cast %swap3A : i32 to index
      %swap3A_23 = arith.constant 0 : index
      %swap3A_24 = tpu.vector_load %arg9[%swap3A_22, %swap3A_23] {strides = array<i32>} : memref<8x128xi32, #tpu.memory_space<vmem>>, vector<16xi32>,
      tpu.vector_store %arg9[%swap3A_22, %swap3A_23], %get3A_21 {strides = array<i32>} : memref<8x128xi32, #tpu.memory_space<vmem>>, vector<16xi32>,
      %get3A_25 = arith.constant 16 : index
      %get3A_26 = tpu.vector_load %arg6[%get3A_25] {strides = array<i32>} : memref<1024xi32, #tpu.memory_space<vmem>>, vector<16xi32>,
      %swap3A_27 = arith.constant 0 : i32
      %swap3A_28 = arith.index_cast %swap3A_27 : i32 to index
      %swap3A_29 = arith.constant 16 : index
      %swap3A_30 = tpu.vector_load %arg9[%swap3A_28, %swap3A_29] {strides = array<i32>} : memref<8x128xi32, #tpu.memory_space<vmem>>, vector<16xi32>,
      tpu.vector_store %arg9[%swap3A_28, %swap3A_29], %get3A_26 {strides = array<i32>} : memref<8x128xi32, #tpu.memory_space<vmem>>, vector<16xi32>,
      %get3A_31 = arith.constant 32 : index
      %get3A_32 = tpu.vector_load %arg6[%get3A_31] {strides = array<i32>} : memref<1024xi32, #tpu.memory_space<vmem>>, vector<16xi32>,
      %swap3A_33 = arith.constant 0 : i32
      %swap3A_34 = arith.index_cast %swap3A_33 : i32 to index
      %swap3A_35 = arith.constant 32 : index
      %swap3A_36 = tpu.vector_load %arg9[%swap3A_34, %swap3A_35] {strides = array<i32>} : memref<8x128xi32, #tpu.memory_space<vmem>>, vector<16xi32>,
      tpu.vector_store %arg9[%swap3A_34, %swap3A_35], %get3A_32 {strides = array<i32>} : memref<8x128xi32, #tpu.memory_space<vmem>>, vector<16xi32>,
      %get3A_37 = arith.constant 48 : index
      %get3A_38 = tpu.vector_load %arg6[%get3A_37] {strides = array<i32>} : memref<1024xi32, #tpu.memory_space<vmem>>, vector<16xi32>,
      %swap3A_39 = arith.constant 0 : i32
      %swap3A_40 = arith.index_cast %swap3A_39 : i32 to index
      %swap3A_41 = arith.constant 48 : index
      %swap3A_42 = tpu.vector_load %arg9[%swap3A_40, %swap3A_41] {strides = array<i32>} : memref<8x128xi32, #tpu.memory_space<vmem>>, vector<16xi32>,
      tpu.vector_store %arg9[%swap3A_40, %swap3A_41], %get3A_38 {strides = array<i32>} : memref<8x128xi32, #tpu.memory_space<vmem>>, vector<16xi32>,
      %get3A_43 = arith.constant 64 : index
      %get3A_44 = tpu.vector_load %arg6[%get3A_43] {strides = array<i32>} : memref<1024xi32, #tpu.memory_space<vmem>>, vector<16xi32>,
      %swap3A_45 = arith.constant 0 : i32
      %swap3A_46 = arith.index_cast %swap3A_45 : i32 to index
      %swap3A_47 = arith.constant 64 : index
      %swap3A_48 = tpu.vector_load %arg9[%swap3A_46, %swap3A_47] {strides = array<i32>} : memref<8x128xi32, #tpu.memory_space<vmem>>, vector<16xi32>,
      tpu.vector_store %arg9[%swap3A_46, %swap3A_47], %get3A_44 {strides = array<i32>} : memref<8x128xi32, #tpu.memory_space<vmem>>, vector<16xi32>,
      %get3A_49 = arith.constant 80 : index
      %get3A_50 = tpu.vector_load %arg6[%get3A_49] {strides = array<i32>} : memref<1024xi32, #tpu.memory_space<vmem>>, vector<16xi32>,
      %swap3A_51 = arith.constant 0 : i32
      %swap3A_52 = arith.index_cast %swap3A_51 : i32 to index
      %swap3A_53 = arith.constant 80 : index
      %swap3A_54 = tpu.vector_load %arg9[%swap3A_52, %swap3A_53] {strides = array<i32>} : memref<8x128xi32, #tpu.memory_space<vmem>>, vector<16xi32>,
      tpu.vector_store %arg9[%swap3A_52, %swap3A_53], %get3A_50 {strides = array<i32>} : memref<8x128xi32, #tpu.memory_space<vmem>>, vector<16xi32>,
      %get3A_55 = arith.constant 96 : index
      %get3A_56 = tpu.vector_load %arg6[%get3A_55] {strides = array<i32>} : memref<1024xi32, #tpu.memory_space<vmem>>, vector<16xi32>,
      %swap3A_57 = arith.constant 0 : i32
      %swap3A_58 = arith.index_cast %swap3A_57 : i32 to index
      %swap3A_59 = arith.constant 96 : index
      %swap3A_60 = tpu.vector_load %arg9[%swap3A_58, %swap3A_59] {strides = array<i32>} : memref<8x128xi32, #tpu.memory_space<vmem>>, vector<16xi32>,
      tpu.vector_store %arg9[%swap3A_58, %swap3A_59], %get3A_56 {strides = array<i32>} : memref<8x128xi32, #tpu.memory_space<vmem>>, vector<16xi32>,
      %get3A_61 = arith.constant 112 : index
      %get3A_62 = tpu.vector_load %arg6[%get3A_61] {strides = array<i32>} : memref<1024xi32, #tpu.memory_space<vmem>>, vector<16xi32>,
      %swap3A_63 = arith.constant 0 : i32
      %swap3A_64 = arith.index_cast %swap3A_63 : i32 to index
      %swap3A_65 = arith.constant 112 : index
      %swap3A_66 = tpu.vector_load %arg9[%swap3A_64, %swap3A_65] {strides = array<i32>} : memref<8x128xi32, #tpu.memory_space<vmem>>, vector<16xi32>,
      tpu.vector_store %arg9[%swap3A_64, %swap3A_65], %get3A_62 {strides = array<i32>} : memref<8x128xi32, #tpu.memory_space<vmem>>, vector<16xi32>,
      %get3A_67 = arith.constant 128 : index
      %get3A_68 = tpu.vector_load %arg6[%get3A_67] {strides = array<i32>} : memref<1024xi32, #tpu.memory_space<vmem>>, vector<16xi32>,
      %swap3A_69 = arith.constant 1 : i32
      %swap3A_70 = arith.index_cast %swap3A_69 : i32 to index
      %swap3A_71 = arith.constant 0 : index
      %swap3A_72 = tpu.vector_load %arg9[%swap3A_70, %swap3A_71] {strides = array<i32>} : memref<8x128xi32, #tpu.memory_space<vmem>>, vector<16xi32>,
      tpu.vector_store %arg9[%swap3A_70, %swap3A_71], %get3A_68 {strides = array<i32>} : memref<8x128xi32, #tpu.memory_space<vmem>>, vector<16xi32>,
      %get3A_73 = arith.constant 144 : index
      %get3A_74 = tpu.vector_load %arg6[%get3A_73] {strides = array<i32>} : memref<1024xi32, #tpu.memory_space<vmem>>, vector<16xi32>,
      %swap3A_75 = arith.constant 1 : i32
      %swap3A_76 = arith.index_cast %swap3A_75 : i32 to index
      %swap3A_77 = arith.constant 16 : index
      %swap3A_78 = tpu.vector_load %arg9[%swap3A_76, %swap3A_77] {strides = array<i32>} : memref<8x128xi32, #tpu.memory_space<vmem>>, vector<16xi32>,
      tpu.vector_store %arg9[%swap3A_76, %swap3A_77], %get3A_74 {strides = array<i32>} : memref<8x128xi32, #tpu.memory_space<vmem>>, vector<16xi32>,
      %get3A_79 = arith.constant 160 : index
      %get3A_80 = tpu.vector_load %arg6[%get3A_79] {strides = array<i32>} : memref<1024xi32, #tpu.memory_space<vmem>>, vector<16xi32>,
      %swap3A_81 = arith.constant 1 : i32
      %swap3A_82 = arith.index_cast %swap3A_81 : i32 to index
      %swap3A_83 = arith.constant 32 : index
      %swap3A_84 = tpu.vector_load %arg9[%swap3A_82, %swap3A_83] {strides = array<i32>} : memref<8x128xi32, #tpu.memory_space<vmem>>, vector<16xi32>,
      tpu.vector_store %arg9[%swap3A_82, %swap3A_83], %get3A_80 {strides = array<i32>} : memref<8x128xi32, #tpu.memory_space<vmem>>, vector<16xi32>,
      %get3A_85 = arith.constant 176 : index
      %get3A_86 = tpu.vector_load %arg6[%get3A_85] {strides = array<i32>} : memref<1024xi32, #tpu.memory_space<vmem>>, vector<16xi32>,
      %swap3A_87 = arith.constant 1 : i32
      %swap3A_88 = arith.index_cast %swap3A_87 : i32 to index
      %swap3A_89 = arith.constant 48 : index
      %swap3A_90 = tpu.vector_load %arg9[%swap3A_88, %swap3A_89] {strides = array<i32>} : memref<8x128xi32, #tpu.memory_space<vmem>>, vector<16xi32>,
      tpu.vector_store %arg9[%swap3A_88, %swap3A_89], %get3A_86 {strides = array<i32>} : memref<8x128xi32, #tpu.memory_space<vmem>>, vector<16xi32>,
      %get3A_91 = arith.constant 192 : index
      %get3A_92 = tpu.vector_load %arg6[%get3A_91] {strides = array<i32>} : memref<1024xi32, #tpu.memory_space<vmem>>, vector<16xi32>,
      %swap3A_93 = arith.constant 1 : i32
      %swap3A_94 = arith.index_cast %swap3A_93 : i32 to index
      %swap3A_95 = arith.constant 64 : index
      %swap3A_96 = tpu.vector_load %arg9[%swap3A_94, %swap3A_95] {strides = array<i32>} : memref<8x128xi32, #tpu.memory_space<vmem>>, vector<16xi32>,
      tpu.vector_store %arg9[%swap3A_94, %swap3A_95], %get3A_92 {strides = array<i32>} : memref<8x128xi32, #tpu.memory_space<vmem>>, vector<16xi32>,
      %get3A_97 = arith.constant 208 : index
      %get3A_98 = tpu.vector_load %arg6[%get3A_97] {strides = array<i32>} : memref<1024xi32, #tpu.memory_space<vmem>>, vector<16xi32>,
      %swap3A_99 = arith.constant 1 : i32
      %swap3A_100 = arith.index_cast %swap3A_99 : i32 to index
      %swap3A_101 = arith.constant 80 : index
      %swap3A_102 = tpu.vector_load %arg9[%swap3A_100, %swap3A_101] {strides = array<i32>} : memref<8x128xi32, #tpu.memory_space<vmem>>, vector<16xi32>,
      tpu.vector_store %arg9[%swap3A_100, %swap3A_101], %get3A_98 {strides = array<i32>} : memref<8x128xi32, #tpu.memory_space<vmem>>, vector<16xi32>,
      %get3A_103 = arith.constant 224 : index
      %get3A_104 = tpu.vector_load %arg6[%get3A_103] {strides = array<i32>} : memref<1024xi32, #tpu.memory_space<vmem>>, vector<16xi32>,
      %swap3A_105 = arith.constant 1 : i32
      %swap3A_106 = arith.index_cast %swap3A_105 : i32 to index
      %swap3A_107 = arith.constant 96 : index
      %swap3A_108 = tpu.vector_load %arg9[%swap3A_106, %swap3A_107] {strides = array<i32>} : memref<8x128xi32, #tpu.memory_space<vmem>>, vector<16xi32>,
      tpu.vector_store %arg9[%swap3A_106, %swap3A_107], %get3A_104 {strides = array<i32>} : memref<8x128xi32, #tpu.memory_space<vmem>>, vector<16xi32>,
      %get3A_109 = arith.constant 240 : index
      %get3A_110 = tpu.vector_load %arg6[%get3A_109] {strides = array<i32>} : memref<1024xi32, #tpu.memory_space<vmem>>, vector<16xi32>,
      %swap3A_111 = arith.constant 1 : i32
      %swap3A_112 = arith.index_cast %swap3A_111 : i32 to index
      %swap3A_113 = arith.constant 112 : index
      %swap3A_114 = tpu.vector_load %arg9[%swap3A_112, %swap3A_113] {strides = array<i32>} : memref<8x128xi32, #tpu.memory_space<vmem>>, vector<16xi32>,
      tpu.vector_store %arg9[%swap3A_112, %swap3A_113], %get3A_110 {strides = array<i32>} : memref<8x128xi32, #tpu.memory_space<vmem>>, vector<16xi32>,
      %get3A_115 = arith.constant 256 : index
      %get3A_116 = tpu.vector_load %arg6[%get3A_115] {strides = array<i32>} : memref<1024xi32, #tpu.memory_space<vmem>>, vector<16xi32>,
      %swap3A_117 = arith.constant 2 : i32
      %swap3A_118 = arith.index_cast %swap3A_117 : i32 to index
      %swap3A_119 = arith.constant 0 : index
      %swap3A_120 = tpu.vector_load %arg9[%swap3A_118, %swap3A_119] {strides = array<i32>} : memref<8x128xi32, #tpu.memory_space<vmem>>, vector<16xi32>,
      tpu.vector_store %arg9[%swap3A_118, %swap3A_119], %get3A_116 {strides = array<i32>} : memref<8x128xi32, #tpu.memory_space<vmem>>, vector<16xi32>,
      %get3A_121 = arith.constant 272 : index
      %get3A_122 = tpu.vector_load %arg6[%get3A_121] {strides = array<i32>} : memref<1024xi32, #tpu.memory_space<vmem>>, vector<16xi32>,
      %swap3A_123 = arith.constant 2 : i32
      %swap3A_124 = arith.index_cast %swap3A_123 : i32 to index
      %swap3A_125 = arith.constant 16 : index
      %swap3A_126 = tpu.vector_load %arg9[%swap3A_124, %swap3A_125] {strides = array<i32>} : memref<8x128xi32, #tpu.memory_space<vmem>>, vector<16xi32>,
      tpu.vector_store %arg9[%swap3A_124, %swap3A_125], %get3A_122 {strides = array<i32>} : memref<8x128xi32, #tpu.memory_space<vmem>>, vector<16xi32>,
      %get3A_127 = arith.constant 288 : index
      %get3A_128 = tpu.vector_load %arg6[%get3A_127] {strides = array<i32>} : memref<1024xi32, #tpu.memory_space<vmem>>, vector<16xi32>,
      %swap3A_129 = arith.constant 2 : i32
      %swap3A_130 = arith.index_cast %swap3A_129 : i32 to index
      %swap3A_131 = arith.constant 32 : index
      %swap3A_132 = tpu.vector_load %arg9[%swap3A_130, %swap3A_131] {strides = array<i32>} : memref<8x128xi32, #tpu.memory_space<vmem>>, vector<16xi32>,
      tpu.vector_store %arg9[%swap3A_130, %swap3A_131], %get3A_128 {strides = array<i32>} : memref<8x128xi32, #tpu.memory_space<vmem>>, vector<16xi32>,
      %get3A_133 = arith.constant 304 : index
      %get3A_134 = tpu.vector_load %arg6[%get3A_133] {strides = array<i32>} : memref<1024xi32, #tpu.memory_space<vmem>>, vector<16xi32>,
      %swap3A_135 = arith.constant 2 : i32
      %swap3A_136 = arith.index_cast %swap3A_135 : i32 to index
      %swap3A_137 = arith.constant 48 : index
      %swap3A_138 = tpu.vector_load %arg9[%swap3A_136, %swap3A_137] {strides = array<i32>} : memref<8x128xi32, #tpu.memory_space<vmem>>, vector<16xi32>,
      tpu.vector_store %arg9[%swap3A_136, %swap3A_137], %get3A_134 {strides = array<i32>} : memref<8x128xi32, #tpu.memory_space<vmem>>, vector<16xi32>,
      %get3A_139 = arith.constant 320 : index
      %get3A_140 = tpu.vector_load %arg6[%get3A_139] {strides = array<i32>} : memref<1024xi32, #tpu.memory_space<vmem>>, vector<16xi32>,
      %swap3A_141 = arith.constant 2 : i32
      %swap3A_142 = arith.index_cast %swap3A_141 : i32 to index
      %swap3A_143 = arith.constant 64 : index
      %swap3A_144 = tpu.vector_load %arg9[%swap3A_142, %swap3A_143] {strides = array<i32>} : memref<8x128xi32, #tpu.memory_space<vmem>>, vector<16xi32>,
      tpu.vector_store %arg9[%swap3A_142, %swap3A_143], %get3A_140 {strides = array<i32>} : memref<8x128xi32, #tpu.memory_space<vmem>>, vector<16xi32>,
      %get3A_145 = arith.constant 336 : index
      %get3A_146 = tpu.vector_load %arg6[%get3A_145] {strides = array<i32>} : memref<1024xi32, #tpu.memory_space<vmem>>, vector<16xi32>,
      %swap3A_147 = arith.constant 2 : i32
      %swap3A_148 = arith.index_cast %swap3A_147 : i32 to index
      %swap3A_149 = arith.constant 80 : index
      %swap3A_150 = tpu.vector_load %arg9[%swap3A_148, %swap3A_149] {strides = array<i32>} : memref<8x128xi32, #tpu.memory_space<vmem>>, vector<16xi32>,
      tpu.vector_store %arg9[%swap3A_148, %swap3A_149], %get3A_146 {strides = array<i32>} : memref<8x128xi32, #tpu.memory_space<vmem>>, vector<16xi32>,
      %get3A_151 = arith.constant 352 : index
      %get3A_152 = tpu.vector_load %arg6[%get3A_151] {strides = array<i32>} : memref<1024xi32, #tpu.memory_space<vmem>>, vector<16xi32>,
      %swap3A_153 = arith.constant 2 : i32
      %swap3A_154 = arith.index_cast %swap3A_153 : i32 to index
      %swap3A_155 = arith.constant 96 : index
      %swap3A_156 = tpu.vector_load %arg9[%swap3A_154, %swap3A_155] {strides = array<i32>} : memref<8x128xi32, #tpu.memory_space<vmem>>, vector<16xi32>,
      tpu.vector_store %arg9[%swap3A_154, %swap3A_155], %get3A_152 {strides = array<i32>} : memref<8x128xi32, #tpu.memory_space<vmem>>, vector<16xi32>,
      %get3A_157 = arith.constant 368 : index
      %get3A_158 = tpu.vector_load %arg6[%get3A_157] {strides = array<i32>} : memref<1024xi32, #tpu.memory_space<vmem>>, vector<16xi32>,
      %swap3A_159 = arith.constant 2 : i32
      %swap3A_160 = arith.index_cast %swap3A_159 : i32 to index
      %swap3A_161 = arith.constant 112 : index
      %swap3A_162 = tpu.vector_load %arg9[%swap3A_160, %swap3A_161] {strides = array<i32>} : memref<8x128xi32, #tpu.memory_space<vmem>>, vector<16xi32>,
      tpu.vector_store %arg9[%swap3A_160, %swap3A_161], %get3A_158 {strides = array<i32>} : memref<8x128xi32, #tpu.memory_space<vmem>>, vector<16xi32>,
      %get3A_163 = arith.constant 384 : index
      %get3A_164 = tpu.vector_load %arg6[%get3A_163] {strides = array<i32>} : memref<1024xi32, #tpu.memory_space<vmem>>, vector<16xi32>,
      %swap3A_165 = arith.constant 3 : i32
      %swap3A_166 = arith.index_cast %swap3A_165 : i32 to index
      %swap3A_167 = arith.constant 0 : index
      %swap3A_168 = tpu.vector_load %arg9[%swap3A_166, %swap3A_167] {strides = array<i32>} : memref<8x128xi32, #tpu.memory_space<vmem>>, vector<16xi32>,
      tpu.vector_store %arg9[%swap3A_166, %swap3A_167], %get3A_164 {strides = array<i32>} : memref<8x128xi32, #tpu.memory_space<vmem>>, vector<16xi32>,
      %get3A_169 = arith.constant 400 : index
      %get3A_170 = tpu.vector_load %arg6[%get3A_169] {strides = array<i32>} : memref<1024xi32, #tpu.memory_space<vmem>>, vector<16xi32>,
      %swap3A_171 = arith.constant 3 : i32
      %swap3A_172 = arith.index_cast %swap3A_171 : i32 to index
      %swap3A_173 = arith.constant 16 : index
      %swap3A_174 = tpu.vector_load %arg9[%swap3A_172, %swap3A_173] {strides = array<i32>} : memref<8x128xi32, #tpu.memory_space<vmem>>, vector<16xi32>,
      tpu.vector_store %arg9[%swap3A_172, %swap3A_173], %get3A_170 {strides = array<i32>} : memref<8x128xi32, #tpu.memory_space<vmem>>, vector<16xi32>,
      %get3A_175 = arith.constant 416 : index
      %get3A_176 = tpu.vector_load %arg6[%get3A_175] {strides = array<i32>} : memref<1024xi32, #tpu.memory_space<vmem>>, vector<16xi32>,
      %swap3A_177 = arith.constant 3 : i32
      %swap3A_178 = arith.index_cast %swap3A_177 : i32 to index
      %swap3A_179 = arith.constant 32 : index
      %swap3A_180 = tpu.vector_load %arg9[%swap3A_178, %swap3A_179] {strides = array<i32>} : memref<8x128xi32, #tpu.memory_space<vmem>>, vector<16xi32>,
      tpu.vector_store %arg9[%swap3A_178, %swap3A_179], %get3A_176 {strides = array<i32>} : memref<8x128xi32, #tpu.memory_space<vmem>>, vector<16xi32>,
      %get3A_181 = arith.constant 432 : index
      %get3A_182 = tpu.vector_load %arg6[%get3A_181] {strides = array<i32>} : memref<1024xi32, #tpu.memory_space<vmem>>, vector<16xi32>,
      %swap3A_183 = arith.constant 3 : i32
      %swap3A_184 = arith.index_cast %swap3A_183 : i32 to index
      %swap3A_185 = arith.constant 48 : index
      %swap3A_186 = tpu.vector_load %arg9[%swap3A_184, %swap3A_185] {strides = array<i32>} : memref<8x128xi32, #tpu.memory_space<vmem>>, vector<16xi32>,
      tpu.vector_store %arg9[%swap3A_184, %swap3A_185], %get3A_182 {strides = array<i32>} : memref<8x128xi32, #tpu.memory_space<vmem>>, vector<16xi32>,
      %get3A_187 = arith.constant 448 : index
      %get3A_188 = tpu.vector_load %arg6[%get3A_187] {strides = array<i32>} : memref<1024xi32, #tpu.memory_space<vmem>>, vector<16xi32>,
      %swap3A_189 = arith.constant 3 : i32
      %swap3A_190 = arith.index_cast %swap3A_189 : i32 to index
      %swap3A_191 = arith.constant 64 : index
      %swap3A_192 = tpu.vector_load %arg9[%swap3A_190, %swap3A_191] {strides = array<i32>} : memref<8x128xi32, #tpu.memory_space<vmem>>, vector<16xi32>,
      tpu.vector_store %arg9[%swap3A_190, %swap3A_191], %get3A_188 {strides = array<i32>} : memref<8x128xi32, #tpu.memory_space<vmem>>, vector<16xi32>,
      %get3A_193 = arith.constant 464 : index
      %get3A_194 = tpu.vector_load %arg6[%get3A_193] {strides = array<i32>} : memref<1024xi32, #tpu.memory_space<vmem>>, vector<16xi32>,
      %swap3A_195 = arith.constant 3 : i32
      %swap3A_196 = arith.index_cast %swap3A_195 : i32 to index
      %swap3A_197 = arith.constant 80 : index
      %swap3A_198 = tpu.vector_load %arg9[%swap3A_196, %swap3A_197] {strides = array<i32>} : memref<8x128xi32, #tpu.memory_space<vmem>>, vector<16xi32>,
      tpu.vector_store %arg9[%swap3A_196, %swap3A_197], %get3A_194 {strides = array<i32>} : memref<8x128xi32, #tpu.memory_space<vmem>>, vector<16xi32>,
      %get3A_199 = arith.constant 480 : index
      %get3A_200 = tpu.vector_load %arg6[%get3A_199] {strides = array<i32>} : memref<1024xi32, #tpu.memory_space<vmem>>, vector<16xi32>,
      %swap3A_201 = arith.constant 3 : i32
      %swap3A_202 = arith.index_cast %swap3A_201 : i32 to index
      %swap3A_203 = arith.constant 96 : index
      %swap3A_204 = tpu.vector_load %arg9[%swap3A_202, %swap3A_203] {strides = array<i32>} : memref<8x128xi32, #tpu.memory_space<vmem>>, vector<16xi32>,
      tpu.vector_store %arg9[%swap3A_202, %swap3A_203], %get3A_200 {strides = array<i32>} : memref<8x128xi32, #tpu.memory_space<vmem>>, vector<16xi32>,
      %get3A_205 = arith.constant 496 : index
      %get3A_206 = tpu.vector_load %arg6[%get3A_205] {strides = array<i32>} : memref<1024xi32, #tpu.memory_space<vmem>>, vector<16xi32>,
      %swap3A_207 = arith.constant 3 : i32
      %swap3A_208 = arith.index_cast %swap3A_207 : i32 to index
      %swap3A_209 = arith.constant 112 : index
      %swap3A_210 = tpu.vector_load %arg9[%swap3A_208, %swap3A_209] {strides = array<i32>} : memref<8x128xi32, #tpu.memory_space<vmem>>, vector<16xi32>,
      tpu.vector_store %arg9[%swap3A_208, %swap3A_209], %get3A_206 {strides = array<i32>} : memref<8x128xi32, #tpu.memory_space<vmem>>, vector<16xi32>,
      %get3A_211 = arith.constant 512 : index
      %get3A_212 = tpu.vector_load %arg6[%get3A_211] {strides = array<i32>} : memref<1024xi32, #tpu.memory_space<vmem>>, vector<16xi32>,
      %swap3A_213 = arith.constant 4 : i32
      %swap3A_214 = arith.index_cast %swap3A_213 : i32 to index
      %swap3A_215 = arith.constant 0 : index
      %swap3A_216 = tpu.vector_load %arg9[%swap3A_214, %swap3A_215] {strides = array<i32>} : memref<8x128xi32, #tpu.memory_space<vmem>>, vector<16xi32>,
      tpu.vector_store %arg9[%swap3A_214, %swap3A_215], %get3A_212 {strides = array<i32>} : memref<8x128xi32, #tpu.memory_space<vmem>>, vector<16xi32>,
      %get3A_217 = arith.constant 528 : index
      %get3A_218 = tpu.vector_load %arg6[%get3A_217] {strides = array<i32>} : memref<1024xi32, #tpu.memory_space<vmem>>, vector<16xi32>,
      %swap3A_219 = arith.constant 4 : i32
      %swap3A_220 = arith.index_cast %swap3A_219 : i32 to index
      %swap3A_221 = arith.constant 16 : index
      %swap3A_222 = tpu.vector_load %arg9[%swap3A_220, %swap3A_221] {strides = array<i32>} : memref<8x128xi32, #tpu.memory_space<vmem>>, vector<16xi32>,
      tpu.vector_store %arg9[%swap3A_220, %swap3A_221], %get3A_218 {strides = array<i32>} : memref<8x128xi32, #tpu.memory_space<vmem>>, vector<16xi32>,
      %get3A_223 = arith.constant 544 : index
      %get3A_224 = tpu.vector_load %arg6[%get3A_223] {strides = array<i32>} : memref<1024xi32, #tpu.memory_space<vmem>>, vector<16xi32>,
      %swap3A_225 = arith.constant 4 : i32
      %swap3A_226 = arith.index_cast %swap3A_225 : i32 to index
      %swap3A_227 = arith.constant 32 : index
      %swap3A_228 = tpu.vector_load %arg9[%swap3A_226, %swap3A_227] {strides = array<i32>} : memref<8x128xi32, #tpu.memory_space<vmem>>, vector<16xi32>,
      tpu.vector_store %arg9[%swap3A_226, %swap3A_227], %get3A_224 {strides = array<i32>} : memref<8x128xi32, #tpu.memory_space<vmem>>, vector<16xi32>,
      %get3A_229 = arith.constant 560 : index
      %get3A_230 = tpu.vector_load %arg6[%get3A_229] {strides = array<i32>} : memref<1024xi32, #tpu.memory_space<vmem>>, vector<16xi32>,
      %swap3A_231 = arith.constant 4 : i32
      %swap3A_232 = arith.index_cast %swap3A_231 : i32 to index
      %swap3A_233 = arith.constant 48 : index
      %swap3A_234 = tpu.vector_load %arg9[%swap3A_232, %swap3A_233] {strides = array<i32>} : memref<8x128xi32, #tpu.memory_space<vmem>>, vector<16xi32>,
      tpu.vector_store %arg9[%swap3A_232, %swap3A_233], %get3A_230 {strides = array<i32>} : memref<8x128xi32, #tpu.memory_space<vmem>>, vector<16xi32>,
      %get3A_235 = arith.constant 576 : index
      %get3A_236 = tpu.vector_load %arg6[%get3A_235] {strides = array<i32>} : memref<1024xi32, #tpu.memory_space<vmem>>, vector<16xi32>,
      %swap3A_237 = arith.constant 4 : i32
      %swap3A_238 = arith.index_cast %swap3A_237 : i32 to index
      %swap3A_239 = arith.constant 64 : index
      %swap3A_240 = tpu.vector_load %arg9[%swap3A_238, %swap3A_239] {strides = array<i32>} : memref<8x128xi32, #tpu.memory_space<vmem>>, vector<16xi32>,
      tpu.vector_store %arg9[%swap3A_238, %swap3A_239], %get3A_236 {strides = array<i32>} : memref<8x128xi32, #tpu.memory_space<vmem>>, vector<16xi32>,
      %get3A_241 = arith.constant 592 : index
      %get3A_242 = tpu.vector_load %arg6[%get3A_241] {strides = array<i32>} : memref<1024xi32, #tpu.memory_space<vmem>>, vector<16xi32>,
      %swap3A_243 = arith.constant 4 : i32
      %swap3A_244 = arith.index_cast %swap3A_243 : i32 to index
      %swap3A_245 = arith.constant 80 : index
      %swap3A_246 = tpu.vector_load %arg9[%swap3A_244, %swap3A_245] {strides = array<i32>} : memref<8x128xi32, #tpu.memory_space<vmem>>, vector<16xi32>,
      tpu.vector_store %arg9[%swap3A_244, %swap3A_245], %get3A_242 {strides = array<i32>} : memref<8x128xi32, #tpu.memory_space<vmem>>, vector<16xi32>,
      %get3A_247 = arith.constant 608 : index
      %get3A_248 = tpu.vector_load %arg6[%get3A_247] {strides = array<i32>} : memref<1024xi32, #tpu.memory_space<vmem>>, vector<16xi32>,
      %swap3A_249 = arith.constant 4 : i32
      %swap3A_250 = arith.index_cast %swap3A_249 : i32 to index
      %swap3A_251 = arith.constant 96 : index
      %swap3A_252 = tpu.vector_load %arg9[%swap3A_250, %swap3A_251] {strides = array<i32>} : memref<8x128xi32, #tpu.memory_space<vmem>>, vector<16xi32>,
      tpu.vector_store %arg9[%swap3A_250, %swap3A_251], %get3A_248 {strides = array<i32>} : memref<8x128xi32, #tpu.memory_space<vmem>>, vector<16xi32>,
      %get3A_253 = arith.constant 624 : index
      %get3A_254 = tpu.vector_load %arg6[%get3A_253] {strides = array<i32>} : memref<1024xi32, #tpu.memory_space<vmem>>, vector<16xi32>,
      %swap3A_255 = arith.constant 4 : i32
      %swap3A_256 = arith.index_cast %swap3A_255 : i32 to index
      %swap3A_257 = arith.constant 112 : index
      %swap3A_258 = tpu.vector_load %arg9[%swap3A_256, %swap3A_257] {strides = array<i32>} : memref<8x128xi32, #tpu.memory_space<vmem>>, vector<16xi32>,
      tpu.vector_store %arg9[%swap3A_256, %swap3A_257], %get3A_254 {strides = array<i32>} : memref<8x128xi32, #tpu.memory_space<vmem>>, vector<16xi32>,
      %get3A_259 = arith.constant 640 : index
      %get3A_260 = tpu.vector_load %arg6[%get3A_259] {strides = array<i32>} : memref<1024xi32, #tpu.memory_space<vmem>>, vector<16xi32>,
      %swap3A_261 = arith.constant 5 : i32
      %swap3A_262 = arith.index_cast %swap3A_261 : i32 to index
      %swap3A_263 = arith.constant 0 : index
      %swap3A_264 = tpu.vector_load %arg9[%swap3A_262, %swap3A_263] {strides = array<i32>} : memref<8x128xi32, #tpu.memory_space<vmem>>, vector<16xi32>,
      tpu.vector_store %arg9[%swap3A_262, %swap3A_263], %get3A_260 {strides = array<i32>} : memref<8x128xi32, #tpu.memory_space<vmem>>, vector<16xi32>,
      %get3A_265 = arith.constant 656 : index
      %get3A_266 = tpu.vector_load %arg6[%get3A_265] {strides = array<i32>} : memref<1024xi32, #tpu.memory_space<vmem>>, vector<16xi32>,
      %swap3A_267 = arith.constant 5 : i32
      %swap3A_268 = arith.index_cast %swap3A_267 : i32 to index
      %swap3A_269 = arith.constant 16 : index
      %swap3A_270 = tpu.vector_load %arg9[%swap3A_268, %swap3A_269] {strides = array<i32>} : memref<8x128xi32, #tpu.memory_space<vmem>>, vector<16xi32>,
      tpu.vector_store %arg9[%swap3A_268, %swap3A_269], %get3A_266 {strides = array<i32>} : memref<8x128xi32, #tpu.memory_space<vmem>>, vector<16xi32>,
      %get3A_271 = arith.constant 672 : index
      %get3A_272 = tpu.vector_load %arg6[%get3A_271] {strides = array<i32>} : memref<1024xi32, #tpu.memory_space<vmem>>, vector<16xi32>,
      %swap3A_273 = arith.constant 5 : i32
      %swap3A_274 = arith.index_cast %swap3A_273 : i32 to index
      %swap3A_275 = arith.constant 32 : index
      %swap3A_276 = tpu.vector_load %arg9[%swap3A_274, %swap3A_275] {strides = array<i32>} : memref<8x128xi32, #tpu.memory_space<vmem>>, vector<16xi32>,
      tpu.vector_store %arg9[%swap3A_274, %swap3A_275], %get3A_272 {strides = array<i32>} : memref<8x128xi32, #tpu.memory_space<vmem>>, vector<16xi32>,
      %get3A_277 = arith.constant 688 : index
      %get3A_278 = tpu.vector_load %arg6[%get3A_277] {strides = array<i32>} : memref<1024xi32, #tpu.memory_space<vmem>>, vector<16xi32>,
      %swap3A_279 = arith.constant 5 : i32
      %swap3A_280 = arith.index_cast %swap3A_279 : i32 to index
      %swap3A_281 = arith.constant 48 : index
      %swap3A_282 = tpu.vector_load %arg9[%swap3A_280, %swap3A_281] {strides = array<i32>} : memref<8x128xi32, #tpu.memory_space<vmem>>, vector<16xi32>,
      tpu.vector_store %arg9[%swap3A_280, %swap3A_281], %get3A_278 {strides = array<i32>} : memref<8x128xi32, #tpu.memory_space<vmem>>, vector<16xi32>,
      %get3A_283 = arith.constant 704 : index
      %get3A_284 = tpu.vector_load %arg6[%get3A_283] {strides = array<i32>} : memref<1024xi32, #tpu.memory_space<vmem>>, vector<16xi32>,
      %swap3A_285 = arith.constant 5 : i32
      %swap3A_286 = arith.index_cast %swap3A_285 : i32 to index
      %swap3A_287 = arith.constant 64 : index
      %swap3A_288 = tpu.vector_load %arg9[%swap3A_286, %swap3A_287] {strides = array<i32>} : memref<8x128xi32, #tpu.memory_space<vmem>>, vector<16xi32>,
      tpu.vector_store %arg9[%swap3A_286, %swap3A_287], %get3A_284 {strides = array<i32>} : memref<8x128xi32, #tpu.memory_space<vmem>>, vector<16xi32>,
      %get3A_289 = arith.constant 720 : index
      %get3A_290 = tpu.vector_load %arg6[%get3A_289] {strides = array<i32>} : memref<1024xi32, #tpu.memory_space<vmem>>, vector<16xi32>,
      %swap3A_291 = arith.constant 5 : i32
      %swap3A_292 = arith.index_cast %swap3A_291 : i32 to index
      %swap3A_293 = arith.constant 80 : index
      %swap3A_294 = tpu.vector_load %arg9[%swap3A_292, %swap3A_293] {strides = array<i32>} : memref<8x128xi32, #tpu.memory_space<vmem>>, vector<16xi32>,
      tpu.vector_store %arg9[%swap3A_292, %swap3A_293], %get3A_290 {strides = array<i32>} : memref<8x128xi32, #tpu.memory_space<vmem>>, vector<16xi32>,
      %get3A_295 = arith.constant 736 : index
      %get3A_296 = tpu.vector_load %arg6[%get3A_295] {strides = array<i32>} : memref<1024xi32, #tpu.memory_space<vmem>>, vector<16xi32>,
      %swap3A_297 = arith.constant 5 : i32
      %swap3A_298 = arith.index_cast %swap3A_297 : i32 to index
      %swap3A_299 = arith.constant 96 : index
      %swap3A_300 = tpu.vector_load %arg9[%swap3A_298, %swap3A_299] {strides = array<i32>} : memref<8x128xi32, #tpu.memory_space<vmem>>, vector<16xi32>,
      tpu.vector_store %arg9[%swap3A_298, %swap3A_299], %get3A_296 {strides = array<i32>} : memref<8x128xi32, #tpu.memory_space<vmem>>, vector<16xi32>,
      %get3A_301 = arith.constant 752 : index
      %get3A_302 = tpu.vector_load %arg6[%get3A_301] {strides = array<i32>} : memref<1024xi32, #tpu.memory_space<vmem>>, vector<16xi32>,
      %swap3A_303 = arith.constant 5 : i32
      %swap3A_304 = arith.index_cast %swap3A_303 : i32 to index
      %swap3A_305 = arith.constant 112 : index
      %swap3A_306 = tpu.vector_load %arg9[%swap3A_304, %swap3A_305] {strides = array<i32>} : memref<8x128xi32, #tpu.memory_space<vmem>>, vector<16xi32>,
      tpu.vector_store %arg9[%swap3A_304, %swap3A_305], %get3A_302 {strides = array<i32>} : memref<8x128xi32, #tpu.memory_space<vmem>>, vector<16xi32>,
      %get3A_307 = arith.constant 768 : index
      %get3A_308 = tpu.vector_load %arg6[%get3A_307] {strides = array<i32>} : memref<1024xi32, #tpu.memory_space<vmem>>, vector<16xi32>,
      %swap3A_309 = arith.constant 6 : i32
      %swap3A_310 = arith.index_cast %swap3A_309 : i32 to index
      %swap3A_311 = arith.constant 0 : index
      %swap3A_312 = tpu.vector_load %arg9[%swap3A_310, %swap3A_311] {strides = array<i32>} : memref<8x128xi32, #tpu.memory_space<vmem>>, vector<16xi32>,
      tpu.vector_store %arg9[%swap3A_310, %swap3A_311], %get3A_308 {strides = array<i32>} : memref<8x128xi32, #tpu.memory_space<vmem>>, vector<16xi32>,
      %get3A_313 = arith.constant 784 : index
      %get3A_314 = tpu.vector_load %arg6[%get3A_313] {strides = array<i32>} : memref<1024xi32, #tpu.memory_space<vmem>>, vector<16xi32>,
      %swap3A_315 = arith.constant 6 : i32
      %swap3A_316 = arith.index_cast %swap3A_315 : i32 to index
      %swap3A_317 = arith.constant 16 : index
      %swap3A_318 = tpu.vector_load %arg9[%swap3A_316, %swap3A_317] {strides = array<i32>} : memref<8x128xi32, #tpu.memory_space<vmem>>, vector<16xi32>,
      tpu.vector_store %arg9[%swap3A_316, %swap3A_317], %get3A_314 {strides = array<i32>} : memref<8x128xi32, #tpu.memory_space<vmem>>, vector<16xi32>,
      %get3A_319 = arith.constant 800 : index
      %get3A_320 = tpu.vector_load %arg6[%get3A_319] {strides = array<i32>} : memref<1024xi32, #tpu.memory_space<vmem>>, vector<16xi32>,
      %swap3A_321 = arith.constant 6 : i32
      %swap3A_322 = arith.index_cast %swap3A_321 : i32 to index
      %swap3A_323 = arith.constant 32 : index
      %swap3A_324 = tpu.vector_load %arg9[%swap3A_322, %swap3A_323] {strides = array<i32>} : memref<8x128xi32, #tpu.memory_space<vmem>>, vector<16xi32>,
      tpu.vector_store %arg9[%swap3A_322, %swap3A_323], %get3A_320 {strides = array<i32>} : memref<8x128xi32, #tpu.memory_space<vmem>>, vector<16xi32>,
      %get3A_325 = arith.constant 816 : index
      %get3A_326 = tpu.vector_load %arg6[%get3A_325] {strides = array<i32>} : memref<1024xi32, #tpu.memory_space<vmem>>, vector<16xi32>,
      %swap3A_327 = arith.constant 6 : i32
      %swap3A_328 = arith.index_cast %swap3A_327 : i32 to index
      %swap3A_329 = arith.constant 48 : index
      %swap3A_330 = tpu.vector_load %arg9[%swap3A_328, %swap3A_329] {strides = array<i32>} : memref<8x128xi32, #tpu.memory_space<vmem>>, vector<16xi32>,
      tpu.vector_store %arg9[%swap3A_328, %swap3A_329], %get3A_326 {strides = array<i32>} : memref<8x128xi32, #tpu.memory_space<vmem>>, vector<16xi32>,
      %get3A_331 = arith.constant 832 : index
      %get3A_332 = tpu.vector_load %arg6[%get3A_331] {strides = array<i32>} : memref<1024xi32, #tpu.memory_space<vmem>>, vector<16xi32>,
      %swap3A_333 = arith.constant 6 : i32
      %swap3A_334 = arith.index_cast %swap3A_333 : i32 to index
      %swap3A_335 = arith.constant 64 : index
      %swap3A_336 = tpu.vector_load %arg9[%swap3A_334, %swap3A_335] {strides = array<i32>} : memref<8x128xi32, #tpu.memory_space<vmem>>, vector<16xi32>,
      tpu.vector_store %arg9[%swap3A_334, %swap3A_335], %get3A_332 {strides = array<i32>} : memref<8x128xi32, #tpu.memory_space<vmem>>, vector<16xi32>,
      %get3A_337 = arith.constant 848 : index
      %get3A_338 = tpu.vector_load %arg6[%get3A_337] {strides = array<i32>} : memref<1024xi32, #tpu.memory_space<vmem>>, vector<16xi32>,
      %swap3A_339 = arith.constant 6 : i32
      %swap3A_340 = arith.index_cast %swap3A_339 : i32 to index
      %swap3A_341 = arith.constant 80 : index
      %swap3A_342 = tpu.vector_load %arg9[%swap3A_340, %swap3A_341] {strides = array<i32>} : memref<8x128xi32, #tpu.memory_space<vmem>>, vector<16xi32>,
      tpu.vector_store %arg9[%swap3A_340, %swap3A_341], %get3A_338 {strides = array<i32>} : memref<8x128xi32, #tpu.memory_space<vmem>>, vector<16xi32>,
      %get3A_343 = arith.constant 864 : index
      %get3A_344 = tpu.vector_load %arg6[%get3A_343] {strides = array<i32>} : memref<1024xi32, #tpu.memory_space<vmem>>, vector<16xi32>,
      %swap3A_345 = arith.constant 6 : i32
      %swap3A_346 = arith.index_cast %swap3A_345 : i32 to index
      %swap3A_347 = arith.constant 96 : index
      %swap3A_348 = tpu.vector_load %arg9[%swap3A_346, %swap3A_347] {strides = array<i32>} : memref<8x128xi32, #tpu.memory_space<vmem>>, vector<16xi32>,
      tpu.vector_store %arg9[%swap3A_346, %swap3A_347], %get3A_344 {strides = array<i32>} : memref<8x128xi32, #tpu.memory_space<vmem>>, vector<16xi32>,
      %get3A_349 = arith.constant 880 : index
      %get3A_350 = tpu.vector_load %arg6[%get3A_349] {strides = array<i32>} : memref<1024xi32, #tpu.memory_space<vmem>>, vector<16xi32>,
      %swap3A_351 = arith.constant 6 : i32
      %swap3A_352 = arith.index_cast %swap3A_351 : i32 to index
      %swap3A_353 = arith.constant 112 : index
      %swap3A_354 = tpu.vector_load %arg9[%swap3A_352, %swap3A_353] {strides = array<i32>} : memref<8x128xi32, #tpu.memory_space<vmem>>, vector<16xi32>,
      tpu.vector_store %arg9[%swap3A_352, %swap3A_353], %get3A_350 {strides = array<i32>} : memref<8x128xi32, #tpu.memory_space<vmem>>, vector<16xi32>,
      %get3A_355 = arith.constant 896 : index
      %get3A_356 = tpu.vector_load %arg6[%get3A_355] {strides = array<i32>} : memref<1024xi32, #tpu.memory_space<vmem>>, vector<16xi32>,
      %swap3A_357 = arith.constant 7 : i32
      %swap3A_358 = arith.index_cast %swap3A_357 : i32 to index
      %swap3A_359 = arith.constant 0 : index
      %swap3A_360 = tpu.vector_load %arg9[%swap3A_358, %swap3A_359] {strides = array<i32>} : memref<8x128xi32, #tpu.memory_space<vmem>>, vector<16xi32>,
      tpu.vector_store %arg9[%swap3A_358, %swap3A_359], %get3A_356 {strides = array<i32>} : memref<8x128xi32, #tpu.memory_space<vmem>>, vector<16xi32>,
      %get3A_361 = arith.constant 912 : index
      %get3A_362 = tpu.vector_load %arg6[%get3A_361] {strides = array<i32>} : memref<1024xi32, #tpu.memory_space<vmem>>, vector<16xi32>,
      %swap3A_363 = arith.constant 7 : i32
      %swap3A_364 = arith.index_cast %swap3A_363 : i32 to index
      %swap3A_365 = arith.constant 16 : index
      %swap3A_366 = tpu.vector_load %arg9[%swap3A_364, %swap3A_365] {strides = array<i32>} : memref<8x128xi32, #tpu.memory_space<vmem>>, vector<16xi32>,
      tpu.vector_store %arg9[%swap3A_364, %swap3A_365], %get3A_362 {strides = array<i32>} : memref<8x128xi32, #tpu.memory_space<vmem>>, vector<16xi32>,
      %get3A_367 = arith.constant 928 : index
      %get3A_368 = tpu.vector_load %arg6[%get3A_367] {strides = array<i32>} : memref<1024xi32, #tpu.memory_space<vmem>>, vector<16xi32>,
      %swap3A_369 = arith.constant 7 : i32
      %swap3A_370 = arith.index_cast %swap3A_369 : i32 to index
      %swap3A_371 = arith.constant 32 : index
      %swap3A_372 = tpu.vector_load %arg9[%swap3A_370, %swap3A_371] {strides = array<i32>} : memref<8x128xi32, #tpu.memory_space<vmem>>, vector<16xi32>,
      tpu.vector_store %arg9[%swap3A_370, %swap3A_371], %get3A_368 {strides = array<i32>} : memref<8x128xi32, #tpu.memory_space<vmem>>, vector<16xi32>,
      %get3A_373 = arith.constant 944 : index
      %get3A_374 = tpu.vector_load %arg6[%get3A_373] {strides = array<i32>} : memref<1024xi32, #tpu.memory_space<vmem>>, vector<16xi32>,
      %swap3A_375 = arith.constant 7 : i32
      %swap3A_376 = arith.index_cast %swap3A_375 : i32 to index
      %swap3A_377 = arith.constant 48 : index
      %swap3A_378 = tpu.vector_load %arg9[%swap3A_376, %swap3A_377] {strides = array<i32>} : memref<8x128xi32, #tpu.memory_space<vmem>>, vector<16xi32>,
      tpu.vector_store %arg9[%swap3A_376, %swap3A_377], %get3A_374 {strides = array<i32>} : memref<8x128xi32, #tpu.memory_space<vmem>>, vector<16xi32>,
      %get3A_379 = arith.constant 960 : index
      %get3A_380 = tpu.vector_load %arg6[%get3A_379] {strides = array<i32>} : memref<1024xi32, #tpu.memory_space<vmem>>, vector<16xi32>,
      %swap3A_381 = arith.constant 7 : i32
      %swap3A_382 = arith.index_cast %swap3A_381 : i32 to index
      %swap3A_383 = arith.constant 64 : index
      %swap3A_384 = tpu.vector_load %arg9[%swap3A_382, %swap3A_383] {strides = array<i32>} : memref<8x128xi32, #tpu.memory_space<vmem>>, vector<16xi32>,
      tpu.vector_store %arg9[%swap3A_382, %swap3A_383], %get3A_380 {strides = array<i32>} : memref<8x128xi32, #tpu.memory_space<vmem>>, vector<16xi32>,
      %get3A_385 = arith.constant 976 : index
      %get3A_386 = tpu.vector_load %arg6[%get3A_385] {strides = array<i32>} : memref<1024xi32, #tpu.memory_space<vmem>>, vector<16xi32>,
      %swap3A_387 = arith.constant 7 : i32
      %swap3A_388 = arith.index_cast %swap3A_387 : i32 to index
      %swap3A_389 = arith.constant 80 : index
      %swap3A_390 = tpu.vector_load %arg9[%swap3A_388, %swap3A_389] {strides = array<i32>} : memref<8x128xi32, #tpu.memory_space<vmem>>, vector<16xi32>,
      tpu.vector_store %arg9[%swap3A_388, %swap3A_389], %get3A_386 {strides = array<i32>} : memref<8x128xi32, #tpu.memory_space<vmem>>, vector<16xi32>,
      %get3A_391 = arith.constant 992 : index
      %get3A_392 = tpu.vector_load %arg6[%get3A_391] {strides = array<i32>} : memref<1024xi32, #tpu.memory_space<vmem>>, vector<16xi32>,
      %swap3A_393 = arith.constant 7 : i32
      %swap3A_394 = arith.index_cast %swap3A_393 : i32 to index
      %swap3A_395 = arith.constant 96 : index
      %swap3A_396 = tpu.vector_load %arg9[%swap3A_394, %swap3A_395] {strides = array<i32>} : memref<8x128xi32, #tpu.memory_space<vmem>>, vector<16xi32>,
      tpu.vector_store %arg9[%swap3A_394, %swap3A_395], %get3A_392 {strides = array<i32>} : memref<8x128xi32, #tpu.memory_space<vmem>>, vector<16xi32>,
      %get3A_397 = arith.constant 1008 : index
      %get3A_398 = tpu.vector_load %arg6[%get3A_397] {strides = array<i32>} : memref<1024xi32, #tpu.memory_space<vmem>>, vector<16xi32>,
      %swap3A_399 = arith.constant 7 : i32
      %swap3A_400 = arith.index_cast %swap3A_399 : i32 to index
      %swap3A_401 = arith.constant 112 : index
      %swap3A_402 = tpu.vector_load %arg9[%swap3A_400, %swap3A_401] {strides = array<i32>} : memref<8x128xi32, #tpu.memory_space<vmem>>, vector<16xi32>,
      tpu.vector_store %arg9[%swap3A_400, %swap3A_401], %get3A_398 {strides = array<i32>} : memref<8x128xi32, #tpu.memory_space<vmem>>, vector<16xi32>,
      %barrier3A = arith.constant 0 : index
      tpu.barrier barrier_id(%barrier3A)
      %run_scoped3A = arith.constant 0 : i32
      "tpu.region"() ({
        %run_scoped3A_427 = tpu.sem_alloc : memref<!tpu.dma_semaphore, #tpu.memory_space<semaphore_mem>>
        %dma_start3A = arith.constant 0 : i32
        %dma_start3A_428 = tpu.memref_slice %arg7[%dma_start3A] : memref<1024xi32, #tpu.memory_space<vmem>> -> memref<128xi32, #tpu.memory_space<vmem>>
        %dma_start3A_429 = arith.constant 0 : i32
        %dma_start3A_430 = tpu.memref_slice %arg9[%run_scoped3A, %dma_start3A_429] : memref<8x128xi32, #tpu.memory_space<vmem>> -> memref<1x128xi32, #tpu.memory_space<vmem>>
        %dma_start3A_431 = tpu.memref_squeeze %dma_start3A_430 : memref<1x128xi32, #tpu.memory_space<vmem>> -> memref<128xi32, #tpu.memory_space<vmem>>
        %dma_start3A_432 = arith.constant 0 : i32
        %dma_start3A_433 = tpu.memref_slice %arg11[%dma_start3A_432] : memref<100096xi32, #tpu.memory_space<vmem_shared>> -> memref<100096xi32, #tpu.memory_space<vmem_shared>>
        tpu.enqueue_indirect_dma source(%dma_start3A_428 : memref<128xi32, #tpu.memory_space<vmem>>) target(%dma_start3A_433 : memref<100096xi32, #tpu.memory_space<vmem_shared>>) offsets(%dma_start3A_431 : memref<128xi32, #tpu.memory_space<vmem>>) semaphore(%run_scoped3A_427 : memref<!tpu.dma_semaphore, #tpu.memory_space<semaphore_mem>>) {add = true}
        %dma_wait3A = arith.constant 0 : i32
        %dma_wait3A_434 = tpu.memref_slice %arg7[%dma_wait3A] : memref<1024xi32, #tpu.memory_space<vmem>> -> memref<128xi32, #tpu.memory_space<vmem>>
        %dma_wait3A_435 = arith.constant 0 : i32
        %dma_wait3A_436 = tpu.memref_slice %arg9[%run_scoped3A, %dma_wait3A_435] : memref<8x128xi32, #tpu.memory_space<vmem>> -> memref<1x128xi32, #tpu.memory_space<vmem>>
        %dma_wait3A_437 = tpu.memref_squeeze %dma_wait3A_436 : memref<1x128xi32, #tpu.memory_space<vmem>> -> memref<128xi32, #tpu.memory_space<vmem>>
        %dma_wait3A_438 = arith.constant 0 : i32
        %dma_wait3A_439 = tpu.memref_slice %arg11[%dma_wait3A_438] : memref<100096xi32, #tpu.memory_space<vmem_shared>> -> memref<100096xi32, #tpu.memory_space<vmem_shared>>
        tpu.wait_indirect_dma semaphore(%run_scoped3A_427 : memref<!tpu.dma_semaphore, #tpu.memory_space<semaphore_mem>>) src(%dma_wait3A_434 : memref<128xi32, #tpu.memory_space<vmem>>) dst(%dma_wait3A_439 : memref<100096xi32, #tpu.memory_space<vmem_shared>>)
        tpu.yield
      }) : () -> ()
      %run_scoped3A_403 = arith.constant 1 : i32
      "tpu.region"() ({
        %run_scoped3A_427 = tpu.sem_alloc : memref<!tpu.dma_semaphore, #tpu.memory_space<semaphore_mem>>
        %dma_start3A = arith.constant 128 : i32
        %dma_start3A_428 = tpu.memref_slice %arg7[%dma_start3A] : memref<1024xi32, #tpu.memory_space<vmem>> -> memref<128xi32, #tpu.memory_space<vmem>>
        %dma_start3A_429 = arith.constant 0 : i32
        %dma_start3A_430 = tpu.memref_slice %arg9[%run_scoped3A_403, %dma_start3A_429] : memref<8x128xi32, #tpu.memory_space<vmem>> -> memref<1x128xi32, #tpu.memory_space<vmem>>
        %dma_start3A_431 = tpu.memref_squeeze %dma_start3A_430 : memref<1x128xi32, #tpu.memory_space<vmem>> -> memref<128xi32, #tpu.memory_space<vmem>>
        %dma_start3A_432 = arith.constant 0 : i32
        %dma_start3A_433 = tpu.memref_slice %arg11[%dma_start3A_432] : memref<100096xi32, #tpu.memory_space<vmem_shared>> -> memref<100096xi32, #tpu.memory_space<vmem_shared>>
        tpu.enqueue_indirect_dma source(%dma_start3A_428 : memref<128xi32, #tpu.memory_space<vmem>>) target(%dma_start3A_433 : memref<100096xi32, #tpu.memory_space<vmem_shared>>) offsets(%dma_start3A_431 : memref<128xi32, #tpu.memory_space<vmem>>) semaphore(%run_scoped3A_427 : memref<!tpu.dma_semaphore, #tpu.memory_space<semaphore_mem>>) {add = true}
        %dma_wait3A = arith.constant 128 : i32
        %dma_wait3A_434 = tpu.memref_slice %arg7[%dma_wait3A] : memref<1024xi32, #tpu.memory_space<vmem>> -> memref<128xi32, #tpu.memory_space<vmem>>
        %dma_wait3A_435 = arith.constant 0 : i32
        %dma_wait3A_436 = tpu.memref_slice %arg9[%run_scoped3A_403, %dma_wait3A_435] : memref<8x128xi32, #tpu.memory_space<vmem>> -> memref<1x128xi32, #tpu.memory_space<vmem>>
        %dma_wait3A_437 = tpu.memref_squeeze %dma_wait3A_436 : memref<1x128xi32, #tpu.memory_space<vmem>> -> memref<128xi32, #tpu.memory_space<vmem>>
        %dma_wait3A_438 = arith.constant 0 : i32
        %dma_wait3A_439 = tpu.memref_slice %arg11[%dma_wait3A_438] : memref<100096xi32, #tpu.memory_space<vmem_shared>> -> memref<100096xi32, #tpu.memory_space<vmem_shared>>
        tpu.wait_indirect_dma semaphore(%run_scoped3A_427 : memref<!tpu.dma_semaphore, #tpu.memory_space<semaphore_mem>>) src(%dma_wait3A_434 : memref<128xi32, #tpu.memory_space<vmem>>) dst(%dma_wait3A_439 : memref<100096xi32, #tpu.memory_space<vmem_shared>>)
        tpu.yield
      }) : () -> ()
      %run_scoped3A_404 = arith.constant 2 : i32
      "tpu.region"() ({
        %run_scoped3A_427 = tpu.sem_alloc : memref<!tpu.dma_semaphore, #tpu.memory_space<semaphore_mem>>
        %dma_start3A = arith.constant 256 : i32
        %dma_start3A_428 = tpu.memref_slice %arg7[%dma_start3A] : memref<1024xi32, #tpu.memory_space<vmem>> -> memref<128xi32, #tpu.memory_space<vmem>>
        %dma_start3A_429 = arith.constant 0 : i32
        %dma_start3A_430 = tpu.memref_slice %arg9[%run_scoped3A_404, %dma_start3A_429] : memref<8x128xi32, #tpu.memory_space<vmem>> -> memref<1x128xi32, #tpu.memory_space<vmem>>
        %dma_start3A_431 = tpu.memref_squeeze %dma_start3A_430 : memref<1x128xi32, #tpu.memory_space<vmem>> -> memref<128xi32, #tpu.memory_space<vmem>>
        %dma_start3A_432 = arith.constant 0 : i32
        %dma_start3A_433 = tpu.memref_slice %arg11[%dma_start3A_432] : memref<100096xi32, #tpu.memory_space<vmem_shared>> -> memref<100096xi32, #tpu.memory_space<vmem_shared>>
        tpu.enqueue_indirect_dma source(%dma_start3A_428 : memref<128xi32, #tpu.memory_space<vmem>>) target(%dma_start3A_433 : memref<100096xi32, #tpu.memory_space<vmem_shared>>) offsets(%dma_start3A_431 : memref<128xi32, #tpu.memory_space<vmem>>) semaphore(%run_scoped3A_427 : memref<!tpu.dma_semaphore, #tpu.memory_space<semaphore_mem>>) {add = true}
        %dma_wait3A = arith.constant 256 : i32
        %dma_wait3A_434 = tpu.memref_slice %arg7[%dma_wait3A] : memref<1024xi32, #tpu.memory_space<vmem>> -> memref<128xi32, #tpu.memory_space<vmem>>
        %dma_wait3A_435 = arith.constant 0 : i32
        %dma_wait3A_436 = tpu.memref_slice %arg9[%run_scoped3A_404, %dma_wait3A_435] : memref<8x128xi32, #tpu.memory_space<vmem>> -> memref<1x128xi32, #tpu.memory_space<vmem>>
        %dma_wait3A_437 = tpu.memref_squeeze %dma_wait3A_436 : memref<1x128xi32, #tpu.memory_space<vmem>> -> memref<128xi32, #tpu.memory_space<vmem>>
        %dma_wait3A_438 = arith.constant 0 : i32
        %dma_wait3A_439 = tpu.memref_slice %arg11[%dma_wait3A_438] : memref<100096xi32, #tpu.memory_space<vmem_shared>> -> memref<100096xi32, #tpu.memory_space<vmem_shared>>
        tpu.wait_indirect_dma semaphore(%run_scoped3A_427 : memref<!tpu.dma_semaphore, #tpu.memory_space<semaphore_mem>>) src(%dma_wait3A_434 : memref<128xi32, #tpu.memory_space<vmem>>) dst(%dma_wait3A_439 : memref<100096xi32, #tpu.memory_space<vmem_shared>>)
        tpu.yield
      }) : () -> ()
      %run_scoped3A_405 = arith.constant 3 : i32
      "tpu.region"() ({
        %run_scoped3A_427 = tpu.sem_alloc : memref<!tpu.dma_semaphore, #tpu.memory_space<semaphore_mem>>
        %dma_start3A = arith.constant 384 : i32
        %dma_start3A_428 = tpu.memref_slice %arg7[%dma_start3A] : memref<1024xi32, #tpu.memory_space<vmem>> -> memref<128xi32, #tpu.memory_space<vmem>>
        %dma_start3A_429 = arith.constant 0 : i32
        %dma_start3A_430 = tpu.memref_slice %arg9[%run_scoped3A_405, %dma_start3A_429] : memref<8x128xi32, #tpu.memory_space<vmem>> -> memref<1x128xi32, #tpu.memory_space<vmem>>
        %dma_start3A_431 = tpu.memref_squeeze %dma_start3A_430 : memref<1x128xi32, #tpu.memory_space<vmem>> -> memref<128xi32, #tpu.memory_space<vmem>>
        %dma_start3A_432 = arith.constant 0 : i32
        %dma_start3A_433 = tpu.memref_slice %arg11[%dma_start3A_432] : memref<100096xi32, #tpu.memory_space<vmem_shared>> -> memref<100096xi32, #tpu.memory_space<vmem_shared>>
        tpu.enqueue_indirect_dma source(%dma_start3A_428 : memref<128xi32, #tpu.memory_space<vmem>>) target(%dma_start3A_433 : memref<100096xi32, #tpu.memory_space<vmem_shared>>) offsets(%dma_start3A_431 : memref<128xi32, #tpu.memory_space<vmem>>) semaphore(%run_scoped3A_427 : memref<!tpu.dma_semaphore, #tpu.memory_space<semaphore_mem>>) {add = true}
        %dma_wait3A = arith.constant 384 : i32
        %dma_wait3A_434 = tpu.memref_slice %arg7[%dma_wait3A] : memref<1024xi32, #tpu.memory_space<vmem>> -> memref<128xi32, #tpu.memory_space<vmem>>
        %dma_wait3A_435 = arith.constant 0 : i32
        %dma_wait3A_436 = tpu.memref_slice %arg9[%run_scoped3A_405, %dma_wait3A_435] : memref<8x128xi32, #tpu.memory_space<vmem>> -> memref<1x128xi32, #tpu.memory_space<vmem>>
        %dma_wait3A_437 = tpu.memref_squeeze %dma_wait3A_436 : memref<1x128xi32, #tpu.memory_space<vmem>> -> memref<128xi32, #tpu.memory_space<vmem>>
        %dma_wait3A_438 = arith.constant 0 : i32
        %dma_wait3A_439 = tpu.memref_slice %arg11[%dma_wait3A_438] : memref<100096xi32, #tpu.memory_space<vmem_shared>> -> memref<100096xi32, #tpu.memory_space<vmem_shared>>
        tpu.wait_indirect_dma semaphore(%run_scoped3A_427 : memref<!tpu.dma_semaphore, #tpu.memory_space<semaphore_mem>>) src(%dma_wait3A_434 : memref<128xi32, #tpu.memory_space<vmem>>) dst(%dma_wait3A_439 : memref<100096xi32, #tpu.memory_space<vmem_shared>>)
        tpu.yield
      }) : () -> ()
      %run_scoped3A_406 = arith.constant 4 : i32
      "tpu.region"() ({
        %run_scoped3A_427 = tpu.sem_alloc : memref<!tpu.dma_semaphore, #tpu.memory_space<semaphore_mem>>
        %dma_start3A = arith.constant 512 : i32
        %dma_start3A_428 = tpu.memref_slice %arg7[%dma_start3A] : memref<1024xi32, #tpu.memory_space<vmem>> -> memref<128xi32, #tpu.memory_space<vmem>>
        %dma_start3A_429 = arith.constant 0 : i32
        %dma_start3A_430 = tpu.memref_slice %arg9[%run_scoped3A_406, %dma_start3A_429] : memref<8x128xi32, #tpu.memory_space<vmem>> -> memref<1x128xi32, #tpu.memory_space<vmem>>
        %dma_start3A_431 = tpu.memref_squeeze %dma_start3A_430 : memref<1x128xi32, #tpu.memory_space<vmem>> -> memref<128xi32, #tpu.memory_space<vmem>>
        %dma_start3A_432 = arith.constant 0 : i32
        %dma_start3A_433 = tpu.memref_slice %arg11[%dma_start3A_432] : memref<100096xi32, #tpu.memory_space<vmem_shared>> -> memref<100096xi32, #tpu.memory_space<vmem_shared>>
        tpu.enqueue_indirect_dma source(%dma_start3A_428 : memref<128xi32, #tpu.memory_space<vmem>>) target(%dma_start3A_433 : memref<100096xi32, #tpu.memory_space<vmem_shared>>) offsets(%dma_start3A_431 : memref<128xi32, #tpu.memory_space<vmem>>) semaphore(%run_scoped3A_427 : memref<!tpu.dma_semaphore, #tpu.memory_space<semaphore_mem>>) {add = true}
        %dma_wait3A = arith.constant 512 : i32
        %dma_wait3A_434 = tpu.memref_slice %arg7[%dma_wait3A] : memref<1024xi32, #tpu.memory_space<vmem>> -> memref<128xi32, #tpu.memory_space<vmem>>
        %dma_wait3A_435 = arith.constant 0 : i32
        %dma_wait3A_436 = tpu.memref_slice %arg9[%run_scoped3A_406, %dma_wait3A_435] : memref<8x128xi32, #tpu.memory_space<vmem>> -> memref<1x128xi32, #tpu.memory_space<vmem>>
        %dma_wait3A_437 = tpu.memref_squeeze %dma_wait3A_436 : memref<1x128xi32, #tpu.memory_space<vmem>> -> memref<128xi32, #tpu.memory_space<vmem>>
        %dma_wait3A_438 = arith.constant 0 : i32
        %dma_wait3A_439 = tpu.memref_slice %arg11[%dma_wait3A_438] : memref<100096xi32, #tpu.memory_space<vmem_shared>> -> memref<100096xi32, #tpu.memory_space<vmem_shared>>
        tpu.wait_indirect_dma semaphore(%run_scoped3A_427 : memref<!tpu.dma_semaphore, #tpu.memory_space<semaphore_mem>>) src(%dma_wait3A_434 : memref<128xi32, #tpu.memory_space<vmem>>) dst(%dma_wait3A_439 : memref<100096xi32, #tpu.memory_space<vmem_shared>>)
        tpu.yield
      }) : () -> ()
      %run_scoped3A_407 = arith.constant 5 : i32
      "tpu.region"() ({
        %run_scoped3A_427 = tpu.sem_alloc : memref<!tpu.dma_semaphore, #tpu.memory_space<semaphore_mem>>
        %dma_start3A = arith.constant 640 : i32
        %dma_start3A_428 = tpu.memref_slice %arg7[%dma_start3A] : memref<1024xi32, #tpu.memory_space<vmem>> -> memref<128xi32, #tpu.memory_space<vmem>>
        %dma_start3A_429 = arith.constant 0 : i32
        %dma_start3A_430 = tpu.memref_slice %arg9[%run_scoped3A_407, %dma_start3A_429] : memref<8x128xi32, #tpu.memory_space<vmem>> -> memref<1x128xi32, #tpu.memory_space<vmem>>
        %dma_start3A_431 = tpu.memref_squeeze %dma_start3A_430 : memref<1x128xi32, #tpu.memory_space<vmem>> -> memref<128xi32, #tpu.memory_space<vmem>>
        %dma_start3A_432 = arith.constant 0 : i32
        %dma_start3A_433 = tpu.memref_slice %arg11[%dma_start3A_432] : memref<100096xi32, #tpu.memory_space<vmem_shared>> -> memref<100096xi32, #tpu.memory_space<vmem_shared>>
        tpu.enqueue_indirect_dma source(%dma_start3A_428 : memref<128xi32, #tpu.memory_space<vmem>>) target(%dma_start3A_433 : memref<100096xi32, #tpu.memory_space<vmem_shared>>) offsets(%dma_start3A_431 : memref<128xi32, #tpu.memory_space<vmem>>) semaphore(%run_scoped3A_427 : memref<!tpu.dma_semaphore, #tpu.memory_space<semaphore_mem>>) {add = true}
        %dma_wait3A = arith.constant 640 : i32
        %dma_wait3A_434 = tpu.memref_slice %arg7[%dma_wait3A] : memref<1024xi32, #tpu.memory_space<vmem>> -> memref<128xi32, #tpu.memory_space<vmem>>
        %dma_wait3A_435 = arith.constant 0 : i32
        %dma_wait3A_436 = tpu.memref_slice %arg9[%run_scoped3A_407, %dma_wait3A_435] : memref<8x128xi32, #tpu.memory_space<vmem>> -> memref<1x128xi32, #tpu.memory_space<vmem>>
        %dma_wait3A_437 = tpu.memref_squeeze %dma_wait3A_436 : memref<1x128xi32, #tpu.memory_space<vmem>> -> memref<128xi32, #tpu.memory_space<vmem>>
        %dma_wait3A_438 = arith.constant 0 : i32
        %dma_wait3A_439 = tpu.memref_slice %arg11[%dma_wait3A_438] : memref<100096xi32, #tpu.memory_space<vmem_shared>> -> memref<100096xi32, #tpu.memory_space<vmem_shared>>
        tpu.wait_indirect_dma semaphore(%run_scoped3A_427 : memref<!tpu.dma_semaphore, #tpu.memory_space<semaphore_mem>>) src(%dma_wait3A_434 : memref<128xi32, #tpu.memory_space<vmem>>) dst(%dma_wait3A_439 : memref<100096xi32, #tpu.memory_space<vmem_shared>>)
        tpu.yield
      }) : () -> ()
      %run_scoped3A_408 = arith.constant 6 : i32
      "tpu.region"() ({
        %run_scoped3A_427 = tpu.sem_alloc : memref<!tpu.dma_semaphore, #tpu.memory_space<semaphore_mem>>
        %dma_start3A = arith.constant 768 : i32
        %dma_start3A_428 = tpu.memref_slice %arg7[%dma_start3A] : memref<1024xi32, #tpu.memory_space<vmem>> -> memref<128xi32, #tpu.memory_space<vmem>>
        %dma_start3A_429 = arith.constant 0 : i32
        %dma_start3A_430 = tpu.memref_slice %arg9[%run_scoped3A_408, %dma_start3A_429] : memref<8x128xi32, #tpu.memory_space<vmem>> -> memref<1x128xi32, #tpu.memory_space<vmem>>
        %dma_start3A_431 = tpu.memref_squeeze %dma_start3A_430 : memref<1x128xi32, #tpu.memory_space<vmem>> -> memref<128xi32, #tpu.memory_space<vmem>>
        %dma_start3A_432 = arith.constant 0 : i32
        %dma_start3A_433 = tpu.memref_slice %arg11[%dma_start3A_432] : memref<100096xi32, #tpu.memory_space<vmem_shared>> -> memref<100096xi32, #tpu.memory_space<vmem_shared>>
        tpu.enqueue_indirect_dma source(%dma_start3A_428 : memref<128xi32, #tpu.memory_space<vmem>>) target(%dma_start3A_433 : memref<100096xi32, #tpu.memory_space<vmem_shared>>) offsets(%dma_start3A_431 : memref<128xi32, #tpu.memory_space<vmem>>) semaphore(%run_scoped3A_427 : memref<!tpu.dma_semaphore, #tpu.memory_space<semaphore_mem>>) {add = true}
        %dma_wait3A = arith.constant 768 : i32
        %dma_wait3A_434 = tpu.memref_slice %arg7[%dma_wait3A] : memref<1024xi32, #tpu.memory_space<vmem>> -> memref<128xi32, #tpu.memory_space<vmem>>
        %dma_wait3A_435 = arith.constant 0 : i32
        %dma_wait3A_436 = tpu.memref_slice %arg9[%run_scoped3A_408, %dma_wait3A_435] : memref<8x128xi32, #tpu.memory_space<vmem>> -> memref<1x128xi32, #tpu.memory_space<vmem>>
        %dma_wait3A_437 = tpu.memref_squeeze %dma_wait3A_436 : memref<1x128xi32, #tpu.memory_space<vmem>> -> memref<128xi32, #tpu.memory_space<vmem>>
        %dma_wait3A_438 = arith.constant 0 : i32
        %dma_wait3A_439 = tpu.memref_slice %arg11[%dma_wait3A_438] : memref<100096xi32, #tpu.memory_space<vmem_shared>> -> memref<100096xi32, #tpu.memory_space<vmem_shared>>
        tpu.wait_indirect_dma semaphore(%run_scoped3A_427 : memref<!tpu.dma_semaphore, #tpu.memory_space<semaphore_mem>>) src(%dma_wait3A_434 : memref<128xi32, #tpu.memory_space<vmem>>) dst(%dma_wait3A_439 : memref<100096xi32, #tpu.memory_space<vmem_shared>>)
        tpu.yield
      }) : () -> ()
      %run_scoped3A_409 = arith.constant 7 : i32
      "tpu.region"() ({
        %run_scoped3A_427 = tpu.sem_alloc : memref<!tpu.dma_semaphore, #tpu.memory_space<semaphore_mem>>
        %dma_start3A = arith.constant 896 : i32
        %dma_start3A_428 = tpu.memref_slice %arg7[%dma_start3A] : memref<1024xi32, #tpu.memory_space<vmem>> -> memref<128xi32, #tpu.memory_space<vmem>>
        %dma_start3A_429 = arith.constant 0 : i32
        %dma_start3A_430 = tpu.memref_slice %arg9[%run_scoped3A_409, %dma_start3A_429] : memref<8x128xi32, #tpu.memory_space<vmem>> -> memref<1x128xi32, #tpu.memory_space<vmem>>
        %dma_start3A_431 = tpu.memref_squeeze %dma_start3A_430 : memref<1x128xi32, #tpu.memory_space<vmem>> -> memref<128xi32, #tpu.memory_space<vmem>>
        %dma_start3A_432 = arith.constant 0 : i32
        %dma_start3A_433 = tpu.memref_slice %arg11[%dma_start3A_432] : memref<100096xi32, #tpu.memory_space<vmem_shared>> -> memref<100096xi32, #tpu.memory_space<vmem_shared>>
        tpu.enqueue_indirect_dma source(%dma_start3A_428 : memref<128xi32, #tpu.memory_space<vmem>>) target(%dma_start3A_433 : memref<100096xi32, #tpu.memory_space<vmem_shared>>) offsets(%dma_start3A_431 : memref<128xi32, #tpu.memory_space<vmem>>) semaphore(%run_scoped3A_427 : memref<!tpu.dma_semaphore, #tpu.memory_space<semaphore_mem>>) {add = true}
        %dma_wait3A = arith.constant 896 : i32
        %dma_wait3A_434 = tpu.memref_slice %arg7[%dma_wait3A] : memref<1024xi32, #tpu.memory_space<vmem>> -> memref<128xi32, #tpu.memory_space<vmem>>
        %dma_wait3A_435 = arith.constant 0 : i32
        %dma_wait3A_436 = tpu.memref_slice %arg9[%run_scoped3A_409, %dma_wait3A_435] : memref<8x128xi32, #tpu.memory_space<vmem>> -> memref<1x128xi32, #tpu.memory_space<vmem>>
        %dma_wait3A_437 = tpu.memref_squeeze %dma_wait3A_436 : memref<1x128xi32, #tpu.memory_space<vmem>> -> memref<128xi32, #tpu.memory_space<vmem>>
        %dma_wait3A_438 = arith.constant 0 : i32
        %dma_wait3A_439 = tpu.memref_slice %arg11[%dma_wait3A_438] : memref<100096xi32, #tpu.memory_space<vmem_shared>> -> memref<100096xi32, #tpu.memory_space<vmem_shared>>
        tpu.wait_indirect_dma semaphore(%run_scoped3A_427 : memref<!tpu.dma_semaphore, #tpu.memory_space<semaphore_mem>>) src(%dma_wait3A_434 : memref<128xi32, #tpu.memory_space<vmem>>) dst(%dma_wait3A_439 : memref<100096xi32, #tpu.memory_space<vmem_shared>>)
        tpu.yield
      }) : () -> ()
      %barrier3A_410 = arith.constant 0 : index
      tpu.barrier barrier_id(%barrier3A_410)
      "tpu.region"() ({
        %run_scoped3A_427 = tpu.sem_alloc : memref<!tpu.dma_semaphore, #tpu.memory_space<semaphore_mem>>
        %dma_start3A = arith.constant 0 : i32
        %dma_start3A_428 = tpu.memref_slice %arg11[%dma_start3A] : memref<100096xi32, #tpu.memory_space<vmem_shared>> -> memref<100096xi32, #tpu.memory_space<vmem_shared>>
        tpu.enqueue_indirect_dma source(%dma_start3A_428 : memref<100096xi32, #tpu.memory_space<vmem_shared>>) target(%arg8 : memref<1024xi32, #tpu.memory_space<vmem>>) offsets(%arg6 : memref<1024xi32, #tpu.memory_space<vmem>>) semaphore(%run_scoped3A_427 : memref<!tpu.dma_semaphore, #tpu.memory_space<semaphore_mem>>)
        %dma_wait3A = arith.constant 0 : i32
        %dma_wait3A_429 = tpu.memref_slice %arg11[%dma_wait3A] : memref<100096xi32, #tpu.memory_space<vmem_shared>> -> memref<100096xi32, #tpu.memory_space<vmem_shared>>
        tpu.wait_indirect_dma semaphore(%run_scoped3A_427 : memref<!tpu.dma_semaphore, #tpu.memory_space<semaphore_mem>>) src(%dma_wait3A_429 : memref<100096xi32, #tpu.memory_space<vmem_shared>>) dst(%arg8 : memref<1024xi32, #tpu.memory_space<vmem>>)
        tpu.yield
      }) : () -> ()
      %add3A = arith.constant 1 : i32
      %add3A_411 = arith.addi %arg1, %add3A : i32
      %scan3A_412 = arith.constant 0 : i32
      %scan3A_413 = arith.constant 0 : i32
      %scan3A_414 = arith.constant 64 : i32
      %scan3A_415 = arith.addi %scan3A_413, %scan3A_414 : i32
      %scan3A_416 = arith.constant 1 : i32
      scf.for %scan3A_427 = %scan3A_413 to %scan3A_415 step %scan3A_416  : i32 {
        %mul3A_428 = arith.constant 16 : i32
        %mul3A_429 = arith.muli %scan3A_427, %mul3A_428 : i32
        %add3A_430 = arith.addi %mul3A_8, %mul3A_429 : i32
        %add3A_431 = vector.broadcast %add3A_430 : i32 to vector<16xi32>
        %add3A_432 = arith.addi %iota3A, %add3A_431 : vector<16xi32>
        %mul3A_433 = arith.constant 16 : i32
        %mul3A_434 = arith.muli %scan3A_427, %mul3A_433 : i32
        %get3A_435 = arith.index_cast %mul3A_434 : i32 to index
        %get3A_436 = tpu.vector_load %arg7[%get3A_435] {strides = array<i32>} : memref<1024xi32, #tpu.memory_space<vmem>>, vector<16xi32>,
        %ne3A = arith.constant 0 : i32
        %ne3A_437 = vector.broadcast %ne3A : i32 to vector<16xi32>
        %ne3A_438 = arith.cmpi ne, %get3A_436, %ne3A_437 : vector<16xi32>
        %mul3A_439 = arith.constant 16 : i32
        %mul3A_440 = arith.muli %scan3A_427, %mul3A_439 : i32
        %get3A_441 = arith.index_cast %mul3A_440 : i32 to index
        %get3A_442 = tpu.vector_load %arg8[%get3A_441] {strides = array<i32>} : memref<1024xi32, #tpu.memory_space<vmem>>, vector<16xi32>,
        %shift_right_arithmetic3A = vector.broadcast %add3A_411 : i32 to vector<16xi32>
        %shift_right_arithmetic3A_443 = arith.shrsi %get3A_442, %shift_right_arithmetic3A : vector<16xi32>
        %eq3A_444 = arith.constant 0 : i32
        %eq3A_445 = vector.broadcast %eq3A_444 : i32 to vector<16xi32>
        %eq3A_446 = arith.cmpi eq, %shift_right_arithmetic3A_443, %eq3A_445 : vector<16xi32>
        %and3A = arith.andi %ne3A_438, %eq3A_446 : vector<16xi1>
        %jit3A = arith.constant 0 : i32
        %broadcast_in_dim3A = vector.broadcast %jit3A : i32 to vector<16xi32>
        %select_n3A = arith.select %and3A, %add3A_432, %broadcast_in_dim3A : vector<16xi1>, vector<16xi32>
        %mul3A_447 = arith.constant 16 : i32
        %mul3A_448 = arith.muli %scan3A_427, %mul3A_447 : i32
        %swap3A_449 = arith.index_cast %mul3A_448 : i32 to index
        %swap3A_450 = tpu.vector_load %arg7[%swap3A_449] {strides = array<i32>} : memref<1024xi32, #tpu.memory_space<vmem>>, vector<16xi32>,
        tpu.vector_store %arg7[%swap3A_449], %select_n3A {strides = array<i32>} : memref<1024xi32, #tpu.memory_space<vmem>>, vector<16xi32>,
      }
      %scan3A_417 = arith.constant 64 : i32
      %run_scoped3A_418 = arith.constant 0 : i32
      "tpu.region"() ({
        %run_scoped3A_427 = tpu.sem_alloc : memref<!tpu.dma_semaphore, #tpu.memory_space<semaphore_mem>>
        %dma_start3A = arith.constant 0 : i32
        %dma_start3A_428 = tpu.memref_slice %arg7[%dma_start3A] : memref<1024xi32, #tpu.memory_space<vmem>> -> memref<128xi32, #tpu.memory_space<vmem>>
        %dma_start3A_429 = arith.constant 0 : i32
        %dma_start3A_430 = tpu.memref_slice %arg9[%run_scoped3A_418, %dma_start3A_429] : memref<8x128xi32, #tpu.memory_space<vmem>> -> memref<1x128xi32, #tpu.memory_space<vmem>>
        %dma_start3A_431 = tpu.memref_squeeze %dma_start3A_430 : memref<1x128xi32, #tpu.memory_space<vmem>> -> memref<128xi32, #tpu.memory_space<vmem>>
        %dma_start3A_432 = arith.constant 0 : i32
        %dma_start3A_433 = tpu.memref_slice %arg12[%dma_start3A_432] : memref<100096xi32, #tpu.memory_space<vmem_shared>> -> memref<100096xi32, #tpu.memory_space<vmem_shared>>
        tpu.enqueue_indirect_dma source(%dma_start3A_428 : memref<128xi32, #tpu.memory_space<vmem>>) target(%dma_start3A_433 : memref<100096xi32, #tpu.memory_space<vmem_shared>>) offsets(%dma_start3A_431 : memref<128xi32, #tpu.memory_space<vmem>>) semaphore(%run_scoped3A_427 : memref<!tpu.dma_semaphore, #tpu.memory_space<semaphore_mem>>) {add = true}
        %dma_wait3A = arith.constant 0 : i32
        %dma_wait3A_434 = tpu.memref_slice %arg7[%dma_wait3A] : memref<1024xi32, #tpu.memory_space<vmem>> -> memref<128xi32, #tpu.memory_space<vmem>>
        %dma_wait3A_435 = arith.constant 0 : i32
        %dma_wait3A_436 = tpu.memref_slice %arg9[%run_scoped3A_418, %dma_wait3A_435] : memref<8x128xi32, #tpu.memory_space<vmem>> -> memref<1x128xi32, #tpu.memory_space<vmem>>
        %dma_wait3A_437 = tpu.memref_squeeze %dma_wait3A_436 : memref<1x128xi32, #tpu.memory_space<vmem>> -> memref<128xi32, #tpu.memory_space<vmem>>
        %dma_wait3A_438 = arith.constant 0 : i32
        %dma_wait3A_439 = tpu.memref_slice %arg12[%dma_wait3A_438] : memref<100096xi32, #tpu.memory_space<vmem_shared>> -> memref<100096xi32, #tpu.memory_space<vmem_shared>>
        tpu.wait_indirect_dma semaphore(%run_scoped3A_427 : memref<!tpu.dma_semaphore, #tpu.memory_space<semaphore_mem>>) src(%dma_wait3A_434 : memref<128xi32, #tpu.memory_space<vmem>>) dst(%dma_wait3A_439 : memref<100096xi32, #tpu.memory_space<vmem_shared>>)
        tpu.yield
      }) : () -> ()
      %run_scoped3A_419 = arith.constant 1 : i32
      "tpu.region"() ({
        %run_scoped3A_427 = tpu.sem_alloc : memref<!tpu.dma_semaphore, #tpu.memory_space<semaphore_mem>>
        %dma_start3A = arith.constant 128 : i32
        %dma_start3A_428 = tpu.memref_slice %arg7[%dma_start3A] : memref<1024xi32, #tpu.memory_space<vmem>> -> memref<128xi32, #tpu.memory_space<vmem>>
        %dma_start3A_429 = arith.constant 0 : i32
        %dma_start3A_430 = tpu.memref_slice %arg9[%run_scoped3A_419, %dma_start3A_429] : memref<8x128xi32, #tpu.memory_space<vmem>> -> memref<1x128xi32, #tpu.memory_space<vmem>>
        %dma_start3A_431 = tpu.memref_squeeze %dma_start3A_430 : memref<1x128xi32, #tpu.memory_space<vmem>> -> memref<128xi32, #tpu.memory_space<vmem>>
        %dma_start3A_432 = arith.constant 0 : i32
        %dma_start3A_433 = tpu.memref_slice %arg12[%dma_start3A_432] : memref<100096xi32, #tpu.memory_space<vmem_shared>> -> memref<100096xi32, #tpu.memory_space<vmem_shared>>
        tpu.enqueue_indirect_dma source(%dma_start3A_428 : memref<128xi32, #tpu.memory_space<vmem>>) target(%dma_start3A_433 : memref<100096xi32, #tpu.memory_space<vmem_shared>>) offsets(%dma_start3A_431 : memref<128xi32, #tpu.memory_space<vmem>>) semaphore(%run_scoped3A_427 : memref<!tpu.dma_semaphore, #tpu.memory_space<semaphore_mem>>) {add = true}
        %dma_wait3A = arith.constant 128 : i32
        %dma_wait3A_434 = tpu.memref_slice %arg7[%dma_wait3A] : memref<1024xi32, #tpu.memory_space<vmem>> -> memref<128xi32, #tpu.memory_space<vmem>>
        %dma_wait3A_435 = arith.constant 0 : i32
        %dma_wait3A_436 = tpu.memref_slice %arg9[%run_scoped3A_419, %dma_wait3A_435] : memref<8x128xi32, #tpu.memory_space<vmem>> -> memref<1x128xi32, #tpu.memory_space<vmem>>
        %dma_wait3A_437 = tpu.memref_squeeze %dma_wait3A_436 : memref<1x128xi32, #tpu.memory_space<vmem>> -> memref<128xi32, #tpu.memory_space<vmem>>
        %dma_wait3A_438 = arith.constant 0 : i32
        %dma_wait3A_439 = tpu.memref_slice %arg12[%dma_wait3A_438] : memref<100096xi32, #tpu.memory_space<vmem_shared>> -> memref<100096xi32, #tpu.memory_space<vmem_shared>>
        tpu.wait_indirect_dma semaphore(%run_scoped3A_427 : memref<!tpu.dma_semaphore, #tpu.memory_space<semaphore_mem>>) src(%dma_wait3A_434 : memref<128xi32, #tpu.memory_space<vmem>>) dst(%dma_wait3A_439 : memref<100096xi32, #tpu.memory_space<vmem_shared>>)
        tpu.yield
      }) : () -> ()
      %run_scoped3A_420 = arith.constant 2 : i32
      "tpu.region"() ({
        %run_scoped3A_427 = tpu.sem_alloc : memref<!tpu.dma_semaphore, #tpu.memory_space<semaphore_mem>>
        %dma_start3A = arith.constant 256 : i32
        %dma_start3A_428 = tpu.memref_slice %arg7[%dma_start3A] : memref<1024xi32, #tpu.memory_space<vmem>> -> memref<128xi32, #tpu.memory_space<vmem>>
        %dma_start3A_429 = arith.constant 0 : i32
        %dma_start3A_430 = tpu.memref_slice %arg9[%run_scoped3A_420, %dma_start3A_429] : memref<8x128xi32, #tpu.memory_space<vmem>> -> memref<1x128xi32, #tpu.memory_space<vmem>>
        %dma_start3A_431 = tpu.memref_squeeze %dma_start3A_430 : memref<1x128xi32, #tpu.memory_space<vmem>> -> memref<128xi32, #tpu.memory_space<vmem>>
        %dma_start3A_432 = arith.constant 0 : i32
        %dma_start3A_433 = tpu.memref_slice %arg12[%dma_start3A_432] : memref<100096xi32, #tpu.memory_space<vmem_shared>> -> memref<100096xi32, #tpu.memory_space<vmem_shared>>
        tpu.enqueue_indirect_dma source(%dma_start3A_428 : memref<128xi32, #tpu.memory_space<vmem>>) target(%dma_start3A_433 : memref<100096xi32, #tpu.memory_space<vmem_shared>>) offsets(%dma_start3A_431 : memref<128xi32, #tpu.memory_space<vmem>>) semaphore(%run_scoped3A_427 : memref<!tpu.dma_semaphore, #tpu.memory_space<semaphore_mem>>) {add = true}
        %dma_wait3A = arith.constant 256 : i32
        %dma_wait3A_434 = tpu.memref_slice %arg7[%dma_wait3A] : memref<1024xi32, #tpu.memory_space<vmem>> -> memref<128xi32, #tpu.memory_space<vmem>>
        %dma_wait3A_435 = arith.constant 0 : i32
        %dma_wait3A_436 = tpu.memref_slice %arg9[%run_scoped3A_420, %dma_wait3A_435] : memref<8x128xi32, #tpu.memory_space<vmem>> -> memref<1x128xi32, #tpu.memory_space<vmem>>
        %dma_wait3A_437 = tpu.memref_squeeze %dma_wait3A_436 : memref<1x128xi32, #tpu.memory_space<vmem>> -> memref<128xi32, #tpu.memory_space<vmem>>
        %dma_wait3A_438 = arith.constant 0 : i32
        %dma_wait3A_439 = tpu.memref_slice %arg12[%dma_wait3A_438] : memref<100096xi32, #tpu.memory_space<vmem_shared>> -> memref<100096xi32, #tpu.memory_space<vmem_shared>>
        tpu.wait_indirect_dma semaphore(%run_scoped3A_427 : memref<!tpu.dma_semaphore, #tpu.memory_space<semaphore_mem>>) src(%dma_wait3A_434 : memref<128xi32, #tpu.memory_space<vmem>>) dst(%dma_wait3A_439 : memref<100096xi32, #tpu.memory_space<vmem_shared>>)
        tpu.yield
      }) : () -> ()
      %run_scoped3A_421 = arith.constant 3 : i32
      "tpu.region"() ({
        %run_scoped3A_427 = tpu.sem_alloc : memref<!tpu.dma_semaphore, #tpu.memory_space<semaphore_mem>>
        %dma_start3A = arith.constant 384 : i32
        %dma_start3A_428 = tpu.memref_slice %arg7[%dma_start3A] : memref<1024xi32, #tpu.memory_space<vmem>> -> memref<128xi32, #tpu.memory_space<vmem>>
        %dma_start3A_429 = arith.constant 0 : i32
        %dma_start3A_430 = tpu.memref_slice %arg9[%run_scoped3A_421, %dma_start3A_429] : memref<8x128xi32, #tpu.memory_space<vmem>> -> memref<1x128xi32, #tpu.memory_space<vmem>>
        %dma_start3A_431 = tpu.memref_squeeze %dma_start3A_430 : memref<1x128xi32, #tpu.memory_space<vmem>> -> memref<128xi32, #tpu.memory_space<vmem>>
        %dma_start3A_432 = arith.constant 0 : i32
        %dma_start3A_433 = tpu.memref_slice %arg12[%dma_start3A_432] : memref<100096xi32, #tpu.memory_space<vmem_shared>> -> memref<100096xi32, #tpu.memory_space<vmem_shared>>
        tpu.enqueue_indirect_dma source(%dma_start3A_428 : memref<128xi32, #tpu.memory_space<vmem>>) target(%dma_start3A_433 : memref<100096xi32, #tpu.memory_space<vmem_shared>>) offsets(%dma_start3A_431 : memref<128xi32, #tpu.memory_space<vmem>>) semaphore(%run_scoped3A_427 : memref<!tpu.dma_semaphore, #tpu.memory_space<semaphore_mem>>) {add = true}
        %dma_wait3A = arith.constant 384 : i32
        %dma_wait3A_434 = tpu.memref_slice %arg7[%dma_wait3A] : memref<1024xi32, #tpu.memory_space<vmem>> -> memref<128xi32, #tpu.memory_space<vmem>>
        %dma_wait3A_435 = arith.constant 0 : i32
        %dma_wait3A_436 = tpu.memref_slice %arg9[%run_scoped3A_421, %dma_wait3A_435] : memref<8x128xi32, #tpu.memory_space<vmem>> -> memref<1x128xi32, #tpu.memory_space<vmem>>
        %dma_wait3A_437 = tpu.memref_squeeze %dma_wait3A_436 : memref<1x128xi32, #tpu.memory_space<vmem>> -> memref<128xi32, #tpu.memory_space<vmem>>
        %dma_wait3A_438 = arith.constant 0 : i32
        %dma_wait3A_439 = tpu.memref_slice %arg12[%dma_wait3A_438] : memref<100096xi32, #tpu.memory_space<vmem_shared>> -> memref<100096xi32, #tpu.memory_space<vmem_shared>>
        tpu.wait_indirect_dma semaphore(%run_scoped3A_427 : memref<!tpu.dma_semaphore, #tpu.memory_space<semaphore_mem>>) src(%dma_wait3A_434 : memref<128xi32, #tpu.memory_space<vmem>>) dst(%dma_wait3A_439 : memref<100096xi32, #tpu.memory_space<vmem_shared>>)
        tpu.yield
      }) : () -> ()
      %run_scoped3A_422 = arith.constant 4 : i32
      "tpu.region"() ({
        %run_scoped3A_427 = tpu.sem_alloc : memref<!tpu.dma_semaphore, #tpu.memory_space<semaphore_mem>>
        %dma_start3A = arith.constant 512 : i32
        %dma_start3A_428 = tpu.memref_slice %arg7[%dma_start3A] : memref<1024xi32, #tpu.memory_space<vmem>> -> memref<128xi32, #tpu.memory_space<vmem>>
        %dma_start3A_429 = arith.constant 0 : i32
        %dma_start3A_430 = tpu.memref_slice %arg9[%run_scoped3A_422, %dma_start3A_429] : memref<8x128xi32, #tpu.memory_space<vmem>> -> memref<1x128xi32, #tpu.memory_space<vmem>>
        %dma_start3A_431 = tpu.memref_squeeze %dma_start3A_430 : memref<1x128xi32, #tpu.memory_space<vmem>> -> memref<128xi32, #tpu.memory_space<vmem>>
        %dma_start3A_432 = arith.constant 0 : i32
        %dma_start3A_433 = tpu.memref_slice %arg12[%dma_start3A_432] : memref<100096xi32, #tpu.memory_space<vmem_shared>> -> memref<100096xi32, #tpu.memory_space<vmem_shared>>
        tpu.enqueue_indirect_dma source(%dma_start3A_428 : memref<128xi32, #tpu.memory_space<vmem>>) target(%dma_start3A_433 : memref<100096xi32, #tpu.memory_space<vmem_shared>>) offsets(%dma_start3A_431 : memref<128xi32, #tpu.memory_space<vmem>>) semaphore(%run_scoped3A_427 : memref<!tpu.dma_semaphore, #tpu.memory_space<semaphore_mem>>) {add = true}
        %dma_wait3A = arith.constant 512 : i32
        %dma_wait3A_434 = tpu.memref_slice %arg7[%dma_wait3A] : memref<1024xi32, #tpu.memory_space<vmem>> -> memref<128xi32, #tpu.memory_space<vmem>>
        %dma_wait3A_435 = arith.constant 0 : i32
        %dma_wait3A_436 = tpu.memref_slice %arg9[%run_scoped3A_422, %dma_wait3A_435] : memref<8x128xi32, #tpu.memory_space<vmem>> -> memref<1x128xi32, #tpu.memory_space<vmem>>
        %dma_wait3A_437 = tpu.memref_squeeze %dma_wait3A_436 : memref<1x128xi32, #tpu.memory_space<vmem>> -> memref<128xi32, #tpu.memory_space<vmem>>
        %dma_wait3A_438 = arith.constant 0 : i32
        %dma_wait3A_439 = tpu.memref_slice %arg12[%dma_wait3A_438] : memref<100096xi32, #tpu.memory_space<vmem_shared>> -> memref<100096xi32, #tpu.memory_space<vmem_shared>>
        tpu.wait_indirect_dma semaphore(%run_scoped3A_427 : memref<!tpu.dma_semaphore, #tpu.memory_space<semaphore_mem>>) src(%dma_wait3A_434 : memref<128xi32, #tpu.memory_space<vmem>>) dst(%dma_wait3A_439 : memref<100096xi32, #tpu.memory_space<vmem_shared>>)
        tpu.yield
      }) : () -> ()
      %run_scoped3A_423 = arith.constant 5 : i32
      "tpu.region"() ({
        %run_scoped3A_427 = tpu.sem_alloc : memref<!tpu.dma_semaphore, #tpu.memory_space<semaphore_mem>>
        %dma_start3A = arith.constant 640 : i32
        %dma_start3A_428 = tpu.memref_slice %arg7[%dma_start3A] : memref<1024xi32, #tpu.memory_space<vmem>> -> memref<128xi32, #tpu.memory_space<vmem>>
        %dma_start3A_429 = arith.constant 0 : i32
        %dma_start3A_430 = tpu.memref_slice %arg9[%run_scoped3A_423, %dma_start3A_429] : memref<8x128xi32, #tpu.memory_space<vmem>> -> memref<1x128xi32, #tpu.memory_space<vmem>>
        %dma_start3A_431 = tpu.memref_squeeze %dma_start3A_430 : memref<1x128xi32, #tpu.memory_space<vmem>> -> memref<128xi32, #tpu.memory_space<vmem>>
        %dma_start3A_432 = arith.constant 0 : i32
        %dma_start3A_433 = tpu.memref_slice %arg12[%dma_start3A_432] : memref<100096xi32, #tpu.memory_space<vmem_shared>> -> memref<100096xi32, #tpu.memory_space<vmem_shared>>
        tpu.enqueue_indirect_dma source(%dma_start3A_428 : memref<128xi32, #tpu.memory_space<vmem>>) target(%dma_start3A_433 : memref<100096xi32, #tpu.memory_space<vmem_shared>>) offsets(%dma_start3A_431 : memref<128xi32, #tpu.memory_space<vmem>>) semaphore(%run_scoped3A_427 : memref<!tpu.dma_semaphore, #tpu.memory_space<semaphore_mem>>) {add = true}
        %dma_wait3A = arith.constant 640 : i32
        %dma_wait3A_434 = tpu.memref_slice %arg7[%dma_wait3A] : memref<1024xi32, #tpu.memory_space<vmem>> -> memref<128xi32, #tpu.memory_space<vmem>>
        %dma_wait3A_435 = arith.constant 0 : i32
        %dma_wait3A_436 = tpu.memref_slice %arg9[%run_scoped3A_423, %dma_wait3A_435] : memref<8x128xi32, #tpu.memory_space<vmem>> -> memref<1x128xi32, #tpu.memory_space<vmem>>
        %dma_wait3A_437 = tpu.memref_squeeze %dma_wait3A_436 : memref<1x128xi32, #tpu.memory_space<vmem>> -> memref<128xi32, #tpu.memory_space<vmem>>
        %dma_wait3A_438 = arith.constant 0 : i32
        %dma_wait3A_439 = tpu.memref_slice %arg12[%dma_wait3A_438] : memref<100096xi32, #tpu.memory_space<vmem_shared>> -> memref<100096xi32, #tpu.memory_space<vmem_shared>>
        tpu.wait_indirect_dma semaphore(%run_scoped3A_427 : memref<!tpu.dma_semaphore, #tpu.memory_space<semaphore_mem>>) src(%dma_wait3A_434 : memref<128xi32, #tpu.memory_space<vmem>>) dst(%dma_wait3A_439 : memref<100096xi32, #tpu.memory_space<vmem_shared>>)
        tpu.yield
      }) : () -> ()
      %run_scoped3A_424 = arith.constant 6 : i32
      "tpu.region"() ({
        %run_scoped3A_427 = tpu.sem_alloc : memref<!tpu.dma_semaphore, #tpu.memory_space<semaphore_mem>>
        %dma_start3A = arith.constant 768 : i32
        %dma_start3A_428 = tpu.memref_slice %arg7[%dma_start3A] : memref<1024xi32, #tpu.memory_space<vmem>> -> memref<128xi32, #tpu.memory_space<vmem>>
        %dma_start3A_429 = arith.constant 0 : i32
        %dma_start3A_430 = tpu.memref_slice %arg9[%run_scoped3A_424, %dma_start3A_429] : memref<8x128xi32, #tpu.memory_space<vmem>> -> memref<1x128xi32, #tpu.memory_space<vmem>>
        %dma_start3A_431 = tpu.memref_squeeze %dma_start3A_430 : memref<1x128xi32, #tpu.memory_space<vmem>> -> memref<128xi32, #tpu.memory_space<vmem>>
        %dma_start3A_432 = arith.constant 0 : i32
        %dma_start3A_433 = tpu.memref_slice %arg12[%dma_start3A_432] : memref<100096xi32, #tpu.memory_space<vmem_shared>> -> memref<100096xi32, #tpu.memory_space<vmem_shared>>
        tpu.enqueue_indirect_dma source(%dma_start3A_428 : memref<128xi32, #tpu.memory_space<vmem>>) target(%dma_start3A_433 : memref<100096xi32, #tpu.memory_space<vmem_shared>>) offsets(%dma_start3A_431 : memref<128xi32, #tpu.memory_space<vmem>>) semaphore(%run_scoped3A_427 : memref<!tpu.dma_semaphore, #tpu.memory_space<semaphore_mem>>) {add = true}
        %dma_wait3A = arith.constant 768 : i32
        %dma_wait3A_434 = tpu.memref_slice %arg7[%dma_wait3A] : memref<1024xi32, #tpu.memory_space<vmem>> -> memref<128xi32, #tpu.memory_space<vmem>>
        %dma_wait3A_435 = arith.constant 0 : i32
        %dma_wait3A_436 = tpu.memref_slice %arg9[%run_scoped3A_424, %dma_wait3A_435] : memref<8x128xi32, #tpu.memory_space<vmem>> -> memref<1x128xi32, #tpu.memory_space<vmem>>
        %dma_wait3A_437 = tpu.memref_squeeze %dma_wait3A_436 : memref<1x128xi32, #tpu.memory_space<vmem>> -> memref<128xi32, #tpu.memory_space<vmem>>
        %dma_wait3A_438 = arith.constant 0 : i32
        %dma_wait3A_439 = tpu.memref_slice %arg12[%dma_wait3A_438] : memref<100096xi32, #tpu.memory_space<vmem_shared>> -> memref<100096xi32, #tpu.memory_space<vmem_shared>>
        tpu.wait_indirect_dma semaphore(%run_scoped3A_427 : memref<!tpu.dma_semaphore, #tpu.memory_space<semaphore_mem>>) src(%dma_wait3A_434 : memref<128xi32, #tpu.memory_space<vmem>>) dst(%dma_wait3A_439 : memref<100096xi32, #tpu.memory_space<vmem_shared>>)
        tpu.yield
      }) : () -> ()
      %run_scoped3A_425 = arith.constant 7 : i32
      "tpu.region"() ({
        %run_scoped3A_427 = tpu.sem_alloc : memref<!tpu.dma_semaphore, #tpu.memory_space<semaphore_mem>>
        %dma_start3A = arith.constant 896 : i32
        %dma_start3A_428 = tpu.memref_slice %arg7[%dma_start3A] : memref<1024xi32, #tpu.memory_space<vmem>> -> memref<128xi32, #tpu.memory_space<vmem>>
        %dma_start3A_429 = arith.constant 0 : i32
        %dma_start3A_430 = tpu.memref_slice %arg9[%run_scoped3A_425, %dma_start3A_429] : memref<8x128xi32, #tpu.memory_space<vmem>> -> memref<1x128xi32, #tpu.memory_space<vmem>>
        %dma_start3A_431 = tpu.memref_squeeze %dma_start3A_430 : memref<1x128xi32, #tpu.memory_space<vmem>> -> memref<128xi32, #tpu.memory_space<vmem>>
        %dma_start3A_432 = arith.constant 0 : i32
        %dma_start3A_433 = tpu.memref_slice %arg12[%dma_start3A_432] : memref<100096xi32, #tpu.memory_space<vmem_shared>> -> memref<100096xi32, #tpu.memory_space<vmem_shared>>
        tpu.enqueue_indirect_dma source(%dma_start3A_428 : memref<128xi32, #tpu.memory_space<vmem>>) target(%dma_start3A_433 : memref<100096xi32, #tpu.memory_space<vmem_shared>>) offsets(%dma_start3A_431 : memref<128xi32, #tpu.memory_space<vmem>>) semaphore(%run_scoped3A_427 : memref<!tpu.dma_semaphore, #tpu.memory_space<semaphore_mem>>) {add = true}
        %dma_wait3A = arith.constant 896 : i32
        %dma_wait3A_434 = tpu.memref_slice %arg7[%dma_wait3A] : memref<1024xi32, #tpu.memory_space<vmem>> -> memref<128xi32, #tpu.memory_space<vmem>>
        %dma_wait3A_435 = arith.constant 0 : i32
        %dma_wait3A_436 = tpu.memref_slice %arg9[%run_scoped3A_425, %dma_wait3A_435] : memref<8x128xi32, #tpu.memory_space<vmem>> -> memref<1x128xi32, #tpu.memory_space<vmem>>
        %dma_wait3A_437 = tpu.memref_squeeze %dma_wait3A_436 : memref<1x128xi32, #tpu.memory_space<vmem>> -> memref<128xi32, #tpu.memory_space<vmem>>
        %dma_wait3A_438 = arith.constant 0 : i32
        %dma_wait3A_439 = tpu.memref_slice %arg12[%dma_wait3A_438] : memref<100096xi32, #tpu.memory_space<vmem_shared>> -> memref<100096xi32, #tpu.memory_space<vmem_shared>>
        tpu.wait_indirect_dma semaphore(%run_scoped3A_427 : memref<!tpu.dma_semaphore, #tpu.memory_space<semaphore_mem>>) src(%dma_wait3A_434 : memref<128xi32, #tpu.memory_space<vmem>>) dst(%dma_wait3A_439 : memref<100096xi32, #tpu.memory_space<vmem_shared>>)
        tpu.yield
      }) : () -> ()
      %barrier3A_426 = arith.constant 0 : index
      tpu.barrier barrier_id(%barrier3A_426)
      "tpu.region"() ({
        %run_scoped3A_427 = tpu.sem_alloc : memref<!tpu.dma_semaphore, #tpu.memory_space<semaphore_mem>>
        %dma_start3A = arith.constant 0 : i32
        %dma_start3A_428 = tpu.memref_slice %arg12[%dma_start3A] : memref<100096xi32, #tpu.memory_space<vmem_shared>> -> memref<100096xi32, #tpu.memory_space<vmem_shared>>
        tpu.enqueue_indirect_dma source(%dma_start3A_428 : memref<100096xi32, #tpu.memory_space<vmem_shared>>) target(%arg8 : memref<1024xi32, #tpu.memory_space<vmem>>) offsets(%arg6 : memref<1024xi32, #tpu.memory_space<vmem>>) semaphore(%run_scoped3A_427 : memref<!tpu.dma_semaphore, #tpu.memory_space<semaphore_mem>>)
        %dma_wait3A = arith.constant 0 : i32
        %dma_wait3A_429 = tpu.memref_slice %arg12[%dma_wait3A] : memref<100096xi32, #tpu.memory_space<vmem_shared>> -> memref<100096xi32, #tpu.memory_space<vmem_shared>>
        tpu.wait_indirect_dma semaphore(%run_scoped3A_427 : memref<!tpu.dma_semaphore, #tpu.memory_space<semaphore_mem>>) src(%dma_wait3A_429 : memref<100096xi32, #tpu.memory_space<vmem_shared>>) dst(%arg8 : memref<1024xi32, #tpu.memory_space<vmem>>)
        tpu.yield
      }) : () -> ()
      "tpu.region"() ({
        %run_scoped3A_427 = tpu.sem_alloc : memref<!tpu.dma_semaphore, #tpu.memory_space<semaphore_mem>>
        %dma_start3A = tpu.memref_slice %arg4[%mul3A_8] : memref<16384xi32, #tpu.memory_space<hbm>> -> memref<1024xi32, #tpu.memory_space<hbm>>
        %dma_start3A_428 = tpu.memref_slice %arg4[%mul3A_8] : memref<16384xi32, #tpu.memory_space<hbm>> -> memref<1024xi32, #tpu.memory_space<hbm>>
        tpu.enqueue_dma source(%arg8 : memref<1024xi32, #tpu.memory_space<vmem>>) target(%dma_start3A_428 : memref<1024xi32, #tpu.memory_space<hbm>>) target_semaphore(%run_scoped3A_427 : memref<!tpu.dma_semaphore, #tpu.memory_space<semaphore_mem>>)
        %dma_wait3A = tpu.memref_slice %arg4[%mul3A_8] : memref<16384xi32, #tpu.memory_space<hbm>> -> memref<1024xi32, #tpu.memory_space<hbm>>
        %dma_wait3A_429 = tpu.memref_slice %arg4[%mul3A_8] : memref<16384xi32, #tpu.memory_space<hbm>> -> memref<1024xi32, #tpu.memory_space<hbm>>
        tpu.wait_dma2 semaphore(%run_scoped3A_427 : memref<!tpu.dma_semaphore, #tpu.memory_space<semaphore_mem>>) src(%arg8 : memref<1024xi32, #tpu.memory_space<vmem>>) dst(%dma_wait3A_429 : memref<1024xi32, #tpu.memory_space<hbm>>)
        tpu.yield
      }) : () -> ()
    } else {
    }
    return
  }
}

module attributes {stable_mosaic.version = 14 : i64} {
  func.func @_mm1_body(%arg0: i32, %arg1: memref<2048x512xf32, #tpu.memory_space<vmem>>, %arg2: memref<512x512xf32, #tpu.memory_space<vmem>>, %arg3: memref<512x128xf32, #tpu.memory_space<vmem>>, %arg4: memref<2048x128xf32, #tpu.memory_space<vmem>>, %arg5: memref<512x128xf32, #tpu.memory_space<vmem>>) attributes {dimension_semantics = [#tpu.dimension_semantics<arbitrary>], iteration_bounds = array<i64: 8>, scalar_prefetch = 0 : i64, scratch_operands = 1 : i64, tpu.core_type = #tpu.core_type<tc>, window_params = [{transform_indices = @transform_0, window_bounds = array<i64: 2048, 512>}, {pipeline_mode = #tpu.pipeline_mode<synchronous>, transform_indices = @transform_1, window_bounds = array<i64: 512, 512>}, {pipeline_mode = #tpu.pipeline_mode<synchronous>, transform_indices = @transform_2, window_bounds = array<i64: 512, 128>}, {transform_indices = @transform_3, window_bounds = array<i64: 2048, 128>}]} {
    %eq3A = arith.constant 0 : i32
    %eq3A_0 = arith.cmpi eq, %arg0, %eq3A : i32
    %convert_element_type3A = arith.extui %eq3A_0 : i1 to i32
    %cond3A = arith.constant 0 : i32
    %cond3A_1 = arith.cmpi ne, %convert_element_type3A, %cond3A : i32
    scf.if %cond3A_1 {
      %get3A_10 = arith.constant 0 : index
      %get3A_11 = arith.constant 0 : index
      %get3A_12 = vector.load %arg2[%get3A_10, %get3A_11] : memref<512x512xf32, #tpu.memory_space<vmem>>, vector<512x512xf32>
      %get3A_13 = arith.constant 0 : index
      %get3A_14 = arith.constant 0 : index
      %get3A_15 = vector.load %arg3[%get3A_13, %get3A_14] : memref<512x128xf32, #tpu.memory_space<vmem>>, vector<512x128xf32>
      %mul3A = arith.constant 5.000000e-01 : f32
      %mul3A_16 = vector.broadcast %mul3A : f32 to vector<512x128xf32>
      %mul3A_17 = arith.mulf %mul3A_16, %get3A_15 : vector<512x128xf32>
      %dot_general3A_18 = arith.constant dense<0.000000e+00> : vector<512x128xf32>
      %dot_general3A_19 = tpu.matmul %get3A_12, %mul3A_17, %dot_general3A_18 {dimension_numbers = #tpu.dot_dimension_numbers<[1], [0], [0], [1], [0, 0, 1, 1], [], []>, transpose_lhs_hint = false} : vector<512x512xf32>, vector<512x128xf32>, vector<512x128xf32> -> vector<512x128xf32>
      %swap3A_20 = arith.constant 0 : index
      %swap3A_21 = arith.constant 0 : index
      %swap3A_22 = vector.load %arg5[%swap3A_20, %swap3A_21] : memref<512x128xf32, #tpu.memory_space<vmem>>, vector<512x128xf32>
      tpu.vector_store %arg5[%swap3A_20, %swap3A_21], %dot_general3A_19 {strides = array<i32>} : memref<512x128xf32, #tpu.memory_space<vmem>>, vector<512x128xf32>,
    } else {
    }
    %get3A = arith.constant 0 : index
    %get3A_2 = arith.constant 0 : index
    %get3A_3 = vector.load %arg1[%get3A, %get3A_2] : memref<2048x512xf32, #tpu.memory_space<vmem>>, vector<2048x512xf32>
    %get3A_4 = arith.constant 0 : index
    %get3A_5 = arith.constant 0 : index
    %get3A_6 = vector.load %arg5[%get3A_4, %get3A_5] : memref<512x128xf32, #tpu.memory_space<vmem>>, vector<512x128xf32>
    %dot_general3A = arith.constant dense<0.000000e+00> : vector<2048x128xf32>
    %dot_general3A_7 = tpu.matmul %get3A_3, %get3A_6, %dot_general3A {dimension_numbers = #tpu.dot_dimension_numbers<[1], [0], [0], [1], [0, 0, 1, 1], [], []>, transpose_lhs_hint = false} : vector<2048x512xf32>, vector<512x128xf32>, vector<2048x128xf32> -> vector<2048x128xf32>
    %swap3A = arith.constant 0 : index
    %swap3A_8 = arith.constant 0 : index
    %swap3A_9 = vector.load %arg4[%swap3A, %swap3A_8] : memref<2048x128xf32, #tpu.memory_space<vmem>>, vector<2048x128xf32>
    tpu.vector_store %arg4[%swap3A, %swap3A_8], %dot_general3A_7 {strides = array<i32>} : memref<2048x128xf32, #tpu.memory_space<vmem>>, vector<2048x128xf32>,
    return
  }
  func.func @transform_0(%arg0: i32) -> (i32, i32) {
    %c0_i32 = arith.constant 0 : i32
    %c0_i32_0 = arith.constant 0 : i32
    return %arg0, %c0_i32 : i32, i32
  }
  func.func @transform_1(%arg0: i32) -> (i32, i32) {
    %c0_i32 = arith.constant 0 : i32
    %c0_i32_0 = arith.constant 0 : i32
    %c0_i32_1 = arith.constant 0 : i32
    return %c0_i32, %c0_i32_0 : i32, i32
  }
  func.func @transform_2(%arg0: i32) -> (i32, i32) {
    %c0_i32 = arith.constant 0 : i32
    %c0_i32_0 = arith.constant 0 : i32
    %c0_i32_1 = arith.constant 0 : i32
    return %c0_i32, %c0_i32_0 : i32, i32
  }
  func.func @transform_3(%arg0: i32) -> (i32, i32) {
    %c0_i32 = arith.constant 0 : i32
    %c0_i32_0 = arith.constant 0 : i32
    return %arg0, %c0_i32 : i32, i32
  }
}

module attributes {stable_mosaic.version = 14 : i64} {
  func.func @_mm2_body(%arg0: i32, %arg1: memref<2048x512xf32, #tpu.memory_space<vmem>>, %arg2: memref<2048x128xf32, #tpu.memory_space<vmem>>, %arg3: memref<512x128xf32, #tpu.memory_space<vmem>>, %arg4: memref<1x128xf32, #tpu.memory_space<vmem>>, %arg5: memref<2048x128xf32, #tpu.memory_space<vmem>>) attributes {dimension_semantics = [#tpu.dimension_semantics<arbitrary>], iteration_bounds = array<i64: 8>, scalar_prefetch = 0 : i64, scratch_operands = 0 : i64, tpu.core_type = #tpu.core_type<tc>, window_params = [{transform_indices = @transform_0, window_bounds = array<i64: 2048, 512>}, {transform_indices = @transform_1, window_bounds = array<i64: 2048, 128>}, {pipeline_mode = #tpu.pipeline_mode<synchronous>, transform_indices = @transform_2, window_bounds = array<i64: 512, 128>}, {pipeline_mode = #tpu.pipeline_mode<synchronous>, transform_indices = @transform_3, window_bounds = array<i64: 1, 128>}, {transform_indices = @transform_4, window_bounds = array<i64: 2048, 128>}]} {
    %get3A = arith.constant 0 : index
    %get3A_0 = arith.constant 0 : index
    %get3A_1 = vector.load %arg1[%get3A, %get3A_0] : memref<2048x512xf32, #tpu.memory_space<vmem>>, vector<2048x512xf32>
    %get3A_2 = arith.constant 0 : index
    %get3A_3 = arith.constant 0 : index
    %get3A_4 = vector.load %arg3[%get3A_2, %get3A_3] : memref<512x128xf32, #tpu.memory_space<vmem>>, vector<512x128xf32>
    %mul3A = arith.constant 5.000000e-01 : f32
    %mul3A_5 = vector.broadcast %mul3A : f32 to vector<512x128xf32>
    %mul3A_6 = arith.mulf %mul3A_5, %get3A_4 : vector<512x128xf32>
    %dot_general3A = arith.constant dense<0.000000e+00> : vector<2048x128xf32>
    %dot_general3A_7 = tpu.matmul %get3A_1, %mul3A_6, %dot_general3A {dimension_numbers = #tpu.dot_dimension_numbers<[1], [0], [0], [1], [0, 0, 1, 1], [], []>, transpose_lhs_hint = false} : vector<2048x512xf32>, vector<512x128xf32>, vector<2048x128xf32> -> vector<2048x128xf32>
    %get3A_8 = arith.constant 0 : index
    %get3A_9 = arith.constant 0 : index
    %get3A_10 = vector.load %arg2[%get3A_8, %get3A_9] : memref<2048x128xf32, #tpu.memory_space<vmem>>, vector<2048x128xf32>
    %add3A = arith.addf %dot_general3A_7, %get3A_10 : vector<2048x128xf32>
    %get3A_11 = arith.constant 0 : index
    %get3A_12 = arith.constant 0 : index
    %get3A_13 = vector.load %arg4[%get3A_11, %get3A_12] : memref<1x128xf32, #tpu.memory_space<vmem>>, vector<1x128xf32>
    %add3A_14 = vector.broadcast %get3A_13 : vector<1x128xf32> to vector<2048x128xf32>
    %add3A_15 = arith.addf %add3A, %add3A_14 : vector<2048x128xf32>
    %swap3A = arith.constant 0 : index
    %swap3A_16 = arith.constant 0 : index
    %swap3A_17 = vector.load %arg5[%swap3A, %swap3A_16] : memref<2048x128xf32, #tpu.memory_space<vmem>>, vector<2048x128xf32>
    tpu.vector_store %arg5[%swap3A, %swap3A_16], %add3A_15 {strides = array<i32>} : memref<2048x128xf32, #tpu.memory_space<vmem>>, vector<2048x128xf32>,
    return
  }
  func.func @transform_0(%arg0: i32) -> (i32, i32) {
    %c0_i32 = arith.constant 0 : i32
    %c0_i32_0 = arith.constant 0 : i32
    return %arg0, %c0_i32 : i32, i32
  }
  func.func @transform_1(%arg0: i32) -> (i32, i32) {
    %c0_i32 = arith.constant 0 : i32
    %c0_i32_0 = arith.constant 0 : i32
    return %arg0, %c0_i32 : i32, i32
  }
  func.func @transform_2(%arg0: i32) -> (i32, i32) {
    %c0_i32 = arith.constant 0 : i32
    %c0_i32_0 = arith.constant 0 : i32
    %c0_i32_1 = arith.constant 0 : i32
    return %c0_i32, %c0_i32_0 : i32, i32
  }
  func.func @transform_3(%arg0: i32) -> (i32, i32) {
    %c0_i32 = arith.constant 0 : i32
    %c0_i32_0 = arith.constant 0 : i32
    %c0_i32_1 = arith.constant 0 : i32
    return %c0_i32, %c0_i32_0 : i32, i32
  }
  func.func @transform_4(%arg0: i32) -> (i32, i32) {
    %c0_i32 = arith.constant 0 : i32
    %c0_i32_0 = arith.constant 0 : i32
    return %arg0, %c0_i32 : i32, i32
  }
}

</mosaic_0001>

<sc_bundles>
// kernel: kernel.6.cloned.1.call-start
scs
__scs_entry_jumppad:
0x0: {  	(pc) =	sbr.rel $0x88, $3  }
0x1: {  	(tag) =	ssettag $0x0;
	lr =	simm.s32 $0x1  }
0x2: {  	[smem:$0x3F9B] =	sst lr;
	_ =	strace $0xD0000000  }
0x3: {  	_ = 	snop  }
0x4: {  	_ = 	snop  }
0x5: {  	_ = 	snop  }
0x6: {  	_ = 	snop  }
0x7: {  	_ = 	snop  }
__scs_overlays_trampoline_lowered:
0x8: {  	[smem:$0x3FAA] =	sst s0  }
0x9: {  	[smem:$0x3FAB] =	sst s1  }
0xa: {  	[smem:$0x3FAC] =	sst s2  }
0xb: {  	[smem:$0x3FAD] =	sst s3  }
0xc: {  	[smem:$0x3FAE] =	sst s4  }
0xd: {  	[smem:$0x3FAF] =	sst s5  }
0xe: {  	[smem:$0x3FB0] =	sst s6  }
0xf: {  	[smem:$0x3FB1] =	sst s7  }
0x10: {  	[smem:$0x3FB2] =	sst s8  }
0x11: {  	[smem:$0x3FB3] =	sst s9;
	s0 =	simm.s32 @!p0 $0x0  }
0x12: {  	s1 =	sld [smem:$0x3F99];
	s0 =	simm.s32 @p0 $0x1  }
0x13: {  	[smem:$0x3FB4] =	sst s0;
	s0 =	simm.s32 @!p1 $0x0  }
0x14: {  	s2 =	sld [smem:$0x3F98];
	s0 =	simm.s32 @p1 $0x1  }
0x15: {  	[smem:$0x3FB5] =	sst s0;
	s0 =	simm.s32 @!p2 $0x0  }
0x16: {  	s3 =	sld [smem:$0x3FDB];
	s0 =	simm.s32 @p2 $0x1  }
0x17: {  	s4 =	simm.s32 $0x1BF5;
	[smem:$0x3FB7] =	sst s0  }
0x18: {  	s0 =	sld [smem:$0x3F9A];
	_ =	swait.ge [sflag:s4], $0x0  }
0x19: {  	s7 =	sld [smem:$0x3F9B]  }
0x1a: {  	s8 =	sadd.s32 $0xFFFFE003, lr  }
0x1b: {  	s9 =	sadd.s32 $0xFFFFFEF7, lr;
	s5 =	simm.s32 $0xFFFFFFFF;
	p2 =	slt.u32 s8, $0xFFFFF086  }
0x1c: {  	p1 =	slt.u32 s9, $0xF7A;
	s5 =	simm.s32 @!p2 $0x0  }
0x1d: {  	s5 =	simm.s32 @p1 $0x1;
	p0 =	seq.s32 s7, s2  }
0x1e: {  	s7 =	smul.u32 @!p0 $0xF7A, s2;
	p2 =	seq.s32 @!p0 s5, $0x0  }
0x1f: {  	s9 =	smul.u32 $0xF7A, s1;
	s8 =	simm.s32 @!p0 $0x1BF5;
	p2 =	por !p2, p0  }
0x20: {  	[sflag:s8] =	ssyncset.s32 @!p0 $0xFFFFF086;
	s6 =	sadd.s32 @!p0 s3, s7;
	s7 =	simm.s32 @!p0 $0x108  }
0x21: {  	s3 =	sadd.s32 s3, s9;
	s6 =	sadd.s32 @!p0 $0x88, s6;
	s7 =	simm.s32 @p2 $0x1082  }
0x22: {  	[simem:s7], [sflag:s8] =	dma.local @!p0 [hbm:s6], $0xF7A  }
0x23: {  	s9 =	sor.u32 $0xD0000000, s2;
	s6 =	simm.s32 $0x108;
	_ =	swait.ge @!p0 [sflag:s8], $0x0  }
0x24: {  	s3 =	sadd.s32 $0x88, s3;
	s6 =	simm.s32 @!p1 $0x1082;
	[sflag:s4] =	ssyncset.s32 $0xFFFFF086  }
0x25: {  	[simem:s6], [sflag:s4] =	dma.local [hbm:s3], $0xF7A  }
0x26: {  	[smem:$0x3F9B] =	sst s1;
	(tag) =	ssettag s2;
	_ =	strace s9  }
0x27: {  	s1 =	sld [smem:$0x3FAB]  }
0x28: {  	s2 =	sld [smem:$0x3FAC]  }
0x29: {  	s4 =	sld [smem:$0x3FAE]  }
0x2a: {  	p0 =	seq.s32 s5, $0x0;
	s5 =	sld [smem:$0x3FAF]  }
0x2b: {  	s6 =	sld [smem:$0x3FB0]  }
0x2c: {  	s7 =	sld [smem:$0x3FB1]  }
0x2d: {  	s3 =	simm.s32 $0x108;
	s8 =	sld [smem:$0x3FB2]  }
0x2e: {  	s3 =	simm.s32 @!p0 $0x1082;
	s9 =	sld [smem:$0x3FB3]  }
0x2f: {  	lr =	sadd.s32 s0, s3;
	s0 =	sld [smem:$0x3FAA]  }
0x30: {  	s3 =	sld [smem:$0x3FAD]  }
0x31: {  	[smem:$0x3FB6] =	sst s10  }
0x32: {  	s10 =	sld [smem:$0x3FB4];
	_ =	sdelay $0x3  }
0x33: {  	p0 =	seq.s32 s10, $0x1;
	s10 =	sld [smem:$0x3FB6];
	_ =	sdelay $0x3  }
0x34: {  	[smem:$0x3FB6] =	sst s10  }
0x35: {  	s10 =	sld [smem:$0x3FB5];
	_ =	sdelay $0x3  }
0x36: {  	p1 =	seq.s32 s10, $0x1;
	s10 =	sld [smem:$0x3FB6];
	_ =	sdelay $0x3  }
0x37: {  	[smem:$0x3FB6] =	sst s10  }
0x38: {  	s10 =	sld [smem:$0x3FB7]  }
0x39: {  	_ = 	snop;
	(pc) =	sbr.ind lr, $3  }
0x3a: {  	_ = 	snop  }
0x3b: {  	_ = 	snop  }
0x3c: {  	p2 =	seq.s32 s10, $0x1;
	s10 =	sld [smem:$0x3FB6]  }
0x3d: {  	_ =	shalt  }
0x3e: {  	_ =	shalt  }
0x3f: {  	_ =	shalt  }
0x40: {  	_ =	shalt  }
0x41: {  	_ =	shalt  }
0x42: {  	_ =	shalt  }
0x43: {  	_ =	shalt  }
0x44: {  	_ =	shalt  }
0x45: {  	_ =	shalt  }
0x46: {  	_ =	shalt  }
0x47: {  	_ =	shalt  }
0x48: {  	_ =	shalt  }
0x49: {  	_ =	shalt  }
0x4a: {  	_ =	shalt  }
0x4b: {  	_ =	shalt  }
0x4c: {  	_ =	shalt  }
0x4d: {  	_ =	shalt  }
0x4e: {  	_ =	shalt  }
0x4f: {  	_ =	shalt  }
0x50: {  	_ =	shalt  }
0x51: {  	_ =	shalt  }
0x52: {  	_ =	shalt  }
0x53: {  	_ =	shalt  }
0x54: {  	_ =	shalt  }
0x55: {  	_ =	shalt  }
0x56: {  	_ =	shalt  }
0x57: {  	_ =	shalt  }
0x58: {  	_ =	shalt  }
0x59: {  	_ =	shalt  }
0x5a: {  	_ =	shalt  }
0x5b: {  	_ =	shalt  }
0x5c: {  	_ =	shalt  }
0x5d: {  	_ =	shalt  }
0x5e: {  	_ =	shalt  }
0x5f: {  	_ =	shalt  }
0x60: {  	_ =	shalt  }
0x61: {  	_ =	shalt  }
0x62: {  	_ =	shalt  }
0x63: {  	_ =	shalt  }
0x64: {  	_ =	shalt  }
0x65: {  	_ =	shalt  }
0x66: {  	_ =	shalt  }
0x67: {  	_ =	shalt  }
0x68: {  	_ =	shalt  }
0x69: {  	_ =	shalt  }
0x6a: {  	_ =	shalt  }
0x6b: {  	_ =	shalt  }
0x6c: {  	_ =	shalt  }
0x6d: {  	_ =	shalt  }
0x6e: {  	_ =	shalt  }
0x6f: {  	_ =	shalt  }
0x70: {  	_ =	shalt  }
0x71: {  	_ =	shalt  }
0x72: {  	_ =	shalt  }
0x73: {  	_ =	shalt  }
0x74: {  	_ =	shalt  }
0x75: {  	_ =	shalt  }
0x76: {  	_ =	shalt  }
0x77: {  	_ =	shalt  }
0x78: {  	_ =	shalt  }
0x79: {  	_ =	shalt  }
0x7a: {  	_ =	shalt  }
0x7b: {  	_ =	shalt  }
0x7c: {  	_ =	shalt  }
0x7d: {  	_ =	shalt  }
0x7e: {  	_ =	shalt  }
0x7f: {  	_ =	shalt  }
0x80: {  	_ =	shalt  }
0x81: {  	_ =	shalt  }
0x82: {  	_ =	shalt  }
0x83: {  	_ =	shalt  }
0x84: {  	_ =	shalt  }
0x85: {  	_ =	shalt  }
0x86: {  	_ =	shalt  }
0x87: {  	_ =	shalt  }
.Lfunc_end0:
.L_simem_size_0:
called_computation_lowered:
.L_overlay_start_0:
0x88: {  	s2 =	sld [smem:$0x3FD9]  }
0x89: {  	s3 =	sld [smem:$0x3FFE];
	_ =	sdelay $0x1  }
0x8a: {  	s1 =	srdreg.scid  }
0x8b: {  	s0 =	sand.u32 $0x1, s1  }
0x8c: {  	s17 =	sshll.u32 s0, $0xA;
	s2 =	sadd.s32 s3, s2  }
0x8d: {  	s2 =	sadd.s32 s2, s17  }
0x8e: {  	[smem:$0x3FC2] =	sst s2  }
0x8f: {  	_ = 	snop  }
0x90: {  	s2 =	sld [smem:$0x3FC8];
	(tm) =	ssettm $0x1  }
0x91: {  	s18 =	sld [smem:$0x3FFB];
	_ =	sdelay $0x3  }
0x92: {  	_ =	strace s18  }
0x93: {  	s3 =	sld [smem:$0x3FFC];
	_ =	sdelay $0x3  }
0x94: {  	_ =	strace s3  }
0x95: {  	s3 =	sld [smem:$0x3FFD];
	_ =	sdelay $0x3  }
0x96: {  	_ =	strace s3  }
0x97: {  	_ =	strace $0x8FFFFFFF  }
0x98: {  	s19 =	sld [smem:$0x3FDB];
	_ =	sdelay $0x1  }
0x99: {  	s4 =	simm.s32 $_scs_section_size  }
0x9a: {  	s5 =	simm.s32 $_size__tile_overlayer_lowered;
	s6 =	simm.s32 $_tile_overlayer_lowered  }
0x9b: {  	s22 =	simm.s32 $0x1BFF;
	s21 =	sshll.u32 s6, $0x1;
	s3 =	sadd.s32 s4, s19  }
0x9c: {  	s7 =	simm.s32 $0x0;
	s20 =	sshll.u32 s5, $0x1;
	s5 =	sadd.s32 s21, s3  }
0x9d: {  	[timem:s7], [sflag:s22] =	dma.local [hbm:s5], s20  }
0x9e: {  	_ =	swait.ge [sflag:s22], s20  }
0x9f: {  	s4 =	ssub.s32 $0x0, s20;
	[sflag:s22] =	ssyncset.done $0x0  }
0xa0: {  	[sflag:s22] =	ssyncadd.s32 s4;
	_ =	sdelay $0x1  }
0xa1: {  	s23 =	simm.s32 $0x1B8B  }
0xa2: {  	_ =	swait.ge [sflag:s23], $0x1  }
0xa3: {  	[sflag:s23] =	ssyncset.done $0x0  }
0xa4: {  	s25 =	simm.s32 $0x1B8E;
	s24 =	sld [smem:$0x3FFE];
	[sflag:s23] =	ssyncadd.s32 $0xFFFFFFFF  }
0xa5: {  	s26 =	simm.s32 $execute0_lowered;
	[smem:$0x3FD2] =	sst s25  }
0xa6: {  	s5 =	sshll.u32 s26, $0x1;
	_ =	strace $0x80000046;
	[dreg:$0x1] =	wrdreg $0xFFFFFFFF  }
0xa7: {  	s28 =	simm.s32 $_size_execute0_lowered;
	s3 =	sadd.s32 s3, s5;
	[dreg:$0x0] =	wrdreg $0x0  }
0xa8: {  	s5 =	sshll.u32 s28, $0x1;
	[dreg:$0x2] =	wrdreg s3  }
0xa9: {  	[dreg:$0x3] =	wrdreg s5  }
0xaa: {  	[dreg:$0x4] =	wrdreg $0xC0  }
0xab: {  	_ =	task [dreg:s7], $0x5FFFF  }
0xac: {  	[dreg:$0x1] =	wrdreg $0xFFFFFFFF  }
0xad: {  	[dreg:$0x0] =	wrdreg $0x60  }
0xae: {  	[dreg:$0x2] =	wrdreg s2  }
0xaf: {  	[dreg:$0x3] =	wrdreg s24  }
0xb0: {  	[dreg:$0x4] =	wrdreg $0x1AF800  }
0xb1: {  	[dreg:$0x5] =	wrdreg $0x1C7F00  }
0xb2: {  	[dreg:$0x6] =	wrdreg $0x9  }
0xb3: {  	_ =	task.clear_ibuf [dreg:s7], $0x7FFFF;
	_ =	strace $0x90000046  }
0xb4: {  	s29 =	simm.s32 $0x9;
	_ =	strace $0x80000048  }
0xb5: {  	_ =	swait.ge [sflag:s29], $0x1  }
0xb6: {  	[sflag:s29] =	ssyncadd.s32 $0xFFFFFFFF  }
0xb7: {  	_ =	strace $0x90000048  }
0xb8: {  	_ =	sfence  }
0xb9: {  	s30 =	sld [smem:$0x0];
	_ =	sdelay $0x2  }
0xba: {  	s31 =	sshll.u32 s1, $0xD;
	s1 =	sshrl.u32 s1, $0x2  }
0xbb: {  	s3 =	sand.u32 $0x4000, s31;
	s1 =	sadd.s32 s1, s30  }
0xbc: {  	s0 =	sor.u32 s3, s0;
	s1 =	sshll.u32 s1, $0x11  }
0xbd: {  	s0 =	sor.u32 s1, s0  }
0xbe: {  	s0 =	sadd.s32 $0x8F2B, s0  }
0xbf: {  	[sflag:s0] =	ssyncadd.remote.s32 $0x1  }
0xc0: {  	_ =	sfence.sel $0xFFFF  }
0xc1: {  	[dreg:$0x0] =	wrdreg $0xFFFFFFFF;
	(pc) =	sbr.abs _section_cstart, $3  }
0xc2: {  	[dreg:$0x1] =	wrdreg $0xFFFFFFFF  }
0xc3: {  	_ =	task.clear_ibuf [dreg:s7], $0x2FFFF;
	_ =	strace $0x9FFFFFFF  }
0xc4: {  	(tm) =	ssettm $0x7FFFFFFF  }
0xc5: {  	_ =	shalt  }
tec
execute0_lowered:
.L_overlay_start_1:
0x0: {  	(tag) =	ssettag $0x1  }
0x1: {  	s1 =	srdreg.scid  }
0x2: {  	s1 =	sand.u32 $0x1, s1  }
0x3: {  	s4 =	rddreg [dreg:$0x0];
	p0 =	seq.s32 s1, $0x1  }
.Ltmp0:
0x4: {  	s3 =	rddreg [dreg:$0x1];
	(pc) =	sbr.rel @p0 .LBB2_8-.Ltmp0, $4  }
0x5: {  	s5 =	rddreg [dreg:$0x2]  }
0x6: {  	s2 =	rddreg [dreg:$0x3];
	s6 =	simm.s32 $0x0  }
0x7: {  	[smem:$0x7FF] =	sst s6  }
0x8: {  	s0 =	rddreg [dreg:$0x4];
	_ =	strace $0x80000047;
	s1 =	stileid.u32  }
0x9: {  	s7 =	smul.u32 $0x1870, s1;
	_ =	sdelay $0x1  }
0xa: {  	s8 =	sadd.s32 $0x1800, s3;
	s9 =	sshrl.u32 s7, $0x3  }
0xb: {  	s10 =	simm.s32 $0x1;
	s24 =	simm.s32 $0x19700;
	s8 =	sadd.s32 s8, s9  }
0xc: {  	[tilespmem:s24], [sflag:$0x1] =	stream.linear.gather [hbm4b:s8+s6], $0x1870, $0x38;
	[tilespmem:$0x1E060] =	vst v63  }
0xd: {  	_ =	swait.ge [sflag:s10], $0x1870  }
0xe: {  	[sflag:s10] =	ssyncset.done $0x0  }
0xf: {  	s25 =	sadd.s32 s7, s5;
	[sflag:s10] =	ssyncadd.s32 $0xFFFFE790  }
0x10: {  	[spmem:s25] =	stream.linear.scatter [tilespmem:s24], [sflag:$0x1], $0x1870, $0x38;
	[tilespmem:$0x1E060] =	vst v63  }
0x11: {  	_ =	swait.ge [sflag:s10], $0x1870  }
0x12: {  	[sflag:s10] =	ssyncset.done $0x0  }
0x13: {  	s7 =	sadd.s32 s7, s2;
	[sflag:s10] =	ssyncadd.s32 $0xFFFFE790  }
0x14: {  	[spmem:s7] =	stream.linear.scatter [tilespmem:s24], [sflag:$0x1], $0x1870, $0x38;
	[tilespmem:$0x1E060] =	vst v63  }
0x15: {  	_ =	swait.ge [sflag:s10], $0x1870  }
0x16: {  	s26 =	sshll.u32 s1, $0x7;
	s28 =	simm.s32 $0x18700;
	[sflag:s10] =	ssyncset.done $0x0  }
0x17: {  	s31 =	sadd.s32 $0x1, s1;
	s4 =	sadd.s32 s4, s26;
	[sflag:s10] =	ssyncadd.s32 $0xFFFFE790  }
0x18: {  	[tilespmem:s28], [sflag:$0x1] =	stream.linear.gather [hbm4b:s4+s6], $0x400, $0x38;
	[tilespmem:$0x1E060] =	vst v63  }
0x19: {  	s29 =	sadd.s32 s26, s3;
	s30 =	sshll.u32 s10, s1;
	_ =	swait.ge [sflag:s10], $0x400  }
0x1a: {  	v2 =	vlaneseq.u32;
	s3 =	sadd.s32 $0x4A00, s29;
	s4 =	sshll.u32 s1, $0xA;
	[sflag:s10] =	ssyncset.done $0x0  }
0x1b: {  	v3 =	vimm.s32 $0x0;
	v0 =	vmov s31;
	v1 =	vmov s30;
	s8 =	simm.s32 $0x0;
	s7 =	smov.u32 s4;
	[sflag:s10] =	ssyncadd.s32 $0xFFFFFC00  }
.LBB2_2:
0x1c: {  	s9 =	sshra.s32 s8, $0x2  }
0x1d: {  	v4 =	vld [tilespmem:s9+$0x18700];
	_ =	sdelay $0x6  }
0x1e: {  	v5 =	vor.u32 s7, v2  }
0x1f: {  	[tilespmem:v4+s6+$0x0] =	vst.idx.msk $0xffff, v5  }
0x20: {  	v6 =	vld.idx.msk [tilespmem:v4+s6+$0x0], $0xffff;
	_ =	sdelay $0x4  }
0x21: {  	vm0 =	vne.s32 v6, v5  }
0x22: {  	v6 =	vsel vm0, $0x1, v3  }
0x23: {  	(xrf0) =	vadd.scan.msk.s32 $0xffff, v6;
	_ =	sdelay $0x5  }
0x24: {  	v6, _, _ =	vpop (xrf0)  }
0x25: {  	(v2sf) =	vpush v6, $0xF;
	_ =	sdelay $0xe  }
0x26: {  	s31 =	spop (v2sf)  }
0x27: {  	p0 =	slt.s32 s31, $0x1  }
0x28: {  	vm0 =	vcmask @!p0 $0x704  }
0x29: {  	vm1 =	vcmask @!p0 $0xB08  }
0x2a: {  	vm2 =	vcmask @!p0 $0xF0C  }
0x2b: {  	vm3 =	vcmask @!p0 $0x1310  }
0x2c: {  	s9 =	simm.s32 @!p0 $0x0;
	vm4 =	vcmask @!p0 $0x1714  }
0x2d: {  	vm5 =	vcmask @!p0 $0x1B18;
	[tilespmem:v4+s9+$0x0] =	vst.idx.msk @!p0 $0x1, v5  }
0x2e: {  	[tilespmem:v4+s9+$0x0] =	vst.idx.msk @!p0 vm0, v5;
	vm0 =	vcmask @!p0 $0x1F1C  }
0x2f: {  	[tilespmem:v4+s9+$0x0] =	vst.idx.msk @!p0 vm1, v5;
	vm1 =	vcmask @!p0 $0x2320  }
0x30: {  	[tilespmem:v4+s9+$0x0] =	vst.idx.msk @!p0 vm2, v5;
	vm2 =	vcmask @!p0 $0x2724  }
0x31: {  	[tilespmem:v4+s9+$0x0] =	vst.idx.msk @!p0 vm3, v5;
	vm3 =	vcmask @!p0 $0x2B28  }
0x32: {  	[tilespmem:v4+s9+$0x0] =	vst.idx.msk @!p0 vm4, v5;
	vm4 =	vcmask @!p0 $0x2F2C  }
0x33: {  	[tilespmem:v4+s9+$0x0] =	vst.idx.msk @!p0 vm5, v5;
	vm5 =	vcmask @!p0 $0x3330  }
0x34: {  	[tilespmem:v4+s9+$0x0] =	vst.idx.msk @!p0 vm0, v5;
	vm0 =	vcmask @!p0 $0x3734  }
0x35: {  	[tilespmem:v4+s9+$0x0] =	vst.idx.msk @!p0 vm1, v5;
	vm1 =	vcmask @!p0 $0x3B38  }
0x36: {  	s8 =	sadd.s32 $0x40, s8;
	[tilespmem:v4+s9+$0x0] =	vst.idx.msk @!p0 vm2, v5;
	vm2 =	vcmask @!p0 $0x3F3C  }
0x37: {  	p1 =	sne.s32 s8, $0x1000;
	[tilespmem:v4+s9+$0x0] =	vst.idx.msk @!p0 vm3, v5  }
.Ltmp1:
0x38: {  	[tilespmem:v4+s9+$0x0] =	vst.idx.msk @!p0 vm4, v5;
	(pc) =	sbr.rel @p1 .LBB2_2-.Ltmp1, $4  }
0x39: {  	[tilespmem:v4+s9+$0x0] =	vst.idx.msk @!p0 vm5, v5  }
0x3a: {  	[tilespmem:v4+s9+$0x0] =	vst.idx.msk @!p0 vm0, v5  }
0x3b: {  	[tilespmem:v4+s9+$0x0] =	vst.idx.msk @!p0 vm1, v5  }
0x3c: {  	s7 =	sadd.s32 $0x10, s7;
	[tilespmem:v4+s9+$0x0] =	vst.idx.msk @!p0 vm2, v5  }
0x3d: {  	s8 =	simm.s32 $0x0  }
0x3e: {  	v2 =	vld [tilespmem:s8+$0x18700];
	_ =	sdelay $0x5  }
0x3f: {  	s7 =	simm.s32 $0x10  }
0x40: {  	s6 =	simm.s32 $0x0;
	v4 =	vld [tilespmem:s7+$0x18700]  }
0x41: {  	v3 =	vld.idx.msk [tilespmem:v2+s6+$0x0], $0xffff;
	_ =	sdelay $0x2  }
0x42: {  	v2 =	vlaneseq.u32  }
0x43: {  	v5 =	vor.u32 s4, v2  }
0x44: {  	vm0 =	veq.s32 v3, v5  }
0x45: {  	v3 =	vnsel vm0, $0x0, v1  }
0x46: {  	[tilespmem:s8+$0x18B00] =	vst v3  }
0x47: {  	s10 =	simm.s32 $0xC0;
	s9 =	smov.u32 s4;
	s8 =	simm.s32 $0x20;
	v3 =	vld.idx.msk [tilespmem:v4+s6+$0x0], $0xffff  }
.LBB2_4:
0x48: {  	p0 =	sne.s32 s10, $0xFC0;
	v4 =	vld [tilespmem:s8+$0x18700];
	_ =	sdelay $0x2  }
0x49: {  	s9 =	sadd.s32 $0x10, s9  }
.Ltmp2:
0x4a: {  	v5 =	vor.u32 s9, v2;
	(pc) =	sbr.rel @p0 .LBB2_4-.Ltmp2, $4  }
0x4b: {  	vm0 =	veq.s32 v3, v5  }
0x4c: {  	v3 =	vnsel vm0, $0x0, v1  }
0x4d: {  	[tilespmem:s7+$0x18B00] =	vst v3;
	s7 =	smov.u32 s8  }
0x4e: {  	s8 =	sshra.s32 s10, $0x2;
	s10 =	sadd.s32 $0x40, s10;
	v3 =	vld.idx.msk [tilespmem:v4+s6+$0x0], $0xffff  }
0x4f: {  	v4 =	vld [tilespmem:s8+$0x18700];
	_ =	sdelay $0x2  }
0x50: {  	s9 =	sadd.s32 $0x10, s9  }
0x51: {  	v5 =	vor.u32 s9, v2  }
0x52: {  	vm0 =	veq.s32 v3, v5  }
0x53: {  	v3 =	vnsel vm0, $0x0, v1  }
0x54: {  	[tilespmem:s7+$0x18B00] =	vst v3  }
0x55: {  	v3 =	vld.idx.msk [tilespmem:v4+s6+$0x0], $0xffff;
	_ =	sdelay $0x2  }
0x56: {  	s9 =	sadd.s32 $0x10, s9  }
0x57: {  	v2 =	vor.u32 s9, v2  }
0x58: {  	vm14 =	veq.s32 v3, v2  }
0x59: {  	v1 =	vnsel vm14, $0x0, v1  }
0x5a: {  	[tilespmem:s8+$0x18B00] =	vst v1  }
0x5b: {  	v1 =	vld [tilespmem:$0x18700]  }
0x5c: {  	v2 =	vld [tilespmem:$0x18710]  }
0x5d: {  	v3 =	vld [tilespmem:$0x18720]  }
0x5e: {  	v39 =	vld [tilespmem:$0x18730]  }
0x5f: {  	v40 =	vld [tilespmem:$0x18740]  }
0x60: {  	v41 =	vld [tilespmem:$0x18780];
	[tilespmem:$0x19300] =	vst v1  }
0x61: {  	v1 =	vld [tilespmem:$0x18750];
	[tilespmem:$0x19310] =	vst v2  }
0x62: {  	v2 =	vld [tilespmem:$0x18760];
	[tilespmem:$0x19320] =	vst v3  }
0x63: {  	v3 =	vld [tilespmem:$0x18770];
	[tilespmem:$0x19330] =	vst v39  }
0x64: {  	v42 =	vld [tilespmem:$0x18790];
	[tilespmem:$0x19340] =	vst v40  }
0x65: {  	v43 =	vld [tilespmem:$0x187D0];
	[tilespmem:$0x19380] =	vst v41  }
0x66: {  	[tilespmem:$0x19350] =	vst v1;
	v1 =	vld [tilespmem:$0x187A0]  }
0x67: {  	[tilespmem:$0x19360] =	vst v2;
	v2 =	vld [tilespmem:$0x187B0]  }
0x68: {  	[tilespmem:$0x19370] =	vst v3;
	v3 =	vld [tilespmem:$0x187C0]  }
0x69: {  	v44 =	vld [tilespmem:$0x187E0];
	[tilespmem:$0x19390] =	vst v42  }
0x6a: {  	v45 =	vld [tilespmem:$0x18820];
	[tilespmem:$0x193D0] =	vst v43  }
0x6b: {  	[tilespmem:$0x193A0] =	vst v1;
	v1 =	vld [tilespmem:$0x187F0]  }
0x6c: {  	[tilespmem:$0x193B0] =	vst v2;
	v2 =	vld [tilespmem:$0x18800]  }
0x6d: {  	[tilespmem:$0x193C0] =	vst v3;
	v3 =	vld [tilespmem:$0x18810]  }
0x6e: {  	v46 =	vld [tilespmem:$0x18830];
	[tilespmem:$0x193E0] =	vst v44  }
0x6f: {  	v47 =	vld [tilespmem:$0x18870];
	[tilespmem:$0x19420] =	vst v45  }
0x70: {  	[tilespmem:$0x193F0] =	vst v1;
	v1 =	vld [tilespmem:$0x18840]  }
0x71: {  	[tilespmem:$0x19400] =	vst v2;
	v2 =	vld [tilespmem:$0x18850]  }
0x72: {  	[tilespmem:$0x19410] =	vst v3;
	v3 =	vld [tilespmem:$0x18860]  }
0x73: {  	v48 =	vld [tilespmem:$0x18880];
	[tilespmem:$0x19430] =	vst v46  }
0x74: {  	v49 =	vld [tilespmem:$0x188C0];
	[tilespmem:$0x19470] =	vst v47  }
0x75: {  	[tilespmem:$0x19440] =	vst v1;
	v1 =	vld [tilespmem:$0x18890]  }
0x76: {  	[tilespmem:$0x19450] =	vst v2;
	v2 =	vld [tilespmem:$0x188A0]  }
0x77: {  	[tilespmem:$0x19460] =	vst v3;
	v3 =	vld [tilespmem:$0x188B0]  }
0x78: {  	v50 =	vld [tilespmem:$0x188D0];
	[tilespmem:$0x19480] =	vst v48  }
0x79: {  	v51 =	vld [tilespmem:$0x18910];
	[tilespmem:$0x194C0] =	vst v49  }
0x7a: {  	[tilespmem:$0x19490] =	vst v1;
	v1 =	vld [tilespmem:$0x188E0]  }
0x7b: {  	[tilespmem:$0x194A0] =	vst v2;
	v2 =	vld [tilespmem:$0x188F0]  }
0x7c: {  	[tilespmem:$0x194B0] =	vst v3;
	v3 =	vld [tilespmem:$0x18900]  }
0x7d: {  	v52 =	vld [tilespmem:$0x18920];
	[tilespmem:$0x194D0] =	vst v50  }
0x7e: {  	v53 =	vld [tilespmem:$0x18960];
	[tilespmem:$0x19510] =	vst v51  }
0x7f: {  	[tilespmem:$0x194E0] =	vst v1;
	v1 =	vld [tilespmem:$0x18930]  }
0x80: {  	[tilespmem:$0x194F0] =	vst v2;
	v2 =	vld [tilespmem:$0x18940]  }
0x81: {  	[tilespmem:$0x19500] =	vst v3;
	v3 =	vld [tilespmem:$0x18950]  }
0x82: {  	v54 =	vld [tilespmem:$0x18970];
	[tilespmem:$0x19520] =	vst v52  }
0x83: {  	v55 =	vld [tilespmem:$0x189B0];
	[tilespmem:$0x19560] =	vst v53  }
0x84: {  	[tilespmem:$0x19530] =	vst v1;
	v1 =	vld [tilespmem:$0x18980]  }
0x85: {  	[tilespmem:$0x19540] =	vst v2;
	v2 =	vld [tilespmem:$0x18990]  }
0x86: {  	[tilespmem:$0x19550] =	vst v3;
	v3 =	vld [tilespmem:$0x189A0]  }
0x87: {  	v56 =	vld [tilespmem:$0x189C0];
	[tilespmem:$0x19570] =	vst v54  }
0x88: {  	v57 =	vld [tilespmem:$0x18A00];
	[tilespmem:$0x195B0] =	vst v55  }
0x89: {  	[tilespmem:$0x19580] =	vst v1;
	v1 =	vld [tilespmem:$0x189D0]  }
0x8a: {  	[tilespmem:$0x19590] =	vst v2;
	v2 =	vld [tilespmem:$0x189E0]  }
0x8b: {  	[tilespmem:$0x195A0] =	vst v3;
	v3 =	vld [tilespmem:$0x189F0]  }
0x8c: {  	v58 =	vld [tilespmem:$0x18A10];
	[tilespmem:$0x195C0] =	vst v56  }
0x8d: {  	v59 =	vld [tilespmem:$0x18A50];
	[tilespmem:$0x19600] =	vst v57  }
0x8e: {  	[tilespmem:$0x195D0] =	vst v1;
	v1 =	vld [tilespmem:$0x18A20]  }
0x8f: {  	[tilespmem:$0x195E0] =	vst v2;
	v2 =	vld [tilespmem:$0x18A30]  }
0x90: {  	[tilespmem:$0x195F0] =	vst v3;
	v3 =	vld [tilespmem:$0x18A40]  }
0x91: {  	v60 =	vld [tilespmem:$0x18A60];
	[tilespmem:$0x19610] =	vst v58  }
0x92: {  	v61 =	vld [tilespmem:$0x18AA0];
	[tilespmem:$0x19650] =	vst v59  }
0x93: {  	[tilespmem:$0x19620] =	vst v1;
	v1 =	vld [tilespmem:$0x18A70]  }
0x94: {  	[tilespmem:$0x19630] =	vst v2;
	v2 =	vld [tilespmem:$0x18A80]  }
0x95: {  	[tilespmem:$0x19640] =	vst v3;
	v3 =	vld [tilespmem:$0x18A90]  }
0x96: {  	v62 =	vld [tilespmem:$0x18AB0];
	[tilespmem:$0x19660] =	vst v60  }
0x97: {  	v63 =	vld [tilespmem:$0x18AF0];
	[tilespmem:$0x196A0] =	vst v61  }
0x98: {  	[tilespmem:$0x19670] =	vst v1;
	v1 =	vld [tilespmem:$0x18AC0]  }
0x99: {  	[tilespmem:$0x19680] =	vst v2;
	v2 =	vld [tilespmem:$0x18AD0]  }
0x9a: {  	[tilespmem:$0x19690] =	vst v3;
	v3 =	vld [tilespmem:$0x18AE0]  }
0x9b: {  	[tilespmem:$0x196B0] =	vst v62  }
0x9c: {  	[tilespmem:$0x196F0] =	vst v63  }
0x9d: {  	[tilespmem:$0x196C0] =	vst v1  }
0x9e: {  	[tilespmem:$0x196D0] =	vst v2  }
0x9f: {  	s10 =	simm.s32 $0x80;
	s11 =	simm.s32 $0x19300;
	[tilespmem:$0x196E0] =	vst v3  }
0xa0: {  	s12 =	simm.s32 $0x18B00;
	s13 =	simm.s32 $0x1;
	[bflag:$0x0] =	sbarrier.arrive $0xFFFF  }
0xa1: {  	[spmem:s5] =	stream.indirect.scatter.add.s32 [tilespmem:s12], [sflag:$0x1], $0x1, s11, s10, $0xb8;
	[tilespmem:$0x1E060] =	vst v63  }
0xa2: {  	_ =	swait.ge [sflag:s13], $0x80  }
0xa3: {  	[sflag:s13] =	ssyncset.done $0x0  }
0xa4: {  	s14 =	simm.s32 $0x19380;
	s15 =	simm.s32 $0x18B80;
	[sflag:s13] =	ssyncadd.s32 $0xFFFFFF80  }
0xa5: {  	[spmem:s5] =	stream.indirect.scatter.add.s32 [tilespmem:s15], [sflag:$0x1], $0x1, s14, s10, $0xb8;
	[tilespmem:$0x1E060] =	vst v63  }
0xa6: {  	_ =	swait.ge [sflag:s13], $0x80  }
0xa7: {  	[sflag:s13] =	ssyncset.done $0x0  }
0xa8: {  	s16 =	simm.s32 $0x19400;
	s17 =	simm.s32 $0x18C00;
	[sflag:s13] =	ssyncadd.s32 $0xFFFFFF80  }
0xa9: {  	[spmem:s5] =	stream.indirect.scatter.add.s32 [tilespmem:s17], [sflag:$0x1], $0x1, s16, s10, $0xb8;
	[tilespmem:$0x1E060] =	vst v63  }
0xaa: {  	_ =	swait.ge [sflag:s13], $0x80  }
0xab: {  	[sflag:s13] =	ssyncset.done $0x0  }
0xac: {  	s18 =	simm.s32 $0x19480;
	s19 =	simm.s32 $0x18C80;
	[sflag:s13] =	ssyncadd.s32 $0xFFFFFF80  }
0xad: {  	[spmem:s5] =	stream.indirect.scatter.add.s32 [tilespmem:s19], [sflag:$0x1], $0x1, s18, s10, $0xb8;
	[tilespmem:$0x1E060] =	vst v63  }
0xae: {  	_ =	swait.ge [sflag:s13], $0x80  }
0xaf: {  	[sflag:s13] =	ssyncset.done $0x0  }
0xb0: {  	s20 =	simm.s32 $0x19500;
	s21 =	simm.s32 $0x18D00;
	[sflag:s13] =	ssyncadd.s32 $0xFFFFFF80  }
0xb1: {  	[spmem:s5] =	stream.indirect.scatter.add.s32 [tilespmem:s21], [sflag:$0x1], $0x1, s20, s10, $0xb8;
	[tilespmem:$0x1E060] =	vst v63  }
0xb2: {  	_ =	swait.ge [sflag:s13], $0x80  }
0xb3: {  	[sflag:s13] =	ssyncset.done $0x0  }
0xb4: {  	s22 =	simm.s32 $0x19580;
	s23 =	simm.s32 $0x18D80;
	[sflag:s13] =	ssyncadd.s32 $0xFFFFFF80  }
0xb5: {  	[spmem:s5] =	stream.indirect.scatter.add.s32 [tilespmem:s23], [sflag:$0x1], $0x1, s22, s10, $0xb8;
	[tilespmem:$0x1E060] =	vst v63  }
0xb6: {  	_ =	swait.ge [sflag:s13], $0x80  }
0xb7: {  	[sflag:s13] =	ssyncset.done $0x0  }
0xb8: {  	s24 =	simm.s32 $0x19600;
	s25 =	simm.s32 $0x18E00;
	[sflag:s13] =	ssyncadd.s32 $0xFFFFFF80  }
0xb9: {  	[spmem:s5] =	stream.indirect.scatter.add.s32 [tilespmem:s25], [sflag:$0x1], $0x1, s24, s10, $0xb8;
	[tilespmem:$0x1E060] =	vst v63  }
0xba: {  	_ =	swait.ge [sflag:s13], $0x80  }
0xbb: {  	[sflag:s13] =	ssyncset.done $0x0  }
0xbc: {  	s26 =	simm.s32 $0x19680;
	s28 =	simm.s32 $0x18E80;
	[sflag:s13] =	ssyncadd.s32 $0xFFFFFF80  }
0xbd: {  	[spmem:s5] =	stream.indirect.scatter.add.s32 [tilespmem:s28], [sflag:$0x1], $0x1, s26, s10, $0xb8;
	[tilespmem:$0x1E060] =	vst v63  }
0xbe: {  	_ =	swait.ge [sflag:s13], $0x80  }
0xbf: {  	[sflag:s13] =	ssyncset.done $0x0  }
0xc0: {  	s29 =	simm.s32 $0x400;
	[sflag:s13] =	ssyncadd.s32 $0xFFFFFF80  }
0xc1: {  	s30 =	simm.s32 $0x18700;
	s31 =	simm.s32 $0x18F00;
	[bflag:$0x0] =	sbarrier.arrive $0xFFFF  }
0xc2: {  	[tilespmem:s31], [sflag:$0x1] =	stream.indirect.gather [spmem:s5], $0x1, s30, s29, $0xb8;
	[tilespmem:$0x1E060] =	vst v63  }
0xc3: {  	_ =	swait.ge [sflag:s13], $0x400  }
0xc4: {  	[sflag:s13] =	ssyncset.done $0x0  }
0xc5: {  	s5 =	simm.s32 $0x0;
	[sflag:s13] =	ssyncadd.s32 $0xFFFFFC00  }
0xc6: {  	v1 =	vld [tilespmem:s5+$0x18F00]  }
0xc7: {  	v2 =	vld [tilespmem:s5+$0x18B00];
	_ =	sdelay $0x3  }
0xc8: {  	v3 =	vshra.s32 v1, v0  }
0xc9: {  	v1 =	vlaneseq.u32;
	vm15 =	vne.s32 v2, $0x0;
	vm1 =	veq.s32 v3, $0x0  }
0xca: {  	v2 =	vor.u32 s4, v1;
	vm0 =	vmand vm15, vm1  }
0xcb: {  	s7 =	simm.s32 $0x10;
	s6 =	simm.s32 $0x80;
	v2 =	vnsel vm0, $0x0, v2  }
.LBB2_6:
0xcc: {  	p0 =	sne.s32 s6, $0xFC0;
	v3 =	vld [tilespmem:s7+$0x18F00];
	[tilespmem:s5+$0x18B00] =	vst v2;
	s5 =	smov.u32 s7  }
0xcd: {  	v2 =	vld [tilespmem:s5+$0x18B00];
	_ =	sdelay $0x2  }
.Ltmp3:
0xce: {  	(pc) =	sbr.rel @p0 .LBB2_6-.Ltmp3, $4  }
0xcf: {  	v3 =	vshra.s32 v3, v0  }
0xd0: {  	s4 =	sadd.s32 $0x10, s4;
	vm0 =	vne.s32 v2, $0x0;
	vm1 =	veq.s32 v3, $0x0  }
0xd1: {  	v2 =	vor.u32 s4, v1;
	vm0 =	vmand vm0, vm1  }
0xd2: {  	s7 =	sshra.s32 s6, $0x2;
	s6 =	sadd.s32 $0x40, s6;
	v2 =	vnsel vm0, $0x0, v2  }
0xd3: {  	v3 =	vld [tilespmem:s7+$0x18F00];
	[tilespmem:s5+$0x18B00] =	vst v2  }
0xd4: {  	v2 =	vld [tilespmem:s7+$0x18B00];
	_ =	sdelay $0x3  }
0xd5: {  	v0 =	vshra.s32 v3, v0  }
0xd6: {  	s4 =	sadd.s32 $0x10, s4;
	vm0 =	vne.s32 v2, $0x0;
	vm1 =	veq.s32 v0, $0x0  }
0xd7: {  	v63 =	vor.u32 s4, v1;
	vm0 =	vmand vm0, vm1  }
0xd8: {  	s10 =	simm.s32 $0x80;
	v0 =	vnsel vm0, $0x0, v63  }
0xd9: {  	s11 =	simm.s32 $0x19300;
	s6 =	simm.s32 $0x18B00;
	s12 =	simm.s32 $0x1;
	[tilespmem:s7+$0x18B00] =	vst v0  }
0xda: {  	[spmem:s2] =	stream.indirect.scatter.add.s32 [tilespmem:s6], [sflag:$0x1], $0x1, s11, s10, $0xb8;
	[tilespmem:$0x1E060] =	vst v63  }
0xdb: {  	_ =	swait.ge [sflag:s12], $0x80  }
0xdc: {  	[sflag:s12] =	ssyncset.done $0x0  }
0xdd: {  	s13 =	simm.s32 $0x19380;
	s14 =	simm.s32 $0x18B80;
	[sflag:s12] =	ssyncadd.s32 $0xFFFFFF80  }
0xde: {  	[spmem:s2] =	stream.indirect.scatter.add.s32 [tilespmem:s14], [sflag:$0x1], $0x1, s13, s10, $0xb8;
	[tilespmem:$0x1E060] =	vst v63  }
0xdf: {  	_ =	swait.ge [sflag:s12], $0x80  }
0xe0: {  	[sflag:s12] =	ssyncset.done $0x0  }
0xe1: {  	s15 =	simm.s32 $0x19400;
	s16 =	simm.s32 $0x18C00;
	[sflag:s12] =	ssyncadd.s32 $0xFFFFFF80  }
0xe2: {  	[spmem:s2] =	stream.indirect.scatter.add.s32 [tilespmem:s16], [sflag:$0x1], $0x1, s15, s10, $0xb8;
	[tilespmem:$0x1E060] =	vst v63  }
0xe3: {  	_ =	swait.ge [sflag:s12], $0x80  }
0xe4: {  	[sflag:s12] =	ssyncset.done $0x0  }
0xe5: {  	s17 =	simm.s32 $0x19480;
	s18 =	simm.s32 $0x18C80;
	[sflag:s12] =	ssyncadd.s32 $0xFFFFFF80  }
0xe6: {  	[spmem:s2] =	stream.indirect.scatter.add.s32 [tilespmem:s18], [sflag:$0x1], $0x1, s17, s10, $0xb8;
	[tilespmem:$0x1E060] =	vst v63  }
0xe7: {  	_ =	swait.ge [sflag:s12], $0x80  }
0xe8: {  	[sflag:s12] =	ssyncset.done $0x0  }
0xe9: {  	s19 =	simm.s32 $0x19500;
	s20 =	simm.s32 $0x18D00;
	[sflag:s12] =	ssyncadd.s32 $0xFFFFFF80  }
0xea: {  	[spmem:s2] =	stream.indirect.scatter.add.s32 [tilespmem:s20], [sflag:$0x1], $0x1, s19, s10, $0xb8;
	[tilespmem:$0x1E060] =	vst v63  }
0xeb: {  	_ =	swait.ge [sflag:s12], $0x80  }
0xec: {  	[sflag:s12] =	ssyncset.done $0x0  }
0xed: {  	s21 =	simm.s32 $0x19580;
	s22 =	simm.s32 $0x18D80;
	[sflag:s12] =	ssyncadd.s32 $0xFFFFFF80  }
0xee: {  	[spmem:s2] =	stream.indirect.scatter.add.s32 [tilespmem:s22], [sflag:$0x1], $0x1, s21, s10, $0xb8;
	[tilespmem:$0x1E060] =	vst v63  }
0xef: {  	_ =	swait.ge [sflag:s12], $0x80  }
0xf0: {  	[sflag:s12] =	ssyncset.done $0x0  }
0xf1: {  	s23 =	simm.s32 $0x19600;
	s24 =	simm.s32 $0x18E00;
	[sflag:s12] =	ssyncadd.s32 $0xFFFFFF80  }
0xf2: {  	[spmem:s2] =	stream.indirect.scatter.add.s32 [tilespmem:s24], [sflag:$0x1], $0x1, s23, s10, $0xb8;
	[tilespmem:$0x1E060] =	vst v63  }
0xf3: {  	_ =	swait.ge [sflag:s12], $0x80  }
0xf4: {  	[sflag:s12] =	ssyncset.done $0x0  }
0xf5: {  	s25 =	simm.s32 $0x19680;
	s26 =	simm.s32 $0x18E80;
	[sflag:s12] =	ssyncadd.s32 $0xFFFFFF80  }
0xf6: {  	[spmem:s2] =	stream.indirect.scatter.add.s32 [tilespmem:s26], [sflag:$0x1], $0x1, s25, s10, $0xb8;
	[tilespmem:$0x1E060] =	vst v63  }
0xf7: {  	_ =	swait.ge [sflag:s12], $0x80  }
0xf8: {  	[sflag:s12] =	ssyncset.done $0x0  }
0xf9: {  	s28 =	simm.s32 $0x400;
	[sflag:s12] =	ssyncadd.s32 $0xFFFFFF80  }
0xfa: {  	s29 =	simm.s32 $0x18700;
	s30 =	simm.s32 $0x18F00;
	[bflag:$0x0] =	sbarrier.arrive $0xFFFF  }
0xfb: {  	[tilespmem:s30], [sflag:$0x1] =	stream.indirect.gather [spmem:s2], $0x1, s29, s28, $0xb8;
	[tilespmem:$0x1E060] =	vst v63  }
0xfc: {  	_ =	swait.ge [sflag:s12], $0x400  }
0xfd: {  	[sflag:s12] =	ssyncset.done $0x0  }
0xfe: {  	s31 =	simm.s32 $0x0;
	[sflag:s12] =	ssyncadd.s32 $0xFFFFFC00  }
0xff: {  	[hbm4b:s3+s31] =	stream.linear.scatter [tilespmem:s30], [sflag:$0x1], $0x400, $0x38;
	[tilespmem:$0x1E060] =	vst v63  }
0x100: {  	_ =	swait.ge [sflag:s12], $0x400  }
0x101: {  	[sflag:s12] =	ssyncset.done $0x0  }
0x102: {  	[sflag:s12] =	ssyncadd.s32 $0xFFFFFC00  }
.LBB2_8:
0x103: {  	_ =	sfence.sel $0x180000  }
0x104: {  	[bflag:$0x0] =	sbarrier.arrive $0xFFFF  }
0x105: {  	p0 =	sne.s32 s1, $0x0;
	_ =	strace $0x90000047  }
0x106: {  	s0 =	sadd.s32 @!p0 $0x100000, s0;
	[bflag:$0x2] =	sbarrier.arrive $0xFFFF  }
0x107: {  	[sflag:s0] =	ssyncadd.tile.s32 @!p0 $0x1;
	_ =	shalt  }
.Lfunc_end2:
_tile_overlayer_lowered:
.L_overlay_start_2:
0x108: {  	(tag) =	ssettag $0x2  }
0x109: {  	s0 =	rddreg [dreg:$0x0];
	s2 =	stileid.u32  }
0x10a: {  	s1 =	rddreg [dreg:$0x1];
	p0 =	sne.s32 s2, $0x0  }
0x10b: {  	s3 =	rddreg [dreg:$0x2];
	[bflag:$0x3] =	sbarrier.arrive $0xFFFF;
	s2 =	simm.s32 @!p0 $0x1C01  }
0x10c: {  	[timem:s3], [sflag:s2] =	dma.local @!p0 [hbm:s0], s1  }
0x10d: {  	s0 =	simm.s32 @!p0 $0x1  }
0x10e: {  	_ =	swait.ge @!p0 [sflag:s0], s1  }
0x10f: {  	s1 =	ssub.s32 @!p0 $0x0, s1;
	[sflag:s0] =	ssyncset.done @!p0 $0x0  }
0x110: {  	[sflag:s0] =	ssyncadd.s32 @!p0 s1  }
0x111: {  	[bflag:$0x3] =	sbarrier.arrive $0xFFFF  }
0x112: {  	_ =	shalt  }

// kernel: kernel.9.cloned.1.call-start
scs
__scs_entry_jumppad:
0x0: {  	(pc) =	sbr.rel $0x88, $3  }
0x1: {  	(tag) =	ssettag $0x0;
	lr =	simm.s32 $0x1  }
0x2: {  	[smem:$0x3F9B] =	sst lr;
	_ =	strace $0xD0000000  }
0x3: {  	_ = 	snop  }
0x4: {  	_ = 	snop  }
0x5: {  	_ = 	snop  }
0x6: {  	_ = 	snop  }
0x7: {  	_ = 	snop  }
__scs_overlays_trampoline_lowered:
0x8: {  	[smem:$0x3FAA] =	sst s0  }
0x9: {  	[smem:$0x3FAB] =	sst s1  }
0xa: {  	[smem:$0x3FAC] =	sst s2  }
0xb: {  	[smem:$0x3FAD] =	sst s3  }
0xc: {  	[smem:$0x3FAE] =	sst s4  }
0xd: {  	[smem:$0x3FAF] =	sst s5  }
0xe: {  	[smem:$0x3FB0] =	sst s6  }
0xf: {  	[smem:$0x3FB1] =	sst s7  }
0x10: {  	[smem:$0x3FB2] =	sst s8  }
0x11: {  	[smem:$0x3FB3] =	sst s9;
	s0 =	simm.s32 @!p0 $0x0  }
0x12: {  	s1 =	sld [smem:$0x3F99];
	s0 =	simm.s32 @p0 $0x1  }
0x13: {  	[smem:$0x3FB4] =	sst s0;
	s0 =	simm.s32 @!p1 $0x0  }
0x14: {  	s2 =	sld [smem:$0x3F98];
	s0 =	simm.s32 @p1 $0x1  }
0x15: {  	[smem:$0x3FB5] =	sst s0;
	s0 =	simm.s32 @!p2 $0x0  }
0x16: {  	s3 =	sld [smem:$0x3FDB];
	s0 =	simm.s32 @p2 $0x1  }
0x17: {  	s4 =	simm.s32 $0x1BF5;
	[smem:$0x3FB7] =	sst s0  }
0x18: {  	s0 =	sld [smem:$0x3F9A];
	_ =	swait.ge [sflag:s4], $0x0  }
0x19: {  	s7 =	sld [smem:$0x3F9B]  }
0x1a: {  	s8 =	sadd.s32 $0xFFFFE003, lr  }
0x1b: {  	s9 =	sadd.s32 $0xFFFFFEF7, lr;
	s5 =	simm.s32 $0xFFFFFFFF;
	p2 =	slt.u32 s8, $0xFFFFF086  }
0x1c: {  	p1 =	slt.u32 s9, $0xF7A;
	s5 =	simm.s32 @!p2 $0x0  }
0x1d: {  	s5 =	simm.s32 @p1 $0x1;
	p0 =	seq.s32 s7, s2  }
0x1e: {  	s7 =	smul.u32 @!p0 $0xF7A, s2;
	p2 =	seq.s32 @!p0 s5, $0x0  }
0x1f: {  	s9 =	smul.u32 $0xF7A, s1;
	s8 =	simm.s32 @!p0 $0x1BF5;
	p2 =	por !p2, p0  }
0x20: {  	[sflag:s8] =	ssyncset.s32 @!p0 $0xFFFFF086;
	s6 =	sadd.s32 @!p0 s3, s7;
	s7 =	simm.s32 @!p0 $0x108  }
0x21: {  	s3 =	sadd.s32 s3, s9;
	s6 =	sadd.s32 @!p0 $0x88, s6;
	s7 =	simm.s32 @p2 $0x1082  }
0x22: {  	[simem:s7], [sflag:s8] =	dma.local @!p0 [hbm:s6], $0xF7A  }
0x23: {  	s9 =	sor.u32 $0xD0000000, s2;
	s6 =	simm.s32 $0x108;
	_ =	swait.ge @!p0 [sflag:s8], $0x0  }
0x24: {  	s3 =	sadd.s32 $0x88, s3;
	s6 =	simm.s32 @!p1 $0x1082;
	[sflag:s4] =	ssyncset.s32 $0xFFFFF086  }
0x25: {  	[simem:s6], [sflag:s4] =	dma.local [hbm:s3], $0xF7A  }
0x26: {  	[smem:$0x3F9B] =	sst s1;
	(tag) =	ssettag s2;
	_ =	strace s9  }
0x27: {  	s1 =	sld [smem:$0x3FAB]  }
0x28: {  	s2 =	sld [smem:$0x3FAC]  }
0x29: {  	s4 =	sld [smem:$0x3FAE]  }
0x2a: {  	p0 =	seq.s32 s5, $0x0;
	s5 =	sld [smem:$0x3FAF]  }
0x2b: {  	s6 =	sld [smem:$0x3FB0]  }
0x2c: {  	s7 =	sld [smem:$0x3FB1]  }
0x2d: {  	s3 =	simm.s32 $0x108;
	s8 =	sld [smem:$0x3FB2]  }
0x2e: {  	s3 =	simm.s32 @!p0 $0x1082;
	s9 =	sld [smem:$0x3FB3]  }
0x2f: {  	lr =	sadd.s32 s0, s3;
	s0 =	sld [smem:$0x3FAA]  }
0x30: {  	s3 =	sld [smem:$0x3FAD]  }
0x31: {  	[smem:$0x3FB6] =	sst s10  }
0x32: {  	s10 =	sld [smem:$0x3FB4];
	_ =	sdelay $0x3  }
0x33: {  	p0 =	seq.s32 s10, $0x1;
	s10 =	sld [smem:$0x3FB6];
	_ =	sdelay $0x3  }
0x34: {  	[smem:$0x3FB6] =	sst s10  }
0x35: {  	s10 =	sld [smem:$0x3FB5];
	_ =	sdelay $0x3  }
0x36: {  	p1 =	seq.s32 s10, $0x1;
	s10 =	sld [smem:$0x3FB6];
	_ =	sdelay $0x3  }
0x37: {  	[smem:$0x3FB6] =	sst s10  }
0x38: {  	s10 =	sld [smem:$0x3FB7]  }
0x39: {  	_ = 	snop;
	(pc) =	sbr.ind lr, $3  }
0x3a: {  	_ = 	snop  }
0x3b: {  	_ = 	snop  }
0x3c: {  	p2 =	seq.s32 s10, $0x1;
	s10 =	sld [smem:$0x3FB6]  }
0x3d: {  	_ =	shalt  }
0x3e: {  	_ =	shalt  }
0x3f: {  	_ =	shalt  }
0x40: {  	_ =	shalt  }
0x41: {  	_ =	shalt  }
0x42: {  	_ =	shalt  }
0x43: {  	_ =	shalt  }
0x44: {  	_ =	shalt  }
0x45: {  	_ =	shalt  }
0x46: {  	_ =	shalt  }
0x47: {  	_ =	shalt  }
0x48: {  	_ =	shalt  }
0x49: {  	_ =	shalt  }
0x4a: {  	_ =	shalt  }
0x4b: {  	_ =	shalt  }
0x4c: {  	_ =	shalt  }
0x4d: {  	_ =	shalt  }
0x4e: {  	_ =	shalt  }
0x4f: {  	_ =	shalt  }
0x50: {  	_ =	shalt  }
0x51: {  	_ =	shalt  }
0x52: {  	_ =	shalt  }
0x53: {  	_ =	shalt  }
0x54: {  	_ =	shalt  }
0x55: {  	_ =	shalt  }
0x56: {  	_ =	shalt  }
0x57: {  	_ =	shalt  }
0x58: {  	_ =	shalt  }
0x59: {  	_ =	shalt  }
0x5a: {  	_ =	shalt  }
0x5b: {  	_ =	shalt  }
0x5c: {  	_ =	shalt  }
0x5d: {  	_ =	shalt  }
0x5e: {  	_ =	shalt  }
0x5f: {  	_ =	shalt  }
0x60: {  	_ =	shalt  }
0x61: {  	_ =	shalt  }
0x62: {  	_ =	shalt  }
0x63: {  	_ =	shalt  }
0x64: {  	_ =	shalt  }
0x65: {  	_ =	shalt  }
0x66: {  	_ =	shalt  }
0x67: {  	_ =	shalt  }
0x68: {  	_ =	shalt  }
0x69: {  	_ =	shalt  }
0x6a: {  	_ =	shalt  }
0x6b: {  	_ =	shalt  }
0x6c: {  	_ =	shalt  }
0x6d: {  	_ =	shalt  }
0x6e: {  	_ =	shalt  }
0x6f: {  	_ =	shalt  }
0x70: {  	_ =	shalt  }
0x71: {  	_ =	shalt  }
0x72: {  	_ =	shalt  }
0x73: {  	_ =	shalt  }
0x74: {  	_ =	shalt  }
0x75: {  	_ =	shalt  }
0x76: {  	_ =	shalt  }
0x77: {  	_ =	shalt  }
0x78: {  	_ =	shalt  }
0x79: {  	_ =	shalt  }
0x7a: {  	_ =	shalt  }
0x7b: {  	_ =	shalt  }
0x7c: {  	_ =	shalt  }
0x7d: {  	_ =	shalt  }
0x7e: {  	_ =	shalt  }
0x7f: {  	_ =	shalt  }
0x80: {  	_ =	shalt  }
0x81: {  	_ =	shalt  }
0x82: {  	_ =	shalt  }
0x83: {  	_ =	shalt  }
0x84: {  	_ =	shalt  }
0x85: {  	_ =	shalt  }
0x86: {  	_ =	shalt  }
0x87: {  	_ =	shalt  }
.Lfunc_end0:
.L_simem_size_0:
called_computation.1_lowered:
.L_overlay_start_0:
0x88: {  	s2 =	sld [smem:$0x3FD9]  }
0x89: {  	s3 =	sld [smem:$0x3FFE];
	_ =	sdelay $0x1  }
0x8a: {  	s1 =	srdreg.scid  }
0x8b: {  	s0 =	sand.u32 $0x1, s1  }
0x8c: {  	s17 =	sshll.u32 s0, $0xA;
	s2 =	sadd.s32 s3, s2  }
0x8d: {  	s2 =	sadd.s32 s2, s17  }
0x8e: {  	[smem:$0x3FC2] =	sst s2  }
0x8f: {  	_ = 	snop  }
0x90: {  	s2 =	sld [smem:$0x3FC9]  }
0x91: {  	s18 =	sld [smem:$0x3FC8]  }
0x92: {  	s4 =	sld [smem:$0x3FD0];
	(tm) =	ssettm $0x1  }
0x93: {  	s5 =	sld [smem:$0x3FFB];
	_ =	sdelay $0x3  }
0x94: {  	_ =	strace s5  }
0x95: {  	s5 =	sld [smem:$0x3FFC];
	_ =	sdelay $0x3  }
0x96: {  	_ =	strace s5  }
0x97: {  	s5 =	sld [smem:$0x3FFD];
	_ =	sdelay $0x3  }
0x98: {  	_ =	strace s5  }
0x99: {  	_ =	strace $0x8FFFFFFF  }
0x9a: {  	s19 =	sld [smem:$0x3FDB];
	_ =	sdelay $0x1  }
0x9b: {  	s6 =	simm.s32 $_scs_section_size  }
0x9c: {  	s7 =	simm.s32 $_size__tile_overlayer_lowered;
	s8 =	simm.s32 $_tile_overlayer_lowered  }
0x9d: {  	s22 =	simm.s32 $0x1BFF;
	s21 =	sshll.u32 s8, $0x1;
	s5 =	sadd.s32 s6, s19  }
0x9e: {  	s9 =	simm.s32 $0x0;
	s20 =	sshll.u32 s7, $0x1;
	s7 =	sadd.s32 s21, s5  }
0x9f: {  	[timem:s9], [sflag:s22] =	dma.local [hbm:s7], s20  }
0xa0: {  	_ =	swait.ge [sflag:s22], s20  }
0xa1: {  	s6 =	ssub.s32 $0x0, s20;
	[sflag:s22] =	ssyncset.done $0x0  }
0xa2: {  	[sflag:s22] =	ssyncadd.s32 s6;
	_ =	sdelay $0x1  }
0xa3: {  	s23 =	simm.s32 $0x1B8B  }
0xa4: {  	_ =	swait.ge [sflag:s23], $0x1  }
0xa5: {  	[sflag:s23] =	ssyncset.done $0x0  }
0xa6: {  	s25 =	simm.s32 $0x1B8E;
	s24 =	sld [smem:$0x3FFE];
	[sflag:s23] =	ssyncadd.s32 $0xFFFFFFFF  }
0xa7: {  	s26 =	simm.s32 $execute0_lowered;
	[smem:$0x3FD2] =	sst s25  }
0xa8: {  	s7 =	sshll.u32 s26, $0x1;
	_ =	strace $0x80000049;
	[dreg:$0x1] =	wrdreg $0xFFFFFFFF  }
0xa9: {  	s28 =	simm.s32 $_size_execute0_lowered;
	s5 =	sadd.s32 s5, s7;
	[dreg:$0x0] =	wrdreg $0x0  }
0xaa: {  	s7 =	sshll.u32 s28, $0x1;
	[dreg:$0x2] =	wrdreg s5  }
0xab: {  	[dreg:$0x3] =	wrdreg s7  }
0xac: {  	[dreg:$0x4] =	wrdreg $0xC0  }
0xad: {  	_ =	task [dreg:s9], $0x5FFFF  }
0xae: {  	[dreg:$0x1] =	wrdreg $0xFFFFFFFF  }
0xaf: {  	[dreg:$0x0] =	wrdreg $0x60  }
0xb0: {  	[dreg:$0x2] =	wrdreg s2  }
0xb1: {  	[dreg:$0x3] =	wrdreg s18  }
0xb2: {  	[dreg:$0x4] =	wrdreg s4  }
0xb3: {  	[dreg:$0x5] =	wrdreg s24  }
0xb4: {  	[dreg:$0x6] =	wrdreg $0x9  }
0xb5: {  	_ =	task.clear_ibuf [dreg:s9], $0x7FFFF;
	_ =	strace $0x90000049  }
0xb6: {  	s29 =	simm.s32 $0x9;
	_ =	strace $0x8000004B  }
0xb7: {  	_ =	swait.ge [sflag:s29], $0x1  }
0xb8: {  	[sflag:s29] =	ssyncadd.s32 $0xFFFFFFFF  }
0xb9: {  	_ =	strace $0x9000004B  }
0xba: {  	_ =	sfence  }
0xbb: {  	s30 =	sld [smem:$0x0];
	_ =	sdelay $0x2  }
0xbc: {  	s31 =	sshll.u32 s1, $0xD;
	s1 =	sshrl.u32 s1, $0x2  }
0xbd: {  	s3 =	sand.u32 $0x4000, s31;
	s1 =	sadd.s32 s1, s30  }
0xbe: {  	s0 =	sor.u32 s3, s0;
	s1 =	sshll.u32 s1, $0x11  }
0xbf: {  	s0 =	sor.u32 s1, s0  }
0xc0: {  	s0 =	sadd.s32 $0x8F2B, s0  }
0xc1: {  	[sflag:s0] =	ssyncadd.remote.s32 $0x1  }
0xc2: {  	_ =	sfence.sel $0xFFFF  }
0xc3: {  	[dreg:$0x0] =	wrdreg $0xFFFFFFFF;
	(pc) =	sbr.abs _section_cstart, $3  }
0xc4: {  	[dreg:$0x1] =	wrdreg $0xFFFFFFFF  }
0xc5: {  	_ =	task.clear_ibuf [dreg:s9], $0x2FFFF;
	_ =	strace $0x9FFFFFFF  }
0xc6: {  	(tm) =	ssettm $0x7FFFFFFF  }
0xc7: {  	_ =	shalt  }
tec
execute0_lowered:
.L_overlay_start_1:
0x0: {  	(tag) =	ssettag $0x1  }
0x1: {  	s1 =	rddreg [dreg:$0x0]  }
0x2: {  	s5 =	rddreg [dreg:$0x1]  }
0x3: {  	s2 =	rddreg [dreg:$0x3];
	s0 =	srdreg.scid  }
0x4: {  	s3 =	stileid.u32;
	s4 =	simm.s32 $0x0;
	s0 =	sand.u32 $0x1, s0  }
0x5: {  	s3 =	sshll.u32 s3, $0xA;
	[smem:$0x7FF] =	sst s4;
	s6 =	sshll.u32 s0, $0x9  }
0x6: {  	s8 =	sadd.s32 $0x45200, s2;
	_ =	strace $0x8000004A;
	s3 =	sor.u32 s6, s3  }
0x7: {  	s0 =	ssub.s32 $0x2, s0;
	s6 =	sshrl.u32 s3, $0x3;
	s7 =	sor.u32 $0x40, s3  }
0x8: {  	s18 =	sshll.u32 s3, $0x6;
	s12 =	sor.u32 $0xC0, s3;
	s14 =	sor.u32 $0x140, s3  }
0x9: {  	s16 =	sor.u32 $0x1C0, s3;
	s9 =	sadd.s32 s5, s6;
	s10 =	sshrl.u32 s7, $0x3  }
0xa: {  	s19 =	sadd.s32 s8, s18;
	s7 =	sshll.u32 s7, $0x6;
	s20 =	sshrl.u32 s12, $0x3  }
0xb: {  	s12 =	sshll.u32 s12, $0x6;
	s25 =	sshrl.u32 s14, $0x3;
	s14 =	sshll.u32 s14, $0x6  }
0xc: {  	s31 =	sshrl.u32 s16, $0x3;
	s18 =	sshll.u32 s16, $0x6;
	[dreg:$0x5] =	wrdreg s9  }
0xd: {  	s16 =	simm.s32 $0x1;
	s17 =	sadd.s32 s5, s10;
	[dreg:$0x7] =	wrdreg s19  }
0xe: {  	s10 =	sor.u32 $0x80, s3;
	s7 =	sadd.s32 s8, s7;
	[dreg:$0x6] =	wrdreg s17  }
0xf: {  	s21 =	sadd.s32 s5, s20;
	s12 =	sadd.s32 s8, s12;
	[dreg:$0x9] =	wrdreg s7  }
0x10: {  	s26 =	sadd.s32 s5, s25;
	s14 =	sadd.s32 s8, s14;
	[dreg:$0xa] =	wrdreg s21  }
0x11: {  	s19 =	sadd.s32 $0x4A00, s2;
	s20 =	sadd.s32 s8, s18;
	[dreg:$0xd] =	wrdreg s12  }
0x12: {  	s2 =	sadd.s32 $0x5200, s2;
	s25 =	sshrl.u32 s0, $0x1;
	[dreg:$0xe] =	wrdreg s26  }
0x13: {  	s18 =	simm.s32 $0x2;
	s9 =	sshrl.u32 s10, $0x3;
	[dreg:$0x11] =	wrdreg s14  }
0x14: {  	s22 =	sshll.u32 s10, $0x6;
	[dreg:$0x14] =	wrdreg s20;
	s21 =	sadd.s32 s19, s6  }
0x15: {  	s0 =	ssub.s32 s0, s25;
	s7 =	simm.s32 $0x5;
	s25 =	simm.s32 $0x80  }
0x16: {  	s11 =	sadd.s32 s5, s9;
	s23 =	sadd.s32 s8, s22;
	[dreg:$0x15] =	wrdreg s21  }
0x17: {  	s22 =	sadd.s32 s19, s9;
	[dreg:$0x8] =	wrdreg s11;
	s11 =	sor.u32 $0x100, s3  }
0x18: {  	s6 =	smax.u32 s0, $0x1;
	[dreg:$0xb] =	wrdreg s23;
	s24 =	sshrl.u32 s11, $0x3  }
0x19: {  	[dreg:$0x16] =	wrdreg s22;
	s28 =	sshll.u32 s11, $0x6;
	s13 =	sadd.s32 s5, s24  }
0x1a: {  	s29 =	sadd.s32 s8, s28;
	s23 =	sadd.s32 s19, s24;
	[dreg:$0xc] =	wrdreg s13  }
0x1b: {  	s24 =	sshll.u32 s10, $0x4;
	s13 =	sor.u32 $0x180, s3;
	[dreg:$0xf] =	wrdreg s29  }
0x1c: {  	s3 =	sshll.u32 s3, $0x4;
	[dreg:$0x18] =	wrdreg s23;
	s26 =	sadd.s32 s2, s24  }
0x1d: {  	s30 =	sshrl.u32 s13, $0x3;
	s3 =	sadd.s32 s2, s3;
	[dreg:$0x19] =	wrdreg s26  }
0x1e: {  	s29 =	sshll.u32 s11, $0x4;
	s15 =	sadd.s32 s5, s30;
	[dreg:$0x17] =	wrdreg s3  }
0x1f: {  	s24 =	simm.s32 $0x200;
	s5 =	sadd.s32 s5, s31;
	[dreg:$0x10] =	wrdreg s15  }
0x20: {  	s28 =	sadd.s32 s19, s30;
	s30 =	sadd.s32 s2, s29;
	[dreg:$0x12] =	wrdreg s5  }
0x21: {  	s31 =	sshll.u32 s13, $0x4;
	s19 =	simm.s32 $0x4;
	[dreg:$0x1a] =	wrdreg s28  }
0x22: {  	v2 =	vlaneseq.u32;
	s15 =	sshll.u32 s13, $0x6;
	[dreg:$0x1b] =	wrdreg s30;
	s2 =	sadd.s32 s2, s31  }
0x23: {  	vm0 =	vmmov $0xffff;
	v1 =	vshrl.u32 v2, $0x3;
	s5 =	sadd.s32 $0x100, s1;
	s17 =	sadd.s32 s8, s15;
	[dreg:$0x1c] =	wrdreg s2  }
0x24: {  	v0 =	vand.u32 $0x7, v2;
	v2 =	vor.u32 $0x8, v2;
	v1 =	vmul.u32 $0x8, v1;
	s13 =	simm.s32 $0x8200;
	[dreg:$0x13] =	wrdreg s17;
	s17 =	simm.s32 $0x3  }
.LBB2_1:
0x25: {  	s26 =	rddreg [dreg:$0x5]  }
0x26: {  	[tilespmem:s4], [sflag:$0x5] =	stream.linear.gather [hbm4b:s26+s4], $0x40, $0x38;
	[tilespmem:$0x18200] =	vst v63  }
0x27: {  	_ =	swait.ge [sflag:s7], $0x40  }
0x28: {  	[sflag:s7] =	ssyncset.done $0x0  }
0x29: {  	[sflag:s7] =	ssyncadd.s32 $0xFFFFFFC0  }
0x2a: {  	v3 =	vld [tilespmem:$0x0];
	_ =	sdelay $0x4  }
0x2b: {  	v4 =	vshll.u32 v3, $0x2  }
0x2c: {  	v3 =	vand.u32 $0x7, v3;
	v4 =	vand.u32 $0xFFFFFFE0, v4  }
0x2d: {  	v3 =	vor.u32 v3, v4  }
0x2e: {  	v4 =	vperm.xlane v3, v0;
	_ =	sdelay $0x1  }
0x2f: {  	v4 =	vadd.s32 v1, v4;
	_ =	sdelay $0x1  }
0x30: {  	v3 =	vperm.xlane v3, v2;
	_ =	sdelay $0x1  }
0x31: {  	v3 =	vadd.s32 v1, v3  }
0x32: {  	[tilespmem:s24], [sflag:$0x1] =	stream.indirect_vreg.gather [hbm4b:s1+s4], $0x80, v4, vm0, $0xb8;
	[tilespmem:$0x18200] =	vst v63  }
0x33: {  	s0 =	simm.s32 $0xA00  }
0x34: {  	[tilespmem:s0], [sflag:$0x1] =	stream.indirect_vreg.gather [hbm4b:s5+s4], $0x80, v4, vm0, $0xb8;
	[tilespmem:$0x18200] =	vst v63  }
0x35: {  	s28 =	simm.s32 $0x1200  }
0x36: {  	[tilespmem:s28], [sflag:$0x1] =	stream.indirect_vreg.gather [hbm4b:s1+s4], $0x80, v3, vm0, $0xb8;
	[tilespmem:$0x18200] =	vst v63  }
0x37: {  	s29 =	simm.s32 $0x1A00  }
0x38: {  	[tilespmem:s29], [sflag:$0x1] =	stream.indirect_vreg.gather [hbm4b:s5+s4], $0x80, v3, vm0, $0xb8;
	[tilespmem:$0x18200] =	vst v63  }
0x39: {  	v3 =	vld [tilespmem:$0x10];
	_ =	sdelay $0x4  }
0x3a: {  	v33 =	vshll.u32 v3, $0x2  }
0x3b: {  	v3 =	vand.u32 $0x7, v3;
	v4 =	vand.u32 $0xFFFFFFE0, v33  }
0x3c: {  	v3 =	vor.u32 v3, v4  }
0x3d: {  	v4 =	vperm.xlane v3, v0;
	_ =	sdelay $0x1  }
0x3e: {  	v4 =	vadd.s32 v1, v4;
	_ =	sdelay $0x1  }
0x3f: {  	v3 =	vperm.xlane v3, v2;
	_ =	sdelay $0x1  }
0x40: {  	s30 =	simm.s32 $0x2200;
	v3 =	vadd.s32 v1, v3  }
0x41: {  	[tilespmem:s30], [sflag:$0x1] =	stream.indirect_vreg.gather [hbm4b:s1+s4], $0x80, v4, vm0, $0xb8;
	[tilespmem:$0x18200] =	vst v63  }
0x42: {  	s31 =	simm.s32 $0x2A00  }
0x43: {  	[tilespmem:s31], [sflag:$0x1] =	stream.indirect_vreg.gather [hbm4b:s5+s4], $0x80, v4, vm0, $0xb8;
	[tilespmem:$0x18200] =	vst v63  }
0x44: {  	s8 =	simm.s32 $0x3200  }
0x45: {  	[tilespmem:s8], [sflag:$0x1] =	stream.indirect_vreg.gather [hbm4b:s1+s4], $0x80, v3, vm0, $0xb8;
	[tilespmem:$0x18200] =	vst v63  }
0x46: {  	s9 =	simm.s32 $0x3A00  }
0x47: {  	[tilespmem:s9], [sflag:$0x1] =	stream.indirect_vreg.gather [hbm4b:s5+s4], $0x80, v3, vm0, $0xb8;
	[tilespmem:$0x18200] =	vst v63  }
0x48: {  	v3 =	vld [tilespmem:$0x20];
	_ =	sdelay $0x4  }
0x49: {  	v34 =	vshll.u32 v3, $0x2  }
0x4a: {  	v3 =	vand.u32 $0x7, v3;
	v4 =	vand.u32 $0xFFFFFFE0, v34  }
0x4b: {  	v3 =	vor.u32 v3, v4  }
0x4c: {  	v4 =	vperm.xlane v3, v0;
	_ =	sdelay $0x1  }
0x4d: {  	v4 =	vadd.s32 v1, v4;
	_ =	sdelay $0x1  }
0x4e: {  	v3 =	vperm.xlane v3, v2;
	_ =	sdelay $0x1  }
0x4f: {  	s10 =	simm.s32 $0x4200;
	v3 =	vadd.s32 v1, v3  }
0x50: {  	[tilespmem:s10], [sflag:$0x1] =	stream.indirect_vreg.gather [hbm4b:s1+s4], $0x80, v4, vm0, $0xb8;
	[tilespmem:$0x18200] =	vst v63  }
0x51: {  	s11 =	simm.s32 $0x4A00  }
0x52: {  	[tilespmem:s11], [sflag:$0x1] =	stream.indirect_vreg.gather [hbm4b:s5+s4], $0x80, v4, vm0, $0xb8;
	[tilespmem:$0x18200] =	vst v63  }
0x53: {  	s12 =	simm.s32 $0x5200  }
0x54: {  	[tilespmem:s12], [sflag:$0x1] =	stream.indirect_vreg.gather [hbm4b:s1+s4], $0x80, v3, vm0, $0xb8;
	[tilespmem:$0x18200] =	vst v63  }
0x55: {  	s15 =	simm.s32 $0x5A00  }
0x56: {  	[tilespmem:s15], [sflag:$0x1] =	stream.indirect_vreg.gather [hbm4b:s5+s4], $0x80, v3, vm0, $0xb8;
	[tilespmem:$0x18200] =	vst v63  }
0x57: {  	v3 =	vld [tilespmem:$0x30];
	_ =	sdelay $0x4  }
0x58: {  	v35 =	vshll.u32 v3, $0x2  }
0x59: {  	v3 =	vand.u32 $0x7, v3;
	v4 =	vand.u32 $0xFFFFFFE0, v35  }
0x5a: {  	v3 =	vor.u32 v3, v4  }
0x5b: {  	v4 =	vperm.xlane v3, v0;
	_ =	sdelay $0x1  }
0x5c: {  	v4 =	vadd.s32 v1, v4;
	_ =	sdelay $0x1  }
0x5d: {  	v3 =	vperm.xlane v3, v2;
	_ =	sdelay $0x1  }
0x5e: {  	s20 =	simm.s32 $0x6200;
	v3 =	vadd.s32 v1, v3  }
0x5f: {  	[tilespmem:s20], [sflag:$0x1] =	stream.indirect_vreg.gather [hbm4b:s1+s4], $0x80, v4, vm0, $0xb8;
	[tilespmem:$0x18200] =	vst v63  }
0x60: {  	s21 =	simm.s32 $0x6A00  }
0x61: {  	[tilespmem:s21], [sflag:$0x1] =	stream.indirect_vreg.gather [hbm4b:s5+s4], $0x80, v4, vm0, $0xb8;
	[tilespmem:$0x18200] =	vst v63  }
0x62: {  	s22 =	simm.s32 $0x7200  }
0x63: {  	[tilespmem:s22], [sflag:$0x1] =	stream.indirect_vreg.gather [hbm4b:s1+s4], $0x80, v3, vm0, $0xb8;
	[tilespmem:$0x18200] =	vst v63  }
0x64: {  	s28 =	simm.s32 $0x7A00  }
0x65: {  	[tilespmem:s28], [sflag:$0x1] =	stream.indirect_vreg.gather [hbm4b:s5+s4], $0x80, v3, vm0, $0xb8;
	[tilespmem:$0x18200] =	vst v63  }
0x66: {  	s23 =	rddreg [dreg:$0x6]  }
0x67: {  	[tilespmem:s25], [sflag:$0x5] =	stream.linear.gather [hbm4b:s23+s4], $0x40, $0x38;
	[tilespmem:$0x18200] =	vst v63  }
0x68: {  	_ =	swait.ge [sflag:s7], $0x40  }
0x69: {  	[sflag:s7] =	ssyncset.done $0x0  }
0x6a: {  	[sflag:s7] =	ssyncadd.s32 $0xFFFFFFC0  }
0x6b: {  	v3 =	vld [tilespmem:$0x80];
	_ =	sdelay $0x4  }
0x6c: {  	v36 =	vshll.u32 v3, $0x2  }
0x6d: {  	v3 =	vand.u32 $0x7, v3;
	v4 =	vand.u32 $0xFFFFFFE0, v36  }
0x6e: {  	v3 =	vor.u32 v3, v4  }
0x6f: {  	v4 =	vperm.xlane v3, v0;
	_ =	sdelay $0x1  }
0x70: {  	v4 =	vadd.s32 v1, v4;
	_ =	sdelay $0x1  }
0x71: {  	v3 =	vperm.xlane v3, v2;
	_ =	sdelay $0x1  }
0x72: {  	v3 =	vadd.s32 v1, v3  }
0x73: {  	[tilespmem:s13], [sflag:$0x2] =	stream.indirect_vreg.gather [hbm4b:s1+s4], $0x80, v4, vm0, $0xb8;
	[tilespmem:$0x18200] =	vst v63  }
0x74: {  	s29 =	simm.s32 $0x8A00  }
0x75: {  	[tilespmem:s29], [sflag:$0x2] =	stream.indirect_vreg.gather [hbm4b:s5+s4], $0x80, v4, vm0, $0xb8;
	[tilespmem:$0x18200] =	vst v63  }
0x76: {  	s30 =	simm.s32 $0x9200  }
0x77: {  	[tilespmem:s30], [sflag:$0x2] =	stream.indirect_vreg.gather [hbm4b:s1+s4], $0x80, v3, vm0, $0xb8;
	[tilespmem:$0x18200] =	vst v63  }
0x78: {  	s31 =	simm.s32 $0x9A00  }
0x79: {  	[tilespmem:s31], [sflag:$0x2] =	stream.indirect_vreg.gather [hbm4b:s5+s4], $0x80, v3, vm0, $0xb8;
	[tilespmem:$0x18200] =	vst v63  }
0x7a: {  	v3 =	vld [tilespmem:$0x90];
	_ =	sdelay $0x4  }
0x7b: {  	v37 =	vshll.u32 v3, $0x2  }
0x7c: {  	v3 =	vand.u32 $0x7, v3;
	v4 =	vand.u32 $0xFFFFFFE0, v37  }
0x7d: {  	v3 =	vor.u32 v3, v4  }
0x7e: {  	v4 =	vperm.xlane v3, v0;
	_ =	sdelay $0x1  }
0x7f: {  	v4 =	vadd.s32 v1, v4;
	_ =	sdelay $0x1  }
0x80: {  	v3 =	vperm.xlane v3, v2;
	_ =	sdelay $0x1  }
0x81: {  	s0 =	simm.s32 $0xA200;
	v3 =	vadd.s32 v1, v3  }
0x82: {  	[tilespmem:s0], [sflag:$0x2] =	stream.indirect_vreg.gather [hbm4b:s1+s4], $0x80, v4, vm0, $0xb8;
	[tilespmem:$0x18200] =	vst v63  }
0x83: {  	s10 =	simm.s32 $0xAA00  }
0x84: {  	[tilespmem:s10], [sflag:$0x2] =	stream.indirect_vreg.gather [hbm4b:s5+s4], $0x80, v4, vm0, $0xb8;
	[tilespmem:$0x18200] =	vst v63  }
0x85: {  	s11 =	simm.s32 $0xB200  }
0x86: {  	[tilespmem:s11], [sflag:$0x2] =	stream.indirect_vreg.gather [hbm4b:s1+s4], $0x80, v3, vm0, $0xb8;
	[tilespmem:$0x18200] =	vst v63  }
0x87: {  	s12 =	simm.s32 $0xBA00  }
0x88: {  	[tilespmem:s12], [sflag:$0x2] =	stream.indirect_vreg.gather [hbm4b:s5+s4], $0x80, v3, vm0, $0xb8;
	[tilespmem:$0x18200] =	vst v63  }
0x89: {  	v3 =	vld [tilespmem:$0xA0];
	_ =	sdelay $0x4  }
0x8a: {  	v38 =	vshll.u32 v3, $0x2  }
0x8b: {  	v3 =	vand.u32 $0x7, v3;
	v4 =	vand.u32 $0xFFFFFFE0, v38  }
0x8c: {  	v3 =	vor.u32 v3, v4  }
0x8d: {  	v4 =	vperm.xlane v3, v0;
	_ =	sdelay $0x1  }
0x8e: {  	v4 =	vadd.s32 v1, v4;
	_ =	sdelay $0x1  }
0x8f: {  	v3 =	vperm.xlane v3, v2;
	_ =	sdelay $0x1  }
0x90: {  	s21 =	simm.s32 $0xC200;
	v3 =	vadd.s32 v1, v3  }
0x91: {  	[tilespmem:s21], [sflag:$0x2] =	stream.indirect_vreg.gather [hbm4b:s1+s4], $0x80, v4, vm0, $0xb8;
	[tilespmem:$0x18200] =	vst v63  }
0x92: {  	s23 =	simm.s32 $0xCA00  }
0x93: {  	[tilespmem:s23], [sflag:$0x2] =	stream.indirect_vreg.gather [hbm4b:s5+s4], $0x80, v4, vm0, $0xb8;
	[tilespmem:$0x18200] =	vst v63  }
0x94: {  	s28 =	simm.s32 $0xD200  }
0x95: {  	[tilespmem:s28], [sflag:$0x2] =	stream.indirect_vreg.gather [hbm4b:s1+s4], $0x80, v3, vm0, $0xb8;
	[tilespmem:$0x18200] =	vst v63  }
0x96: {  	s30 =	simm.s32 $0xDA00  }
0x97: {  	[tilespmem:s30], [sflag:$0x2] =	stream.indirect_vreg.gather [hbm4b:s5+s4], $0x80, v3, vm0, $0xb8;
	[tilespmem:$0x18200] =	vst v63  }
0x98: {  	v3 =	vld [tilespmem:$0xB0];
	_ =	sdelay $0x4  }
0x99: {  	v39 =	vshll.u32 v3, $0x2  }
0x9a: {  	v3 =	vand.u32 $0x7, v3;
	v4 =	vand.u32 $0xFFFFFFE0, v39  }
0x9b: {  	v3 =	vor.u32 v3, v4  }
0x9c: {  	v4 =	vperm.xlane v3, v0;
	_ =	sdelay $0x1  }
0x9d: {  	v4 =	vadd.s32 v1, v4;
	_ =	sdelay $0x1  }
0x9e: {  	v3 =	vperm.xlane v3, v2;
	_ =	sdelay $0x1  }
0x9f: {  	s31 =	simm.s32 $0xE200;
	v3 =	vadd.s32 v1, v3  }
0xa0: {  	[tilespmem:s31], [sflag:$0x2] =	stream.indirect_vreg.gather [hbm4b:s1+s4], $0x80, v4, vm0, $0xb8;
	[tilespmem:$0x18200] =	vst v63  }
0xa1: {  	s0 =	simm.s32 $0xEA00  }
0xa2: {  	[tilespmem:s0], [sflag:$0x2] =	stream.indirect_vreg.gather [hbm4b:s5+s4], $0x80, v4, vm0, $0xb8;
	[tilespmem:$0x18200] =	vst v63  }
0xa3: {  	s10 =	simm.s32 $0xF200  }
0xa4: {  	[tilespmem:s10], [sflag:$0x2] =	stream.indirect_vreg.gather [hbm4b:s1+s4], $0x80, v3, vm0, $0xb8;
	[tilespmem:$0x18200] =	vst v63  }
0xa5: {  	s11 =	simm.s32 $0xFA00  }
0xa6: {  	[tilespmem:s11], [sflag:$0x2] =	stream.indirect_vreg.gather [hbm4b:s5+s4], $0x80, v3, vm0, $0xb8;
	[tilespmem:$0x18200] =	vst v63  }
0xa7: {  	_ =	swait.ge [sflag:s16], $0x8000  }
0xa8: {  	[sflag:s16] =	ssyncset.done $0x0  }
0xa9: {  	s12 =	rddreg [dreg:$0x7];
	[sflag:s16] =	ssyncadd.s32 $0xFFFF8000  }
0xaa: {  	[hbm4b:s12+s4] =	stream.linear.scatter [tilespmem:s24], [sflag:$0x3], $0x8000, $0x38;
	[tilespmem:$0x18200] =	vst v63  }
0xab: {  	s28 =	rddreg [dreg:$0x8]  }
0xac: {  	[tilespmem:s4], [sflag:$0x5] =	stream.linear.gather [hbm4b:s28+s4], $0x40, $0x38;
	[tilespmem:$0x18200] =	vst v63  }
0xad: {  	_ =	swait.ge [sflag:s7], $0x40  }
0xae: {  	[sflag:s7] =	ssyncset.done $0x0  }
0xaf: {  	[sflag:s7] =	ssyncadd.s32 $0xFFFFFFC0  }
0xb0: {  	_ =	swait.ge [sflag:s17], $0x8000  }
0xb1: {  	[sflag:s17] =	ssyncset.done $0x0  }
0xb2: {  	[sflag:s17] =	ssyncadd.s32 $0xFFFF8000  }
0xb3: {  	v3 =	vld [tilespmem:$0x0];
	_ =	sdelay $0x4  }
0xb4: {  	v40 =	vshll.u32 v3, $0x2  }
0xb5: {  	v3 =	vand.u32 $0x7, v3;
	v4 =	vand.u32 $0xFFFFFFE0, v40  }
0xb6: {  	v3 =	vor.u32 v3, v4  }
0xb7: {  	v4 =	vperm.xlane v3, v0;
	_ =	sdelay $0x1  }
0xb8: {  	v4 =	vadd.s32 v1, v4;
	_ =	sdelay $0x1  }
0xb9: {  	v3 =	vperm.xlane v3, v2;
	_ =	sdelay $0x1  }
0xba: {  	v3 =	vadd.s32 v1, v3  }
0xbb: {  	[tilespmem:s24], [sflag:$0x1] =	stream.indirect_vreg.gather [hbm4b:s1+s4], $0x80, v4, vm0, $0xb8;
	[tilespmem:$0x18200] =	vst v63  }
0xbc: {  	s2 =	simm.s32 $0xA00  }
0xbd: {  	[tilespmem:s2], [sflag:$0x1] =	stream.indirect_vreg.gather [hbm4b:s5+s4], $0x80, v4, vm0, $0xb8;
	[tilespmem:$0x18200] =	vst v63  }
0xbe: {  	s14 =	simm.s32 $0x1200  }
0xbf: {  	[tilespmem:s14], [sflag:$0x1] =	stream.indirect_vreg.gather [hbm4b:s1+s4], $0x80, v3, vm0, $0xb8;
	[tilespmem:$0x18200] =	vst v63  }
0xc0: {  	s3 =	simm.s32 $0x1A00  }
0xc1: {  	[tilespmem:s3], [sflag:$0x1] =	stream.indirect_vreg.gather [hbm4b:s5+s4], $0x80, v3, vm0, $0xb8;
	[tilespmem:$0x18200] =	vst v63  }
0xc2: {  	v3 =	vld [tilespmem:$0x10];
	_ =	sdelay $0x4  }
0xc3: {  	v41 =	vshll.u32 v3, $0x2  }
0xc4: {  	v3 =	vand.u32 $0x7, v3;
	v4 =	vand.u32 $0xFFFFFFE0, v41  }
0xc5: {  	v3 =	vor.u32 v3, v4  }
0xc6: {  	v4 =	vperm.xlane v3, v0;
	_ =	sdelay $0x1  }
0xc7: {  	v4 =	vadd.s32 v1, v4;
	_ =	sdelay $0x1  }
0xc8: {  	v3 =	vperm.xlane v3, v2;
	_ =	sdelay $0x1  }
0xc9: {  	s31 =	simm.s32 $0x2200;
	v3 =	vadd.s32 v1, v3  }
0xca: {  	[tilespmem:s31], [sflag:$0x1] =	stream.indirect_vreg.gather [hbm4b:s1+s4], $0x80, v4, vm0, $0xb8;
	[tilespmem:$0x18200] =	vst v63  }
0xcb: {  	s21 =	simm.s32 $0x2A00  }
0xcc: {  	[tilespmem:s21], [sflag:$0x1] =	stream.indirect_vreg.gather [hbm4b:s5+s4], $0x80, v4, vm0, $0xb8;
	[tilespmem:$0x18200] =	vst v63  }
0xcd: {  	s0 =	simm.s32 $0x3200  }
0xce: {  	[tilespmem:s0], [sflag:$0x1] =	stream.indirect_vreg.gather [hbm4b:s1+s4], $0x80, v3, vm0, $0xb8;
	[tilespmem:$0x18200] =	vst v63  }
0xcf: {  	s8 =	simm.s32 $0x3A00  }
0xd0: {  	[tilespmem:s8], [sflag:$0x1] =	stream.indirect_vreg.gather [hbm4b:s5+s4], $0x80, v3, vm0, $0xb8;
	[tilespmem:$0x18200] =	vst v63  }
0xd1: {  	v3 =	vld [tilespmem:$0x20];
	_ =	sdelay $0x4  }
0xd2: {  	v42 =	vshll.u32 v3, $0x2  }
0xd3: {  	v3 =	vand.u32 $0x7, v3;
	v4 =	vand.u32 $0xFFFFFFE0, v42  }
0xd4: {  	v3 =	vor.u32 v3, v4  }
0xd5: {  	v4 =	vperm.xlane v3, v0;
	_ =	sdelay $0x1  }
0xd6: {  	v4 =	vadd.s32 v1, v4;
	_ =	sdelay $0x1  }
0xd7: {  	v3 =	vperm.xlane v3, v2;
	_ =	sdelay $0x1  }
0xd8: {  	s2 =	simm.s32 $0x4200;
	v3 =	vadd.s32 v1, v3  }
0xd9: {  	[tilespmem:s2], [sflag:$0x1] =	stream.indirect_vreg.gather [hbm4b:s1+s4], $0x80, v4, vm0, $0xb8;
	[tilespmem:$0x18200] =	vst v63  }
0xda: {  	s3 =	simm.s32 $0x4A00  }
0xdb: {  	[tilespmem:s3], [sflag:$0x1] =	stream.indirect_vreg.gather [hbm4b:s5+s4], $0x80, v4, vm0, $0xb8;
	[tilespmem:$0x18200] =	vst v63  }
0xdc: {  	s8 =	simm.s32 $0x5200  }
0xdd: {  	[tilespmem:s8], [sflag:$0x1] =	stream.indirect_vreg.gather [hbm4b:s1+s4], $0x80, v3, vm0, $0xb8;
	[tilespmem:$0x18200] =	vst v63  }
0xde: {  	s9 =	simm.s32 $0x5A00  }
0xdf: {  	[tilespmem:s9], [sflag:$0x1] =	stream.indirect_vreg.gather [hbm4b:s5+s4], $0x80, v3, vm0, $0xb8;
	[tilespmem:$0x18200] =	vst v63  }
0xe0: {  	v3 =	vld [tilespmem:$0x30];
	_ =	sdelay $0x4  }
0xe1: {  	v43 =	vshll.u32 v3, $0x2  }
0xe2: {  	v3 =	vand.u32 $0x7, v3;
	v4 =	vand.u32 $0xFFFFFFE0, v43  }
0xe3: {  	v3 =	vor.u32 v3, v4  }
0xe4: {  	v4 =	vperm.xlane v3, v0;
	_ =	sdelay $0x1  }
0xe5: {  	v4 =	vadd.s32 v1, v4;
	_ =	sdelay $0x1  }
0xe6: {  	v3 =	vperm.xlane v3, v2;
	_ =	sdelay $0x1  }
0xe7: {  	s9 =	simm.s32 $0x6200;
	v3 =	vadd.s32 v1, v3  }
0xe8: {  	[tilespmem:s9], [sflag:$0x1] =	stream.indirect_vreg.gather [hbm4b:s1+s4], $0x80, v4, vm0, $0xb8;
	[tilespmem:$0x18200] =	vst v63  }
0xe9: {  	s10 =	simm.s32 $0x6A00  }
0xea: {  	[tilespmem:s10], [sflag:$0x1] =	stream.indirect_vreg.gather [hbm4b:s5+s4], $0x80, v4, vm0, $0xb8;
	[tilespmem:$0x18200] =	vst v63  }
0xeb: {  	s11 =	simm.s32 $0x7200  }
0xec: {  	[tilespmem:s11], [sflag:$0x1] =	stream.indirect_vreg.gather [hbm4b:s1+s4], $0x80, v3, vm0, $0xb8;
	[tilespmem:$0x18200] =	vst v63  }
0xed: {  	s12 =	simm.s32 $0x7A00  }
0xee: {  	[tilespmem:s12], [sflag:$0x1] =	stream.indirect_vreg.gather [hbm4b:s5+s4], $0x80, v3, vm0, $0xb8;
	[tilespmem:$0x18200] =	vst v63  }
0xef: {  	_ =	swait.ge [sflag:s18], $0x8000  }
0xf0: {  	[sflag:s18] =	ssyncset.done $0x0  }
0xf1: {  	s26 =	rddreg [dreg:$0x9];
	[sflag:s18] =	ssyncadd.s32 $0xFFFF8000  }
0xf2: {  	[hbm4b:s26+s4] =	stream.linear.scatter [tilespmem:s13], [sflag:$0x4], $0x8000, $0x38;
	[tilespmem:$0x18200] =	vst v63  }
0xf3: {  	s14 =	rddreg [dreg:$0xa]  }
0xf4: {  	[tilespmem:s25], [sflag:$0x5] =	stream.linear.gather [hbm4b:s14+s4], $0x40, $0x38;
	[tilespmem:$0x18200] =	vst v63  }
0xf5: {  	_ =	swait.ge [sflag:s7], $0x40  }
0xf6: {  	[sflag:s7] =	ssyncset.done $0x0  }
0xf7: {  	[sflag:s7] =	ssyncadd.s32 $0xFFFFFFC0  }
0xf8: {  	_ =	swait.ge [sflag:s19], $0x8000  }
0xf9: {  	[sflag:s19] =	ssyncset.done $0x0  }
0xfa: {  	[sflag:s19] =	ssyncadd.s32 $0xFFFF8000  }
0xfb: {  	v3 =	vld [tilespmem:$0x80];
	_ =	sdelay $0x4  }
0xfc: {  	v44 =	vshll.u32 v3, $0x2  }
0xfd: {  	v3 =	vand.u32 $0x7, v3;
	v4 =	vand.u32 $0xFFFFFFE0, v44  }
0xfe: {  	v3 =	vor.u32 v3, v4  }
0xff: {  	v4 =	vperm.xlane v3, v0;
	_ =	sdelay $0x1  }
0x100: {  	v4 =	vadd.s32 v1, v4;
	_ =	sdelay $0x1  }
0x101: {  	v3 =	vperm.xlane v3, v2;
	_ =	sdelay $0x1  }
0x102: {  	v3 =	vadd.s32 v1, v3  }
0x103: {  	[tilespmem:s13], [sflag:$0x2] =	stream.indirect_vreg.gather [hbm4b:s1+s4], $0x80, v4, vm0, $0xb8;
	[tilespmem:$0x18200] =	vst v63  }
0x104: {  	s14 =	simm.s32 $0x8A00  }
0x105: {  	[tilespmem:s14], [sflag:$0x2] =	stream.indirect_vreg.gather [hbm4b:s5+s4], $0x80, v4, vm0, $0xb8;
	[tilespmem:$0x18200] =	vst v63  }
0x106: {  	s15 =	simm.s32 $0x9200  }
0x107: {  	[tilespmem:s15], [sflag:$0x2] =	stream.indirect_vreg.gather [hbm4b:s1+s4], $0x80, v3, vm0, $0xb8;
	[tilespmem:$0x18200] =	vst v63  }
0x108: {  	s20 =	simm.s32 $0x9A00  }
0x109: {  	[tilespmem:s20], [sflag:$0x2] =	stream.indirect_vreg.gather [hbm4b:s5+s4], $0x80, v3, vm0, $0xb8;
	[tilespmem:$0x18200] =	vst v63  }
0x10a: {  	v3 =	vld [tilespmem:$0x90];
	_ =	sdelay $0x4  }
0x10b: {  	v45 =	vshll.u32 v3, $0x2  }
0x10c: {  	v3 =	vand.u32 $0x7, v3;
	v4 =	vand.u32 $0xFFFFFFE0, v45  }
0x10d: {  	v3 =	vor.u32 v3, v4  }
0x10e: {  	v4 =	vperm.xlane v3, v0;
	_ =	sdelay $0x1  }
0x10f: {  	v4 =	vadd.s32 v1, v4;
	_ =	sdelay $0x1  }
0x110: {  	v3 =	vperm.xlane v3, v2;
	_ =	sdelay $0x1  }
0x111: {  	s20 =	simm.s32 $0xA200;
	v3 =	vadd.s32 v1, v3  }
0x112: {  	[tilespmem:s20], [sflag:$0x2] =	stream.indirect_vreg.gather [hbm4b:s1+s4], $0x80, v4, vm0, $0xb8;
	[tilespmem:$0x18200] =	vst v63  }
0x113: {  	s29 =	simm.s32 $0xAA00  }
0x114: {  	[tilespmem:s29], [sflag:$0x2] =	stream.indirect_vreg.gather [hbm4b:s5+s4], $0x80, v4, vm0, $0xb8;
	[tilespmem:$0x18200] =	vst v63  }
0x115: {  	s26 =	simm.s32 $0xB200  }
0x116: {  	[tilespmem:s26], [sflag:$0x2] =	stream.indirect_vreg.gather [hbm4b:s1+s4], $0x80, v3, vm0, $0xb8;
	[tilespmem:$0x18200] =	vst v63  }
0x117: {  	s22 =	simm.s32 $0xBA00  }
0x118: {  	[tilespmem:s22], [sflag:$0x2] =	stream.indirect_vreg.gather [hbm4b:s5+s4], $0x80, v3, vm0, $0xb8;
	[tilespmem:$0x18200] =	vst v63  }
0x119: {  	v3 =	vld [tilespmem:$0xA0];
	_ =	sdelay $0x4  }
0x11a: {  	v46 =	vshll.u32 v3, $0x2  }
0x11b: {  	v3 =	vand.u32 $0x7, v3;
	v4 =	vand.u32 $0xFFFFFFE0, v46  }
0x11c: {  	v3 =	vor.u32 v3, v4  }
0x11d: {  	v4 =	vperm.xlane v3, v0;
	_ =	sdelay $0x1  }
0x11e: {  	v4 =	vadd.s32 v1, v4;
	_ =	sdelay $0x1  }
0x11f: {  	v3 =	vperm.xlane v3, v2;
	_ =	sdelay $0x1  }
0x120: {  	s28 =	simm.s32 $0xC200;
	v3 =	vadd.s32 v1, v3  }
0x121: {  	[tilespmem:s28], [sflag:$0x2] =	stream.indirect_vreg.gather [hbm4b:s1+s4], $0x80, v4, vm0, $0xb8;
	[tilespmem:$0x18200] =	vst v63  }
0x122: {  	s29 =	simm.s32 $0xCA00  }
0x123: {  	[tilespmem:s29], [sflag:$0x2] =	stream.indirect_vreg.gather [hbm4b:s5+s4], $0x80, v4, vm0, $0xb8;
	[tilespmem:$0x18200] =	vst v63  }
0x124: {  	s28 =	simm.s32 $0xD200  }
0x125: {  	[tilespmem:s28], [sflag:$0x2] =	stream.indirect_vreg.gather [hbm4b:s1+s4], $0x80, v3, vm0, $0xb8;
	[tilespmem:$0x18200] =	vst v63  }
0x126: {  	s23 =	simm.s32 $0xDA00  }
0x127: {  	[tilespmem:s23], [sflag:$0x2] =	stream.indirect_vreg.gather [hbm4b:s5+s4], $0x80, v3, vm0, $0xb8;
	[tilespmem:$0x18200] =	vst v63  }
0x128: {  	v3 =	vld [tilespmem:$0xB0];
	_ =	sdelay $0x4  }
0x129: {  	v47 =	vshll.u32 v3, $0x2  }
0x12a: {  	v3 =	vand.u32 $0x7, v3;
	v4 =	vand.u32 $0xFFFFFFE0, v47  }
0x12b: {  	v3 =	vor.u32 v3, v4  }
0x12c: {  	v4 =	vperm.xlane v3, v0;
	_ =	sdelay $0x1  }
0x12d: {  	v4 =	vadd.s32 v1, v4;
	_ =	sdelay $0x1  }
0x12e: {  	v3 =	vperm.xlane v3, v2;
	_ =	sdelay $0x1  }
0x12f: {  	s28 =	simm.s32 $0xE200;
	v3 =	vadd.s32 v1, v3  }
0x130: {  	[tilespmem:s28], [sflag:$0x2] =	stream.indirect_vreg.gather [hbm4b:s1+s4], $0x80, v4, vm0, $0xb8;
	[tilespmem:$0x18200] =	vst v63  }
0x131: {  	s26 =	simm.s32 $0xEA00  }
0x132: {  	[tilespmem:s26], [sflag:$0x2] =	stream.indirect_vreg.gather [hbm4b:s5+s4], $0x80, v4, vm0, $0xb8;
	[tilespmem:$0x18200] =	vst v63  }
0x133: {  	s28 =	simm.s32 $0xF200  }
0x134: {  	[tilespmem:s28], [sflag:$0x2] =	stream.indirect_vreg.gather [hbm4b:s1+s4], $0x80, v3, vm0, $0xb8;
	[tilespmem:$0x18200] =	vst v63  }
0x135: {  	s30 =	simm.s32 $0xFA00  }
0x136: {  	[tilespmem:s30], [sflag:$0x2] =	stream.indirect_vreg.gather [hbm4b:s5+s4], $0x80, v3, vm0, $0xb8;
	[tilespmem:$0x18200] =	vst v63  }
0x137: {  	_ =	swait.ge [sflag:s16], $0x8000  }
0x138: {  	[sflag:s16] =	ssyncset.done $0x0  }
0x139: {  	s30 =	rddreg [dreg:$0xb];
	[sflag:s16] =	ssyncadd.s32 $0xFFFF8000  }
0x13a: {  	[hbm4b:s30+s4] =	stream.linear.scatter [tilespmem:s24], [sflag:$0x3], $0x8000, $0x38;
	[tilespmem:$0x18200] =	vst v63  }
0x13b: {  	s23 =	rddreg [dreg:$0xc]  }
0x13c: {  	[tilespmem:s4], [sflag:$0x5] =	stream.linear.gather [hbm4b:s23+s4], $0x40, $0x38;
	[tilespmem:$0x18200] =	vst v63  }
0x13d: {  	_ =	swait.ge [sflag:s7], $0x40  }
0x13e: {  	[sflag:s7] =	ssyncset.done $0x0  }
0x13f: {  	[sflag:s7] =	ssyncadd.s32 $0xFFFFFFC0  }
0x140: {  	_ =	swait.ge [sflag:s17], $0x8000  }
0x141: {  	[sflag:s17] =	ssyncset.done $0x0  }
0x142: {  	[sflag:s17] =	ssyncadd.s32 $0xFFFF8000  }
0x143: {  	v3 =	vld [tilespmem:$0x0];
	_ =	sdelay $0x4  }
0x144: {  	v48 =	vshll.u32 v3, $0x2  }
0x145: {  	v3 =	vand.u32 $0x7, v3;
	v4 =	vand.u32 $0xFFFFFFE0, v48  }
0x146: {  	v3 =	vor.u32 v3, v4  }
0x147: {  	v4 =	vperm.xlane v3, v0;
	_ =	sdelay $0x1  }
0x148: {  	v4 =	vadd.s32 v1, v4;
	_ =	sdelay $0x1  }
0x149: {  	v3 =	vperm.xlane v3, v2;
	_ =	sdelay $0x1  }
0x14a: {  	v3 =	vadd.s32 v1, v3  }
0x14b: {  	[tilespmem:s24], [sflag:$0x1] =	stream.indirect_vreg.gather [hbm4b:s1+s4], $0x80, v4, vm0, $0xb8;
	[tilespmem:$0x18200] =	vst v63  }
0x14c: {  	s28 =	simm.s32 $0xA00  }
0x14d: {  	[tilespmem:s28], [sflag:$0x1] =	stream.indirect_vreg.gather [hbm4b:s5+s4], $0x80, v4, vm0, $0xb8;
	[tilespmem:$0x18200] =	vst v63  }
0x14e: {  	s30 =	simm.s32 $0x1200  }
0x14f: {  	[tilespmem:s30], [sflag:$0x1] =	stream.indirect_vreg.gather [hbm4b:s1+s4], $0x80, v3, vm0, $0xb8;
	[tilespmem:$0x18200] =	vst v63  }
0x150: {  	s26 =	simm.s32 $0x1A00  }
0x151: {  	[tilespmem:s26], [sflag:$0x1] =	stream.indirect_vreg.gather [hbm4b:s5+s4], $0x80, v3, vm0, $0xb8;
	[tilespmem:$0x18200] =	vst v63  }
0x152: {  	v3 =	vld [tilespmem:$0x10];
	_ =	sdelay $0x4  }
0x153: {  	v49 =	vshll.u32 v3, $0x2  }
0x154: {  	v3 =	vand.u32 $0x7, v3;
	v4 =	vand.u32 $0xFFFFFFE0, v49  }
0x155: {  	v3 =	vor.u32 v3, v4  }
0x156: {  	v4 =	vperm.xlane v3, v0;
	_ =	sdelay $0x1  }
0x157: {  	v4 =	vadd.s32 v1, v4;
	_ =	sdelay $0x1  }
0x158: {  	v3 =	vperm.xlane v3, v2;
	_ =	sdelay $0x1  }
0x159: {  	v3 =	vadd.s32 v1, v3  }
0x15a: {  	[tilespmem:s31], [sflag:$0x1] =	stream.indirect_vreg.gather [hbm4b:s1+s4], $0x80, v4, vm0, $0xb8;
	[tilespmem:$0x18200] =	vst v63  }
0x15b: {  	_ = 	snop  }
0x15c: {  	[tilespmem:s21], [sflag:$0x1] =	stream.indirect_vreg.gather [hbm4b:s5+s4], $0x80, v4, vm0, $0xb8;
	[tilespmem:$0x18200] =	vst v63  }
0x15d: {  	_ = 	snop  }
0x15e: {  	[tilespmem:s0], [sflag:$0x1] =	stream.indirect_vreg.gather [hbm4b:s1+s4], $0x80, v3, vm0, $0xb8;
	[tilespmem:$0x18200] =	vst v63  }
0x15f: {  	s28 =	simm.s32 $0x3A00  }
0x160: {  	[tilespmem:s28], [sflag:$0x1] =	stream.indirect_vreg.gather [hbm4b:s5+s4], $0x80, v3, vm0, $0xb8;
	[tilespmem:$0x18200] =	vst v63  }
0x161: {  	v3 =	vld [tilespmem:$0x20];
	_ =	sdelay $0x4  }
0x162: {  	v50 =	vshll.u32 v3, $0x2  }
0x163: {  	v3 =	vand.u32 $0x7, v3;
	v4 =	vand.u32 $0xFFFFFFE0, v50  }
0x164: {  	v3 =	vor.u32 v3, v4  }
0x165: {  	v4 =	vperm.xlane v3, v0;
	_ =	sdelay $0x1  }
0x166: {  	v4 =	vadd.s32 v1, v4;
	_ =	sdelay $0x1  }
0x167: {  	v3 =	vperm.xlane v3, v2;
	_ =	sdelay $0x1  }
0x168: {  	v3 =	vadd.s32 v1, v3  }
0x169: {  	[tilespmem:s2], [sflag:$0x1] =	stream.indirect_vreg.gather [hbm4b:s1+s4], $0x80, v4, vm0, $0xb8;
	[tilespmem:$0x18200] =	vst v63  }
0x16a: {  	_ = 	snop  }
0x16b: {  	[tilespmem:s3], [sflag:$0x1] =	stream.indirect_vreg.gather [hbm4b:s5+s4], $0x80, v4, vm0, $0xb8;
	[tilespmem:$0x18200] =	vst v63  }
0x16c: {  	_ = 	snop  }
0x16d: {  	[tilespmem:s8], [sflag:$0x1] =	stream.indirect_vreg.gather [hbm4b:s1+s4], $0x80, v3, vm0, $0xb8;
	[tilespmem:$0x18200] =	vst v63  }
0x16e: {  	s31 =	simm.s32 $0x5A00  }
0x16f: {  	[tilespmem:s31], [sflag:$0x1] =	stream.indirect_vreg.gather [hbm4b:s5+s4], $0x80, v3, vm0, $0xb8;
	[tilespmem:$0x18200] =	vst v63  }
0x170: {  	v3 =	vld [tilespmem:$0x30];
	_ =	sdelay $0x4  }
0x171: {  	v51 =	vshll.u32 v3, $0x2  }
0x172: {  	v3 =	vand.u32 $0x7, v3;
	v4 =	vand.u32 $0xFFFFFFE0, v51  }
0x173: {  	v3 =	vor.u32 v3, v4  }
0x174: {  	v4 =	vperm.xlane v3, v0;
	_ =	sdelay $0x1  }
0x175: {  	v4 =	vadd.s32 v1, v4;
	_ =	sdelay $0x1  }
0x176: {  	v3 =	vperm.xlane v3, v2;
	_ =	sdelay $0x1  }
0x177: {  	v3 =	vadd.s32 v1, v3  }
0x178: {  	[tilespmem:s9], [sflag:$0x1] =	stream.indirect_vreg.gather [hbm4b:s1+s4], $0x80, v4, vm0, $0xb8;
	[tilespmem:$0x18200] =	vst v63  }
0x179: {  	_ = 	snop  }
0x17a: {  	[tilespmem:s10], [sflag:$0x1] =	stream.indirect_vreg.gather [hbm4b:s5+s4], $0x80, v4, vm0, $0xb8;
	[tilespmem:$0x18200] =	vst v63  }
0x17b: {  	_ = 	snop  }
0x17c: {  	[tilespmem:s11], [sflag:$0x1] =	stream.indirect_vreg.gather [hbm4b:s1+s4], $0x80, v3, vm0, $0xb8;
	[tilespmem:$0x18200] =	vst v63  }
0x17d: {  	_ = 	snop  }
0x17e: {  	[tilespmem:s12], [sflag:$0x1] =	stream.indirect_vreg.gather [hbm4b:s5+s4], $0x80, v3, vm0, $0xb8;
	[tilespmem:$0x18200] =	vst v63  }
0x17f: {  	_ =	swait.ge [sflag:s18], $0x8000  }
0x180: {  	[sflag:s18] =	ssyncset.done $0x0  }
0x181: {  	s12 =	rddreg [dreg:$0xd];
	[sflag:s18] =	ssyncadd.s32 $0xFFFF8000  }
0x182: {  	[hbm4b:s12+s4] =	stream.linear.scatter [tilespmem:s13], [sflag:$0x4], $0x8000, $0x38;
	[tilespmem:$0x18200] =	vst v63  }
0x183: {  	s23 =	rddreg [dreg:$0xe]  }
0x184: {  	[tilespmem:s25], [sflag:$0x5] =	stream.linear.gather [hbm4b:s23+s4], $0x40, $0x38;
	[tilespmem:$0x18200] =	vst v63  }
0x185: {  	_ =	swait.ge [sflag:s7], $0x40  }
0x186: {  	[sflag:s7] =	ssyncset.done $0x0  }
0x187: {  	[sflag:s7] =	ssyncadd.s32 $0xFFFFFFC0  }
0x188: {  	_ =	swait.ge [sflag:s19], $0x8000  }
0x189: {  	[sflag:s19] =	ssyncset.done $0x0  }
0x18a: {  	[sflag:s19] =	ssyncadd.s32 $0xFFFF8000  }
0x18b: {  	v3 =	vld [tilespmem:$0x80];
	_ =	sdelay $0x4  }
0x18c: {  	v52 =	vshll.u32 v3, $0x2  }
0x18d: {  	v3 =	vand.u32 $0x7, v3;
	v4 =	vand.u32 $0xFFFFFFE0, v52  }
0x18e: {  	v3 =	vor.u32 v3, v4  }
0x18f: {  	v4 =	vperm.xlane v3, v0;
	_ =	sdelay $0x1  }
0x190: {  	v4 =	vadd.s32 v1, v4;
	_ =	sdelay $0x1  }
0x191: {  	v3 =	vperm.xlane v3, v2;
	_ =	sdelay $0x1  }
0x192: {  	v3 =	vadd.s32 v1, v3  }
0x193: {  	[tilespmem:s13], [sflag:$0x2] =	stream.indirect_vreg.gather [hbm4b:s1+s4], $0x80, v4, vm0, $0xb8;
	[tilespmem:$0x18200] =	vst v63  }
0x194: {  	_ = 	snop  }
0x195: {  	[tilespmem:s14], [sflag:$0x2] =	stream.indirect_vreg.gather [hbm4b:s5+s4], $0x80, v4, vm0, $0xb8;
	[tilespmem:$0x18200] =	vst v63  }
0x196: {  	s28 =	simm.s32 $0x9200  }
0x197: {  	[tilespmem:s28], [sflag:$0x2] =	stream.indirect_vreg.gather [hbm4b:s1+s4], $0x80, v3, vm0, $0xb8;
	[tilespmem:$0x18200] =	vst v63  }
0x198: {  	s23 =	simm.s32 $0x9A00  }
0x199: {  	[tilespmem:s23], [sflag:$0x2] =	stream.indirect_vreg.gather [hbm4b:s5+s4], $0x80, v3, vm0, $0xb8;
	[tilespmem:$0x18200] =	vst v63  }
0x19a: {  	v3 =	vld [tilespmem:$0x90];
	_ =	sdelay $0x4  }
0x19b: {  	v53 =	vshll.u32 v3, $0x2  }
0x19c: {  	v3 =	vand.u32 $0x7, v3;
	v4 =	vand.u32 $0xFFFFFFE0, v53  }
0x19d: {  	v3 =	vor.u32 v3, v4  }
0x19e: {  	v4 =	vperm.xlane v3, v0;
	_ =	sdelay $0x1  }
0x19f: {  	v4 =	vadd.s32 v1, v4;
	_ =	sdelay $0x1  }
0x1a0: {  	v3 =	vperm.xlane v3, v2;
	_ =	sdelay $0x1  }
0x1a1: {  	s15 =	simm.s32 $0xA200;
	v3 =	vadd.s32 v1, v3  }
0x1a2: {  	[tilespmem:s15], [sflag:$0x2] =	stream.indirect_vreg.gather [hbm4b:s1+s4], $0x80, v4, vm0, $0xb8;
	[tilespmem:$0x18200] =	vst v63  }
0x1a3: {  	s26 =	simm.s32 $0xAA00  }
0x1a4: {  	[tilespmem:s26], [sflag:$0x2] =	stream.indirect_vreg.gather [hbm4b:s5+s4], $0x80, v4, vm0, $0xb8;
	[tilespmem:$0x18200] =	vst v63  }
0x1a5: {  	s20 =	simm.s32 $0xB200  }
0x1a6: {  	[tilespmem:s20], [sflag:$0x2] =	stream.indirect_vreg.gather [hbm4b:s1+s4], $0x80, v3, vm0, $0xb8;
	[tilespmem:$0x18200] =	vst v63  }
0x1a7: {  	s28 =	simm.s32 $0xBA00  }
0x1a8: {  	[tilespmem:s28], [sflag:$0x2] =	stream.indirect_vreg.gather [hbm4b:s5+s4], $0x80, v3, vm0, $0xb8;
	[tilespmem:$0x18200] =	vst v63  }
0x1a9: {  	v3 =	vld [tilespmem:$0xA0];
	_ =	sdelay $0x4  }
0x1aa: {  	v54 =	vshll.u32 v3, $0x2  }
0x1ab: {  	v3 =	vand.u32 $0x7, v3;
	v4 =	vand.u32 $0xFFFFFFE0, v54  }
0x1ac: {  	v3 =	vor.u32 v3, v4  }
0x1ad: {  	v4 =	vperm.xlane v3, v0;
	_ =	sdelay $0x1  }
0x1ae: {  	v4 =	vadd.s32 v1, v4;
	_ =	sdelay $0x1  }
0x1af: {  	v3 =	vperm.xlane v3, v2;
	_ =	sdelay $0x1  }
0x1b0: {  	s22 =	simm.s32 $0xC200;
	v3 =	vadd.s32 v1, v3  }
0x1b1: {  	[tilespmem:s22], [sflag:$0x2] =	stream.indirect_vreg.gather [hbm4b:s1+s4], $0x80, v4, vm0, $0xb8;
	[tilespmem:$0x18200] =	vst v63  }
0x1b2: {  	s29 =	simm.s32 $0xCA00  }
0x1b3: {  	[tilespmem:s29], [sflag:$0x2] =	stream.indirect_vreg.gather [hbm4b:s5+s4], $0x80, v4, vm0, $0xb8;
	[tilespmem:$0x18200] =	vst v63  }
0x1b4: {  	s29 =	simm.s32 $0xD200  }
0x1b5: {  	[tilespmem:s29], [sflag:$0x2] =	stream.indirect_vreg.gather [hbm4b:s1+s4], $0x80, v3, vm0, $0xb8;
	[tilespmem:$0x18200] =	vst v63  }
0x1b6: {  	s28 =	simm.s32 $0xDA00  }
0x1b7: {  	[tilespmem:s28], [sflag:$0x2] =	stream.indirect_vreg.gather [hbm4b:s5+s4], $0x80, v3, vm0, $0xb8;
	[tilespmem:$0x18200] =	vst v63  }
0x1b8: {  	v3 =	vld [tilespmem:$0xB0];
	_ =	sdelay $0x4  }
0x1b9: {  	v55 =	vshll.u32 v3, $0x2  }
0x1ba: {  	v3 =	vand.u32 $0x7, v3;
	v4 =	vand.u32 $0xFFFFFFE0, v55  }
0x1bb: {  	v3 =	vor.u32 v3, v4  }
0x1bc: {  	v4 =	vperm.xlane v3, v0;
	_ =	sdelay $0x1  }
0x1bd: {  	v4 =	vadd.s32 v1, v4;
	_ =	sdelay $0x1  }
0x1be: {  	v3 =	vperm.xlane v3, v2;
	_ =	sdelay $0x1  }
0x1bf: {  	s28 =	simm.s32 $0xE200;
	v3 =	vadd.s32 v1, v3  }
0x1c0: {  	[tilespmem:s28], [sflag:$0x2] =	stream.indirect_vreg.gather [hbm4b:s1+s4], $0x80, v4, vm0, $0xb8;
	[tilespmem:$0x18200] =	vst v63  }
0x1c1: {  	s28 =	simm.s32 $0xEA00  }
0x1c2: {  	[tilespmem:s28], [sflag:$0x2] =	stream.indirect_vreg.gather [hbm4b:s5+s4], $0x80, v4, vm0, $0xb8;
	[tilespmem:$0x18200] =	vst v63  }
0x1c3: {  	s28 =	simm.s32 $0xF200  }
0x1c4: {  	[tilespmem:s28], [sflag:$0x2] =	stream.indirect_vreg.gather [hbm4b:s1+s4], $0x80, v3, vm0, $0xb8;
	[tilespmem:$0x18200] =	vst v63  }
0x1c5: {  	s28 =	simm.s32 $0xFA00  }
0x1c6: {  	[tilespmem:s28], [sflag:$0x2] =	stream.indirect_vreg.gather [hbm4b:s5+s4], $0x80, v3, vm0, $0xb8;
	[tilespmem:$0x18200] =	vst v63  }
0x1c7: {  	_ =	swait.ge [sflag:s16], $0x8000  }
0x1c8: {  	[sflag:s16] =	ssyncset.done $0x0  }
0x1c9: {  	s26 =	rddreg [dreg:$0xf];
	[sflag:s16] =	ssyncadd.s32 $0xFFFF8000  }
0x1ca: {  	[hbm4b:s26+s4] =	stream.linear.scatter [tilespmem:s24], [sflag:$0x3], $0x8000, $0x38;
	[tilespmem:$0x18200] =	vst v63  }
0x1cb: {  	s28 =	rddreg [dreg:$0x10]  }
0x1cc: {  	[tilespmem:s4], [sflag:$0x5] =	stream.linear.gather [hbm4b:s28+s4], $0x40, $0x38;
	[tilespmem:$0x18200] =	vst v63  }
0x1cd: {  	_ =	swait.ge [sflag:s7], $0x40  }
0x1ce: {  	[sflag:s7] =	ssyncset.done $0x0  }
0x1cf: {  	[sflag:s7] =	ssyncadd.s32 $0xFFFFFFC0  }
0x1d0: {  	_ =	swait.ge [sflag:s17], $0x8000  }
0x1d1: {  	[sflag:s17] =	ssyncset.done $0x0  }
0x1d2: {  	[sflag:s17] =	ssyncadd.s32 $0xFFFF8000  }
0x1d3: {  	v3 =	vld [tilespmem:$0x0];
	_ =	sdelay $0x4  }
0x1d4: {  	v56 =	vshll.u32 v3, $0x2  }
0x1d5: {  	v3 =	vand.u32 $0x7, v3;
	v4 =	vand.u32 $0xFFFFFFE0, v56  }
0x1d6: {  	v3 =	vor.u32 v3, v4  }
0x1d7: {  	v4 =	vperm.xlane v3, v0;
	_ =	sdelay $0x1  }
0x1d8: {  	v4 =	vadd.s32 v1, v4;
	_ =	sdelay $0x1  }
0x1d9: {  	v3 =	vperm.xlane v3, v2;
	_ =	sdelay $0x1  }
0x1da: {  	v3 =	vadd.s32 v1, v3  }
0x1db: {  	[tilespmem:s24], [sflag:$0x1] =	stream.indirect_vreg.gather [hbm4b:s1+s4], $0x80, v4, vm0, $0xb8;
	[tilespmem:$0x18200] =	vst v63  }
0x1dc: {  	s28 =	simm.s32 $0xA00  }
0x1dd: {  	[tilespmem:s28], [sflag:$0x1] =	stream.indirect_vreg.gather [hbm4b:s5+s4], $0x80, v4, vm0, $0xb8;
	[tilespmem:$0x18200] =	vst v63  }
0x1de: {  	s28 =	simm.s32 $0x1200  }
0x1df: {  	[tilespmem:s28], [sflag:$0x1] =	stream.indirect_vreg.gather [hbm4b:s1+s4], $0x80, v3, vm0, $0xb8;
	[tilespmem:$0x18200] =	vst v63  }
0x1e0: {  	s28 =	simm.s32 $0x1A00  }
0x1e1: {  	[tilespmem:s28], [sflag:$0x1] =	stream.indirect_vreg.gather [hbm4b:s5+s4], $0x80, v3, vm0, $0xb8;
	[tilespmem:$0x18200] =	vst v63  }
0x1e2: {  	v3 =	vld [tilespmem:$0x10];
	_ =	sdelay $0x4  }
0x1e3: {  	v57 =	vshll.u32 v3, $0x2  }
0x1e4: {  	v3 =	vand.u32 $0x7, v3;
	v4 =	vand.u32 $0xFFFFFFE0, v57  }
0x1e5: {  	v3 =	vor.u32 v3, v4  }
0x1e6: {  	v4 =	vperm.xlane v3, v0;
	_ =	sdelay $0x1  }
0x1e7: {  	v4 =	vadd.s32 v1, v4;
	_ =	sdelay $0x1  }
0x1e8: {  	v3 =	vperm.xlane v3, v2;
	_ =	sdelay $0x1  }
0x1e9: {  	s30 =	simm.s32 $0x2200;
	v3 =	vadd.s32 v1, v3  }
0x1ea: {  	[tilespmem:s30], [sflag:$0x1] =	stream.indirect_vreg.gather [hbm4b:s1+s4], $0x80, v4, vm0, $0xb8;
	[tilespmem:$0x18200] =	vst v63  }
0x1eb: {  	s21 =	simm.s32 $0x2A00  }
0x1ec: {  	[tilespmem:s21], [sflag:$0x1] =	stream.indirect_vreg.gather [hbm4b:s5+s4], $0x80, v4, vm0, $0xb8;
	[tilespmem:$0x18200] =	vst v63  }
0x1ed: {  	s0 =	simm.s32 $0x3200  }
0x1ee: {  	[tilespmem:s0], [sflag:$0x1] =	stream.indirect_vreg.gather [hbm4b:s1+s4], $0x80, v3, vm0, $0xb8;
	[tilespmem:$0x18200] =	vst v63  }
0x1ef: {  	s30 =	simm.s32 $0x3A00  }
0x1f0: {  	[tilespmem:s30], [sflag:$0x1] =	stream.indirect_vreg.gather [hbm4b:s5+s4], $0x80, v3, vm0, $0xb8;
	[tilespmem:$0x18200] =	vst v63  }
0x1f1: {  	v3 =	vld [tilespmem:$0x20];
	_ =	sdelay $0x4  }
0x1f2: {  	v58 =	vshll.u32 v3, $0x2  }
0x1f3: {  	v3 =	vand.u32 $0x7, v3;
	v4 =	vand.u32 $0xFFFFFFE0, v58  }
0x1f4: {  	v3 =	vor.u32 v3, v4  }
0x1f5: {  	v4 =	vperm.xlane v3, v0;
	_ =	sdelay $0x1  }
0x1f6: {  	v4 =	vadd.s32 v1, v4;
	_ =	sdelay $0x1  }
0x1f7: {  	v3 =	vperm.xlane v3, v2;
	_ =	sdelay $0x1  }
0x1f8: {  	s2 =	simm.s32 $0x4200;
	v3 =	vadd.s32 v1, v3  }
0x1f9: {  	[tilespmem:s2], [sflag:$0x1] =	stream.indirect_vreg.gather [hbm4b:s1+s4], $0x80, v4, vm0, $0xb8;
	[tilespmem:$0x18200] =	vst v63  }
0x1fa: {  	s3 =	simm.s32 $0x4A00  }
0x1fb: {  	[tilespmem:s3], [sflag:$0x1] =	stream.indirect_vreg.gather [hbm4b:s5+s4], $0x80, v4, vm0, $0xb8;
	[tilespmem:$0x18200] =	vst v63  }
0x1fc: {  	s8 =	simm.s32 $0x5200  }
0x1fd: {  	[tilespmem:s8], [sflag:$0x1] =	stream.indirect_vreg.gather [hbm4b:s1+s4], $0x80, v3, vm0, $0xb8;
	[tilespmem:$0x18200] =	vst v63  }
0x1fe: {  	s8 =	simm.s32 $0x5A00  }
0x1ff: {  	[tilespmem:s8], [sflag:$0x1] =	stream.indirect_vreg.gather [hbm4b:s5+s4], $0x80, v3, vm0, $0xb8;
	[tilespmem:$0x18200] =	vst v63  }
0x200: {  	v3 =	vld [tilespmem:$0x30];
	_ =	sdelay $0x4  }
0x201: {  	v59 =	vshll.u32 v3, $0x2  }
0x202: {  	v3 =	vand.u32 $0x7, v3;
	v4 =	vand.u32 $0xFFFFFFE0, v59  }
0x203: {  	v3 =	vor.u32 v3, v4  }
0x204: {  	v4 =	vperm.xlane v3, v0;
	_ =	sdelay $0x1  }
0x205: {  	v4 =	vadd.s32 v1, v4;
	_ =	sdelay $0x1  }
0x206: {  	v3 =	vperm.xlane v3, v2;
	_ =	sdelay $0x1  }
0x207: {  	s9 =	simm.s32 $0x6200;
	v3 =	vadd.s32 v1, v3  }
0x208: {  	[tilespmem:s9], [sflag:$0x1] =	stream.indirect_vreg.gather [hbm4b:s1+s4], $0x80, v4, vm0, $0xb8;
	[tilespmem:$0x18200] =	vst v63  }
0x209: {  	s10 =	simm.s32 $0x6A00  }
0x20a: {  	[tilespmem:s10], [sflag:$0x1] =	stream.indirect_vreg.gather [hbm4b:s5+s4], $0x80, v4, vm0, $0xb8;
	[tilespmem:$0x18200] =	vst v63  }
0x20b: {  	s11 =	simm.s32 $0x7200  }
0x20c: {  	[tilespmem:s11], [sflag:$0x1] =	stream.indirect_vreg.gather [hbm4b:s1+s4], $0x80, v3, vm0, $0xb8;
	[tilespmem:$0x18200] =	vst v63  }
0x20d: {  	s31 =	simm.s32 $0x7A00  }
0x20e: {  	[tilespmem:s31], [sflag:$0x1] =	stream.indirect_vreg.gather [hbm4b:s5+s4], $0x80, v3, vm0, $0xb8;
	[tilespmem:$0x18200] =	vst v63  }
0x20f: {  	_ =	swait.ge [sflag:s18], $0x8000  }
0x210: {  	[sflag:s18] =	ssyncset.done $0x0  }
0x211: {  	s10 =	rddreg [dreg:$0x11];
	[sflag:s18] =	ssyncadd.s32 $0xFFFF8000  }
0x212: {  	[hbm4b:s10+s4] =	stream.linear.scatter [tilespmem:s13], [sflag:$0x4], $0x8000, $0x38;
	[tilespmem:$0x18200] =	vst v63  }
0x213: {  	s11 =	rddreg [dreg:$0x12]  }
0x214: {  	[tilespmem:s25], [sflag:$0x5] =	stream.linear.gather [hbm4b:s11+s4], $0x40, $0x38;
	[tilespmem:$0x18200] =	vst v63  }
0x215: {  	_ =	swait.ge [sflag:s7], $0x40  }
0x216: {  	[sflag:s7] =	ssyncset.done $0x0  }
0x217: {  	[sflag:s7] =	ssyncadd.s32 $0xFFFFFFC0  }
0x218: {  	_ =	swait.ge [sflag:s19], $0x8000  }
0x219: {  	[sflag:s19] =	ssyncset.done $0x0  }
0x21a: {  	[sflag:s19] =	ssyncadd.s32 $0xFFFF8000  }
0x21b: {  	v3 =	vld [tilespmem:$0x80];
	_ =	sdelay $0x4  }
0x21c: {  	v60 =	vshll.u32 v3, $0x2  }
0x21d: {  	v3 =	vand.u32 $0x7, v3;
	v4 =	vand.u32 $0xFFFFFFE0, v60  }
0x21e: {  	v3 =	vor.u32 v3, v4  }
0x21f: {  	v4 =	vperm.xlane v3, v0;
	_ =	sdelay $0x1  }
0x220: {  	v4 =	vadd.s32 v1, v4;
	_ =	sdelay $0x1  }
0x221: {  	v3 =	vperm.xlane v3, v2;
	_ =	sdelay $0x1  }
0x222: {  	v3 =	vadd.s32 v1, v3  }
0x223: {  	[tilespmem:s13], [sflag:$0x2] =	stream.indirect_vreg.gather [hbm4b:s1+s4], $0x80, v4, vm0, $0xb8;
	[tilespmem:$0x18200] =	vst v63  }
0x224: {  	s12 =	simm.s32 $0x8A00  }
0x225: {  	[tilespmem:s12], [sflag:$0x2] =	stream.indirect_vreg.gather [hbm4b:s5+s4], $0x80, v4, vm0, $0xb8;
	[tilespmem:$0x18200] =	vst v63  }
0x226: {  	s12 =	simm.s32 $0x9200  }
0x227: {  	[tilespmem:s12], [sflag:$0x2] =	stream.indirect_vreg.gather [hbm4b:s1+s4], $0x80, v3, vm0, $0xb8;
	[tilespmem:$0x18200] =	vst v63  }
0x228: {  	s21 =	simm.s32 $0x9A00  }
0x229: {  	[tilespmem:s21], [sflag:$0x2] =	stream.indirect_vreg.gather [hbm4b:s5+s4], $0x80, v3, vm0, $0xb8;
	[tilespmem:$0x18200] =	vst v63  }
0x22a: {  	v3 =	vld [tilespmem:$0x90];
	_ =	sdelay $0x4  }
0x22b: {  	v61 =	vshll.u32 v3, $0x2  }
0x22c: {  	v3 =	vand.u32 $0x7, v3;
	v4 =	vand.u32 $0xFFFFFFE0, v61  }
0x22d: {  	v3 =	vor.u32 v3, v4  }
0x22e: {  	v4 =	vperm.xlane v3, v0;
	_ =	sdelay $0x1  }
0x22f: {  	v4 =	vadd.s32 v1, v4;
	_ =	sdelay $0x1  }
0x230: {  	v3 =	vperm.xlane v3, v2;
	_ =	sdelay $0x1  }
0x231: {  	s14 =	simm.s32 $0xA200;
	v3 =	vadd.s32 v1, v3  }
0x232: {  	[tilespmem:s14], [sflag:$0x2] =	stream.indirect_vreg.gather [hbm4b:s1+s4], $0x80, v4, vm0, $0xb8;
	[tilespmem:$0x18200] =	vst v63  }
0x233: {  	s23 =	simm.s32 $0xAA00  }
0x234: {  	[tilespmem:s23], [sflag:$0x2] =	stream.indirect_vreg.gather [hbm4b:s5+s4], $0x80, v4, vm0, $0xb8;
	[tilespmem:$0x18200] =	vst v63  }
0x235: {  	s15 =	simm.s32 $0xB200  }
0x236: {  	[tilespmem:s15], [sflag:$0x2] =	stream.indirect_vreg.gather [hbm4b:s1+s4], $0x80, v3, vm0, $0xb8;
	[tilespmem:$0x18200] =	vst v63  }
0x237: {  	s23 =	simm.s32 $0xBA00  }
0x238: {  	[tilespmem:s23], [sflag:$0x2] =	stream.indirect_vreg.gather [hbm4b:s5+s4], $0x80, v3, vm0, $0xb8;
	[tilespmem:$0x18200] =	vst v63  }
0x239: {  	v3 =	vld [tilespmem:$0xA0];
	_ =	sdelay $0x4  }
0x23a: {  	v62 =	vshll.u32 v3, $0x2  }
0x23b: {  	v3 =	vand.u32 $0x7, v3;
	v4 =	vand.u32 $0xFFFFFFE0, v62  }
0x23c: {  	v3 =	vor.u32 v3, v4  }
0x23d: {  	v4 =	vperm.xlane v3, v0;
	_ =	sdelay $0x1  }
0x23e: {  	v4 =	vadd.s32 v1, v4;
	_ =	sdelay $0x1  }
0x23f: {  	v3 =	vperm.xlane v3, v2;
	_ =	sdelay $0x1  }
0x240: {  	s20 =	simm.s32 $0xC200;
	v3 =	vadd.s32 v1, v3  }
0x241: {  	[tilespmem:s20], [sflag:$0x2] =	stream.indirect_vreg.gather [hbm4b:s1+s4], $0x80, v4, vm0, $0xb8;
	[tilespmem:$0x18200] =	vst v63  }
0x242: {  	s22 =	simm.s32 $0xCA00  }
0x243: {  	[tilespmem:s22], [sflag:$0x2] =	stream.indirect_vreg.gather [hbm4b:s5+s4], $0x80, v4, vm0, $0xb8;
	[tilespmem:$0x18200] =	vst v63  }
0x244: {  	s29 =	simm.s32 $0xD200  }
0x245: {  	[tilespmem:s29], [sflag:$0x2] =	stream.indirect_vreg.gather [hbm4b:s1+s4], $0x80, v3, vm0, $0xb8;
	[tilespmem:$0x18200] =	vst v63  }
0x246: {  	s26 =	simm.s32 $0xDA00  }
0x247: {  	[tilespmem:s26], [sflag:$0x2] =	stream.indirect_vreg.gather [hbm4b:s5+s4], $0x80, v3, vm0, $0xb8;
	[tilespmem:$0x18200] =	vst v63  }
0x248: {  	v3 =	vld [tilespmem:$0xB0];
	_ =	sdelay $0x4  }
0x249: {  	v63 =	vshll.u32 v3, $0x2  }
0x24a: {  	v3 =	vand.u32 $0x7, v3;
	v4 =	vand.u32 $0xFFFFFFE0, v63  }
0x24b: {  	v3 =	vor.u32 v3, v4  }
0x24c: {  	v4 =	vperm.xlane v3, v0;
	_ =	sdelay $0x1  }
0x24d: {  	v4 =	vadd.s32 v1, v4;
	_ =	sdelay $0x1  }
0x24e: {  	v3 =	vperm.xlane v3, v2;
	_ =	sdelay $0x1  }
0x24f: {  	s28 =	simm.s32 $0xE200;
	v3 =	vadd.s32 v1, v3  }
0x250: {  	[tilespmem:s28], [sflag:$0x2] =	stream.indirect_vreg.gather [hbm4b:s1+s4], $0x80, v4, vm0, $0xb8;
	[tilespmem:$0x18200] =	vst v63  }
0x251: {  	s29 =	simm.s32 $0xEA00  }
0x252: {  	[tilespmem:s29], [sflag:$0x2] =	stream.indirect_vreg.gather [hbm4b:s5+s4], $0x80, v4, vm0, $0xb8;
	[tilespmem:$0x18200] =	vst v63  }
0x253: {  	s30 =	simm.s32 $0xF200  }
0x254: {  	[tilespmem:s30], [sflag:$0x2] =	stream.indirect_vreg.gather [hbm4b:s1+s4], $0x80, v3, vm0, $0xb8;
	[tilespmem:$0x18200] =	vst v63  }
0x255: {  	s31 =	simm.s32 $0xFA00  }
0x256: {  	[tilespmem:s31], [sflag:$0x2] =	stream.indirect_vreg.gather [hbm4b:s5+s4], $0x80, v3, vm0, $0xb8;
	[tilespmem:$0x18200] =	vst v63  }
0x257: {  	_ =	swait.ge [sflag:s16], $0x8000  }
0x258: {  	[sflag:s16] =	ssyncset.done $0x0  }
0x259: {  	s2 =	rddreg [dreg:$0x13];
	[sflag:s16] =	ssyncadd.s32 $0xFFFF8000  }
0x25a: {  	[hbm4b:s2+s4] =	stream.linear.scatter [tilespmem:s24], [sflag:$0x3], $0x8000, $0x38;
	[tilespmem:$0x18200] =	vst v63  }
0x25b: {  	_ =	swait.ge [sflag:s18], $0x8000  }
0x25c: {  	[sflag:s18] =	ssyncset.done $0x0  }
0x25d: {  	s3 =	rddreg [dreg:$0x14];
	[sflag:s18] =	ssyncadd.s32 $0xFFFF8000  }
0x25e: {  	[hbm4b:s3+s4] =	stream.linear.scatter [tilespmem:s13], [sflag:$0x4], $0x8000, $0x38;
	[tilespmem:$0x18200] =	vst v63  }
0x25f: {  	_ =	swait.ge [sflag:s17], $0x8000  }
0x260: {  	[sflag:s17] =	ssyncset.done $0x0  }
0x261: {  	[sflag:s17] =	ssyncadd.s32 $0xFFFF8000  }
0x262: {  	_ =	swait.ge [sflag:s19], $0x8000  }
0x263: {  	[sflag:s19] =	ssyncset.done $0x0  }
0x264: {  	s9 =	simm.s32 $0x100;
	s8 =	rddreg [dreg:$0x15];
	[sflag:s19] =	ssyncadd.s32 $0xFFFF8000  }
0x265: {  	[tilespmem:s9], [sflag:$0x5] =	stream.linear.gather [hbm4b:s8+s4], $0x80, $0x38;
	[tilespmem:$0x18200] =	vst v63  }
0x266: {  	_ =	swait.ge [sflag:s7], $0x80  }
0x267: {  	[sflag:s7] =	ssyncset.done $0x0  }
0x268: {  	[sflag:s7] =	ssyncadd.s32 $0xFFFFFF80  }
0x269: {  	s12 =	simm.s32 $0x10200;
	s11 =	rddreg [dreg:$0x2]  }
0x26a: {  	[tilespmem:s12], [sflag:$0x1] =	stream.indirect.gather [hbm4b:s11+s25], $0x80, s9, s25, $0xb8;
	[tilespmem:$0x18200] =	vst v63  }
0x26b: {  	s14 =	simm.s32 $0x180;
	s10 =	rddreg [dreg:$0x16]  }
0x26c: {  	[tilespmem:s14], [sflag:$0x5] =	stream.linear.gather [hbm4b:s10+s4], $0x80, $0x38;
	[tilespmem:$0x18200] =	vst v63  }
0x26d: {  	_ =	swait.ge [sflag:s7], $0x80  }
0x26e: {  	[sflag:s7] =	ssyncset.done $0x0  }
0x26f: {  	s15 =	simm.s32 $0x14200;
	[sflag:s7] =	ssyncadd.s32 $0xFFFFFF80  }
0x270: {  	[tilespmem:s15], [sflag:$0x2] =	stream.indirect.gather [hbm4b:s11+s25], $0x80, s14, s25, $0xb8;
	[tilespmem:$0x18200] =	vst v63  }
0x271: {  	_ =	swait.ge [sflag:s16], $0x4000  }
0x272: {  	[sflag:s16] =	ssyncset.done $0x0  }
0x273: {  	s20 =	rddreg [dreg:$0x17];
	[sflag:s16] =	ssyncadd.s32 $0xFFFFC000  }
0x274: {  	[hbm4b:s20+s4] =	stream.linear.scatter [tilespmem:s12], [sflag:$0x3], $0x4000, $0x38;
	[tilespmem:$0x18200] =	vst v63  }
0x275: {  	s21 =	rddreg [dreg:$0x18]  }
0x276: {  	[tilespmem:s9], [sflag:$0x5] =	stream.linear.gather [hbm4b:s21+s4], $0x80, $0x38;
	[tilespmem:$0x18200] =	vst v63  }
0x277: {  	_ =	swait.ge [sflag:s7], $0x80  }
0x278: {  	[sflag:s7] =	ssyncset.done $0x0  }
0x279: {  	[sflag:s7] =	ssyncadd.s32 $0xFFFFFF80  }
0x27a: {  	_ =	swait.ge [sflag:s17], $0x4000  }
0x27b: {  	[sflag:s17] =	ssyncset.done $0x0  }
0x27c: {  	[sflag:s17] =	ssyncadd.s32 $0xFFFFC000  }
0x27d: {  	[tilespmem:s12], [sflag:$0x1] =	stream.indirect.gather [hbm4b:s11+s25], $0x80, s9, s25, $0xb8;
	[tilespmem:$0x18200] =	vst v63  }
0x27e: {  	_ =	swait.ge [sflag:s18], $0x4000  }
0x27f: {  	[sflag:s18] =	ssyncset.done $0x0  }
0x280: {  	s22 =	rddreg [dreg:$0x19];
	[sflag:s18] =	ssyncadd.s32 $0xFFFFC000  }
0x281: {  	[hbm4b:s22+s4] =	stream.linear.scatter [tilespmem:s15], [sflag:$0x4], $0x4000, $0x38;
	[tilespmem:$0x18200] =	vst v63  }
0x282: {  	s23 =	rddreg [dreg:$0x1a]  }
0x283: {  	[tilespmem:s14], [sflag:$0x5] =	stream.linear.gather [hbm4b:s23+s4], $0x80, $0x38;
	[tilespmem:$0x18200] =	vst v63  }
0x284: {  	_ =	swait.ge [sflag:s7], $0x80  }
0x285: {  	[sflag:s7] =	ssyncset.done $0x0  }
0x286: {  	[sflag:s7] =	ssyncadd.s32 $0xFFFFFF80  }
0x287: {  	_ =	swait.ge [sflag:s19], $0x4000  }
0x288: {  	[sflag:s19] =	ssyncset.done $0x0  }
0x289: {  	[sflag:s19] =	ssyncadd.s32 $0xFFFFC000  }
0x28a: {  	[tilespmem:s15], [sflag:$0x2] =	stream.indirect.gather [hbm4b:s11+s25], $0x80, s14, s25, $0xb8;
	[tilespmem:$0x18200] =	vst v63  }
0x28b: {  	_ =	swait.ge [sflag:s16], $0x4000  }
0x28c: {  	[sflag:s16] =	ssyncset.done $0x0  }
0x28d: {  	s30 =	rddreg [dreg:$0x1b];
	[sflag:s16] =	ssyncadd.s32 $0xFFFFC000  }
0x28e: {  	[hbm4b:s30+s4] =	stream.linear.scatter [tilespmem:s12], [sflag:$0x3], $0x4000, $0x38;
	[tilespmem:$0x18200] =	vst v63  }
0x28f: {  	_ =	swait.ge [sflag:s18], $0x4000  }
0x290: {  	[sflag:s18] =	ssyncset.done $0x0  }
0x291: {  	s31 =	rddreg [dreg:$0x1c];
	[sflag:s18] =	ssyncadd.s32 $0xFFFFC000  }
0x292: {  	[hbm4b:s31+s4] =	stream.linear.scatter [tilespmem:s15], [sflag:$0x4], $0x4000, $0x38;
	[tilespmem:$0x18200] =	vst v63  }
0x293: {  	p0 =	sne.s32 s6, $0x1;
	_ =	swait.ge [sflag:s17], $0x4000  }
.Ltmp0:
0x294: {  	[sflag:s17] =	ssyncset.done $0x0;
	(pc) =	sbr.rel @p0 .LBB2_1-.Ltmp0, $4  }
0x295: {  	[sflag:s17] =	ssyncadd.s32 $0xFFFFC000  }
0x296: {  	_ =	swait.ge [sflag:s19], $0x4000  }
0x297: {  	[sflag:s19] =	ssyncset.done $0x0  }
0x298: {  	s6 =	sadd.s32 $0xFFFFFFFF, s6;
	[sflag:s19] =	ssyncadd.s32 $0xFFFFC000  }
0x299: {  	_ =	sfence.sel $0x180000  }
0x29a: {  	[bflag:$0x0] =	sbarrier.arrive $0xFFFF  }
0x29b: {  	_ =	strace $0x9000004A  }
0x29c: {  	s0 =	stileid.u32;
	[bflag:$0x2] =	sbarrier.arrive $0xFFFF  }
0x29d: {  	p0 =	sne.s32 s0, $0x0;
	s0 =	rddreg [dreg:$0x4]  }
0x29e: {  	s0 =	sadd.s32 @!p0 $0x100000, s0  }
0x29f: {  	[sflag:s0] =	ssyncadd.tile.s32 @!p0 $0x1;
	_ =	shalt  }
.Lfunc_end2:
_tile_overlayer_lowered:
.L_overlay_start_2:
0x2a0: {  	(tag) =	ssettag $0x2  }
0x2a1: {  	s0 =	rddreg [dreg:$0x0];
	s2 =	stileid.u32  }
0x2a2: {  	s1 =	rddreg [dreg:$0x1];
	p0 =	sne.s32 s2, $0x0  }
0x2a3: {  	s3 =	rddreg [dreg:$0x2];
	[bflag:$0x3] =	sbarrier.arrive $0xFFFF;
	s2 =	simm.s32 @!p0 $0x1C05  }
0x2a4: {  	[timem:s3], [sflag:s2] =	dma.local @!p0 [hbm:s0], s1  }
0x2a5: {  	s0 =	simm.s32 @!p0 $0x5  }
0x2a6: {  	_ =	swait.ge @!p0 [sflag:s0], s1  }
0x2a7: {  	s1 =	ssub.s32 @!p0 $0x0, s1;
	[sflag:s0] =	ssyncset.done @!p0 $0x0  }
0x2a8: {  	[sflag:s0] =	ssyncadd.s32 @!p0 s1  }
0x2a9: {  	[bflag:$0x3] =	sbarrier.arrive $0xFFFF  }
0x2aa: {  	_ =	shalt  }

</sc_bundles>
